<compile_context>
chip_gen: v7x
topology: tpu7x:2x2x1
jax: 0.10.2.dev20260603
libtpu: 0.0.44.dev20260713+nightly
codegen_flags: <defaults>
</compile_context>

<pallas_src>
import functools

import jax
import jax.numpy as jnp
from jax import lax
from jax.experimental import pallas as pl
from jax.experimental.pallas import tpu as pltpu
from jax.experimental.pallas import tpu_sc as plsc

N = 10000
NP = 10240
E = 320000
D = 128
NC = 2
NS = 16
CH = 80

EPT = E // NS
NCH = EPT // CH
SB = 10
NB = NCH // SB
STR = NP // NS

DPT = E // (NC * NS)
DNCH = DPT // CH
DW = 16
ZR = 16

_mesh = plsc.VectorSubcoreMesh(core_axis_name="c", subcore_axis_name="s")


@functools.partial(
    pl.kernel,
    out_type=jax.ShapeDtypeStruct((NC * NP, D), jnp.float32),
    mesh=_mesh,
    scratch_types=[
        pltpu.VMEM((CH,), jnp.int32),
        pltpu.VMEM((CH, D), jnp.float32),
        pltpu.VMEM((CH, D), jnp.float32),
        pltpu.VMEM_SHARED((NP, D), jnp.float32),
    ],
)
def _deg_sc(dst_h, out_h, idx_v, rows_v, zb_v, acc_s):
    c = lax.axis_index("c")
    s = lax.axis_index("s")
    wid = c * NS + s
    r0 = s * STR

    def ofill(e, _):
        for j in range(D // 16):
            rows_v[e, pl.ds(j * 16, 16)] = jnp.full((16,), 1.0, jnp.float32)
        return 0

    lax.fori_loop(0, CH, ofill, 0)

    def zfill(e, _):
        for j in range(D // 16):
            zb_v[e, pl.ds(j * 16, 16)] = jnp.full((16,), 0.0, jnp.float32)
        return 0

    lax.fori_loop(0, CH, zfill, 0)
    for q in range(STR // CH):
        pltpu.sync_copy(zb_v, acc_s.at[pl.ds(r0 + q * CH, CH)])
    plsc.subcore_barrier()

    def chunk(k, _):
        pltpu.sync_copy(dst_h.at[wid, k], idx_v)
        pltpu.sync_copy(rows_v, acc_s.at[idx_v], add=True)
        return 0

    lax.fori_loop(0, DNCH, chunk, 0)
    plsc.subcore_barrier()
    pltpu.sync_copy(acc_s.at[pl.ds(r0, STR)], out_h.at[pl.ds(c * NP + r0, STR)])


def _prep_body(x_ref, sx_ref, w1_ref, w2_ref, degp_ref, t1_ref, t2_ref):
    deg = degp_ref[0, :, 0:1] + degp_ref[1, :, 0:1] + 1.0
    dinv = lax.rsqrt(deg)
    xb = x_ref[...]
    sb = sx_ref[...]
    w1 = w1_ref[...]
    w2 = w2_ref[...]
    t1_ref[0] = jnp.dot(xb, w1, preferred_element_type=jnp.float32) * dinv
    t1_ref[1] = jnp.dot(sb, w1, preferred_element_type=jnp.float32) * dinv
    t2_ref[0] = jnp.dot(xb, w2, preferred_element_type=jnp.float32)
    t2_ref[1] = jnp.dot(sb, w2, preferred_element_type=jnp.float32)


_BR = 1000


def _prep_call(x, sx, w1, w2, degp):
    return pl.pallas_call(
        _prep_body,
        grid=(N // _BR,),
        in_specs=[
            pl.BlockSpec((_BR, D), lambda i: (i, 0)),
            pl.BlockSpec((_BR, D), lambda i: (i, 0)),
            pl.BlockSpec((D, D), lambda i: (0, 0)),
            pl.BlockSpec((D, D), lambda i: (0, 0)),
            pl.BlockSpec((NC, _BR, DW), lambda i: (0, i, 0)),
        ],
        out_specs=[
            pl.BlockSpec((NC, _BR, D), lambda i: (0, i, 0)),
            pl.BlockSpec((NC, _BR, D), lambda i: (0, i, 0)),
        ],
        out_shape=[
            jax.ShapeDtypeStruct((NC, N, D), jnp.float32),
            jax.ShapeDtypeStruct((NC, N, D), jnp.float32),
        ],
    )(x, sx, w1, w2, degp)


@functools.partial(
    pl.kernel,
    out_type=[
        jax.ShapeDtypeStruct((NC * NP, D), jnp.float32),
        jax.ShapeDtypeStruct((NC * NP, D), jnp.float32),
    ],
    mesh=_mesh,
    scratch_types=[
        pltpu.VMEM((SB, CH), jnp.int32),
        pltpu.VMEM((SB, CH), jnp.int32),
        pltpu.VMEM((CH, 16), jnp.float32),
        pltpu.VMEM((CH, D), jnp.float32),
        pltpu.VMEM_SHARED((NP, D), jnp.float32),
    ],
)
def _agg_sc(t1_h, t2_h, src1_h, dst1_h, src2_h, dst2_h, w_h,
            s1_h, s2_h, isrc_v, idst_v, w0_v, rows0_v, acc_s):
    c = lax.axis_index("c")
    s = lax.axis_index("s")
    r0 = s * STR
    coff = c * NP

    def zero_stripe():
        def zfill(e, _):
            for j in range(D // 16):
                rows0_v[e, pl.ds(j * 16, 16)] = jnp.full((16,), 0.0,
                                                         jnp.float32)
            return 0

        lax.fori_loop(0, CH, zfill, 0)
        for q in range(STR // CH):
            pltpu.sync_copy(rows0_v, acc_s.at[pl.ds(r0 + q * CH, CH)])

    def edge_pass(src_h, dst_h, tbl_h, weighted):
        def block(b, _):
            pltpu.sync_copy(src_h.at[s, b], isrc_v)
            pltpu.sync_copy(dst_h.at[s, b], idst_v)

            def adj(k, _):
                for j in range(CH // 16):
                    sl = pl.ds(j * 16, 16)
                    isrc_v[k, sl] = isrc_v[k, sl] + coff
                return 0

            lax.fori_loop(0, SB, adj, 0)

            def chunk(k, _):
                pltpu.sync_copy(tbl_h.at[isrc_v.at[k]], rows0_v)
                if weighted:
                    pltpu.sync_copy(w_h.at[s, b * SB + k], w0_v)

                    def mul_e(e, _):
                        wf = w0_v[e, :]
                        for j in range(D // 16):
                            sl = pl.ds(j * 16, 16)
                            rows0_v[e, sl] = rows0_v[e, sl] * wf
                        return 0

                    lax.fori_loop(0, CH, mul_e, 0)
                pltpu.sync_copy(rows0_v, acc_s.at[idst_v.at[k]], add=True)
                return 0

            lax.fori_loop(0, SB, chunk, 0)
            return 0

        lax.fori_loop(0, NB, block, 0)

    def stripe_out(out_h):
        pltpu.sync_copy(acc_s.at[pl.ds(r0, STR)],
                        out_h.at[pl.ds(coff + r0, STR)])

    zero_stripe()
    plsc.subcore_barrier()
    edge_pass(src1_h, dst1_h, t1_h, False)
    plsc.subcore_barrier()
    stripe_out(s1_h)
    zero_stripe()
    plsc.subcore_barrier()
    edge_pass(src2_h, dst2_h, t2_h, True)
    plsc.subcore_barrier()
    stripe_out(s2_h)


def _read_body(s1_ref, s2_ref, t1_ref, degp_ref, b1_ref, b2_ref, pa_ref,
               wb_ref, bb_ref, o_ref):
    deg = degp_ref[0, :, 0:1] + degp_ref[1, :, 0:1] + 1.0
    dinv = lax.rsqrt(deg)
    a = pa_ref[0, 0]

    def pr(z):
        return jnp.where(z > 0, z, a * z)

    h1 = pr((s1_ref[0] + t1_ref[0]) * dinv + b1_ref[...])
    h3 = pr((s1_ref[1] + t1_ref[1]) * dinv + b1_ref[...])
    h2 = pr(s2_ref[0] + b2_ref[...])
    h4 = pr(s2_ref[1] + b2_ref[...])
    c1 = jax.nn.sigmoid(jnp.mean(h1, axis=1, keepdims=True))
    c2 = jax.nn.sigmoid(jnp.mean(h2, axis=1, keepdims=True))
    u = jnp.sum(wb_ref[...], axis=1, keepdims=True)
    bbs = bb_ref[0, 0]
    q1 = jnp.dot(h1, u, preferred_element_type=jnp.float32)
    q2 = jnp.dot(h2, u, preferred_element_type=jnp.float32)
    q3 = jnp.dot(h3, u, preferred_element_type=jnp.float32)
    q4 = jnp.dot(h4, u, preferred_element_type=jnp.float32)
    o_ref[:, 0:1] = c1 * q2 + bbs
    o_ref[:, 1:2] = c2 * q1 + bbs
    o_ref[:, 2:3] = c1 * q4 + bbs
    o_ref[:, 3:4] = c2 * q3 + bbs


def _read_call(s1, s2, t1, degp, b1, b2, pa, wb, bb):
    return pl.pallas_call(
        _read_body,
        grid=(N // _BR,),
        in_specs=[
            pl.BlockSpec((NC, _BR, D), lambda i: (0, i, 0)),
            pl.BlockSpec((NC, _BR, D), lambda i: (0, i, 0)),
            pl.BlockSpec((NC, _BR, D), lambda i: (0, i, 0)),
            pl.BlockSpec((NC, _BR, DW), lambda i: (0, i, 0)),
            pl.BlockSpec((1, D), lambda i: (0, 0)),
            pl.BlockSpec((1, D), lambda i: (0, 0)),
            pl.BlockSpec((1, 1), lambda i: (0, 0)),
            pl.BlockSpec((D, D), lambda i: (0, 0)),
            pl.BlockSpec((1, 1), lambda i: (0, 0)),
        ],
        out_specs=pl.BlockSpec((_BR, 4), lambda i: (i, 0)),
        out_shape=jax.ShapeDtypeStruct((N, 4), jnp.float32),
    )(s1, s2, t1, degp, b1, b2, pa, wb, bb)


def kernel(x, edge_index, diff_edge_index, diff_edge_weight, shuf_x,
           W1, b1, W2, b2, prelu_a, Wb, bb):
    src1 = edge_index[0].astype(jnp.int32).reshape(NS, NB, SB, CH)
    dst1 = edge_index[1].astype(jnp.int32).reshape(NS, NB, SB, CH)
    src2 = diff_edge_index[0].astype(jnp.int32).reshape(NS, NB, SB, CH)
    dst2 = diff_edge_index[1].astype(jnp.int32).reshape(NS, NB, SB, CH)
    wv = jnp.broadcast_to(
        diff_edge_weight.astype(jnp.float32).reshape(E, 1),
        (E, 16)).reshape(NS, NCH, CH, 16)
    dstd = edge_index[1].astype(jnp.int32).reshape(NC * NS, DNCH, CH)

    degp = _deg_sc(dstd).reshape(NC, NP, D)[:, :N, :DW]
    t1, t2 = _prep_call(x, shuf_x, W1, W2, degp)
    pad = ((0, 0), (0, NP - N), (0, 0))
    s1, s2 = _agg_sc(jnp.pad(t1, pad).reshape(NC * NP, D),
                     jnp.pad(t2, pad).reshape(NC * NP, D),
                     src1, dst1, src2, dst2, wv)
    out = _read_call(s1.reshape(NC, NP, D)[:, :N],
                     s2.reshape(NC, NP, D)[:, :N], t1, degp,
                     b1.reshape(1, D), b2.reshape(1, D),
                     prelu_a.reshape(1, 1), Wb.reshape(D, D),
                     bb.reshape(1, 1))
    return jnp.transpose(out).reshape(4 * N)

# --- scband reference (transcript-rebuilt; emitter-appended) ---
"""Pipeline reference for scband-mvgrl-2894807958091 (READ-ONLY COPY).

The authoritative reference and input builder live on the scoring server;
editing this copy changes nothing except your own understanding.
"""

import jax, jax.numpy as jnp
import numpy as np

N_NODES = 10000
N_EDGES = 320000
D_IN = 128
D_OUT = 128


def prelu(x, a):
    return jnp.where(x > 0, x, a * x)


def gcn_conv_norm(x, edge_index, W, b, num_nodes):
    # GCNConv with symmetric normalization and added self-loops
    src, dst = edge_index[0], edge_index[1]
    loop = jnp.arange(num_nodes, dtype=src.dtype)
    src = jnp.concatenate([src, loop])
    dst = jnp.concatenate([dst, loop])
    deg = jnp.zeros((num_nodes,), x.dtype).at[dst].add(1.0)
    dinv = jnp.where(deg > 0, deg ** -0.5, 0.0)
    norm = dinv[src] * dinv[dst]
    h = x @ W
    msg = h[src] * norm[:, None]
    out = jax.ops.segment_sum(msg, dst, num_segments=num_nodes)
    return out + b


def gcn_conv_weighted(x, edge_index, edge_weight, W, b, num_nodes):
    # GCNConv with normalize=False: propagate with precomputed diffusion edge weights
    src, dst = edge_index[0], edge_index[1]
    h = x @ W
    msg = h[src] * edge_weight[:, None]
    out = jax.ops.segment_sum(msg, dst, num_segments=num_nodes)
    return out + b


def bilinear(h, c, Wb, bb):
    # nn.Bilinear(D, D, 1): out[n, o] = sum_de h[n,d] * Wb[o,d,e] * c[n,e] + bb[o]
    return jnp.einsum('nd,ode,ne->no', h, Wb, c) + bb


def setup_inputs(seed: int = 0) -> dict:
    key = jax.random.key(seed)
    ks = jax.random.split(key, 12)
    x = jax.random.normal(ks[0], (N_NODES, D_IN), dtype=jnp.float32)
    edge_index = jax.random.randint(ks[1], (2, N_EDGES), 0, N_NODES, dtype=jnp.int64)
    diff_edge_index = jax.random.randint(ks[2], (2, N_EDGES), 0, N_NODES, dtype=jnp.int64)
    diff_edge_weight = jax.random.uniform(ks[3], (N_EDGES,), dtype=jnp.float32)
    shuf_x = jax.random.normal(ks[4], (N_NODES, D_IN), dtype=jnp.float32)
    s1 = 1.0 / np.sqrt(D_IN)
    W1 = jax.random.uniform(ks[5], (D_IN, D_OUT), dtype=jnp.float32, minval=-s1, maxval=s1)
    b1 = jnp.zeros((D_OUT,), dtype=jnp.float32)
    W2 = jax.random.uniform(ks[6], (D_IN, D_OUT), dtype=jnp.float32, minval=-s1, maxval=s1)
    b2 = jnp.zeros((D_OUT,), dtype=jnp.float32)
    prelu_a = jnp.array(0.25, dtype=jnp.float32)
    sb = 1.0 / np.sqrt(D_OUT)
    Wb = jax.random.uniform(ks[7], (1, D_OUT, D_OUT), dtype=jnp.float32, minval=-sb, maxval=sb)
    bb = jax.random.uniform(ks[8], (1,), dtype=jnp.float32, minval=-sb, maxval=sb)
    return {
        'x': x, 'edge_index': edge_index, 'diff_edge_index': diff_edge_index,
        'diff_edge_weight': diff_edge_weight, 'shuf_x': shuf_x,
        'W1': W1, 'b1': b1, 'W2': W2, 'b2': b2,
        'prelu_a': prelu_a, 'Wb': Wb, 'bb': bb,
    }


def reference(x, edge_index, diff_edge_index, diff_edge_weight, shuf_x, W1, b1, W2, b2, prelu_a, Wb, bb):
    n = x.shape[0]
    h1 = prelu(gcn_conv_norm(x, edge_index, W1, b1, n), prelu_a)
    h2 = prelu(gcn_conv_weighted(x, diff_edge_index, diff_edge_weight, W2, b2, n), prelu_a)
    h3 = prelu(gcn_conv_norm(shuf_x, edge_index, W1, b1, n), prelu_a)
    h4 = prelu(gcn_conv_weighted(shuf_x, diff_edge_index, diff_edge_weight, W2, b2, n), prelu_a)
    c1 = jax.nn.sigmoid(jnp.mean(h1, axis=1, keepdims=True))
    c2 = jax.nn.sigmoid(jnp.mean(h2, axis=1, keepdims=True))
    d = h1.shape[1]
    c_x1 = jnp.broadcast_to(c1, (n, d))
    c_x2 = jnp.broadcast_to(c2, (n, d))
    sc1 = bilinear(h2, c_x1, Wb, bb)
    sc2 = bilinear(h1, c_x2, Wb, bb)
    sc3 = bilinear(h4, c_x1, Wb, bb)
    sc4 = bilinear(h3, c_x2, Wb, bb)
    logits = jnp.concatenate([sc1, sc2, sc3, sc4], axis=0).flatten()
    return logits

if __name__ == "__main__":
    import jax
    _d = setup_inputs()
    print(jax.jit(kernel)(*tuple(_d.values())))

</pallas_src>

<mosaic_0001>
#map = affine_map<(d0, d1) -> (0, 0, 0)>
#map1 = affine_map<(d0, d1) -> (0, 0)>
module attributes {stable_mosaic.version = 14 : i64} {
  func.func @_deg_sc(%arg0: i32, %arg1: i32, %arg2: memref<32x125x80xi32, #tpu.memory_space<hbm>>, %arg3: memref<20480x128xf32, #tpu.memory_space<hbm>>, %arg4: memref<80xi32, #tpu.memory_space<vmem>>, %arg5: memref<80x128xf32, #tpu.memory_space<vmem>>, %arg6: memref<80x128xf32, #tpu.memory_space<vmem>>, %arg7: memref<10240x128xf32, #tpu.memory_space<vmem_shared>>) attributes {dimension_semantics = [#tpu.dimension_semantics<core_parallel>, #tpu.dimension_semantics<subcore_parallel>], iteration_bounds = array<i64: 2, 16>, scalar_prefetch = 0 : i64, scratch_operands = 4 : i64, tpu.core_type = #tpu.core_type<sc_vector_subcore>, window_params = [{transform_indices = #map}, {transform_indices = #map1}]} {
    %mul3A = arith.constant 16 : i32
    %mul3A_0 = arith.muli %arg0, %mul3A : i32
    %add3A = arith.addi %mul3A_0, %arg1 : i32
    %mul3A_1 = arith.constant 640 : i32
    %mul3A_2 = arith.muli %arg1, %mul3A_1 : i32
    %scan3A = arith.constant 0 : i32
    %scan3A_3 = arith.constant 0 : i32
    %scan3A_4 = arith.constant 80 : i32
    %scan3A_5 = arith.addi %scan3A_3, %scan3A_4 : i32
    %scan3A_6 = arith.constant 1 : i32
    %scan3A_7 = scf.for %scan3A_43 = %scan3A_3 to %scan3A_5 step %scan3A_6 iter_args(%scan3A_44 = %scan3A) -> (i32)  : i32 {
      %broadcast_in_dim3A = arith.constant 1.000000e+00 : f32
      %broadcast_in_dim3A_45 = vector.broadcast %broadcast_in_dim3A : f32 to vector<16xf32>
      %swap3A = arith.index_cast %scan3A_43 : i32 to index
      %swap3A_46 = arith.constant 0 : index
      %swap3A_47 = tpu.vector_load %arg5[%swap3A, %swap3A_46] {strides = array<i32>} : memref<80x128xf32, #tpu.memory_space<vmem>>, vector<1x16xf32>,
      %swap3A_48 = vector.shape_cast %swap3A_47 : vector<1x16xf32> to vector<16xf32>
      %swap3A_49 = vector.shape_cast %broadcast_in_dim3A_45 : vector<16xf32> to vector<1x16xf32>
      tpu.vector_store %arg5[%swap3A, %swap3A_46], %swap3A_49 {strides = array<i32>} : memref<80x128xf32, #tpu.memory_space<vmem>>, vector<1x16xf32>,
      %broadcast_in_dim3A_50 = arith.constant 1.000000e+00 : f32
      %broadcast_in_dim3A_51 = vector.broadcast %broadcast_in_dim3A_50 : f32 to vector<16xf32>
      %swap3A_52 = arith.index_cast %scan3A_43 : i32 to index
      %swap3A_53 = arith.constant 16 : index
      %swap3A_54 = tpu.vector_load %arg5[%swap3A_52, %swap3A_53] {strides = array<i32>} : memref<80x128xf32, #tpu.memory_space<vmem>>, vector<1x16xf32>,
      %swap3A_55 = vector.shape_cast %swap3A_54 : vector<1x16xf32> to vector<16xf32>
      %swap3A_56 = vector.shape_cast %broadcast_in_dim3A_51 : vector<16xf32> to vector<1x16xf32>
      tpu.vector_store %arg5[%swap3A_52, %swap3A_53], %swap3A_56 {strides = array<i32>} : memref<80x128xf32, #tpu.memory_space<vmem>>, vector<1x16xf32>,
      %broadcast_in_dim3A_57 = arith.constant 1.000000e+00 : f32
      %broadcast_in_dim3A_58 = vector.broadcast %broadcast_in_dim3A_57 : f32 to vector<16xf32>
      %swap3A_59 = arith.index_cast %scan3A_43 : i32 to index
      %swap3A_60 = arith.constant 32 : index
      %swap3A_61 = tpu.vector_load %arg5[%swap3A_59, %swap3A_60] {strides = array<i32>} : memref<80x128xf32, #tpu.memory_space<vmem>>, vector<1x16xf32>,
      %swap3A_62 = vector.shape_cast %swap3A_61 : vector<1x16xf32> to vector<16xf32>
      %swap3A_63 = vector.shape_cast %broadcast_in_dim3A_58 : vector<16xf32> to vector<1x16xf32>
      tpu.vector_store %arg5[%swap3A_59, %swap3A_60], %swap3A_63 {strides = array<i32>} : memref<80x128xf32, #tpu.memory_space<vmem>>, vector<1x16xf32>,
      %broadcast_in_dim3A_64 = arith.constant 1.000000e+00 : f32
      %broadcast_in_dim3A_65 = vector.broadcast %broadcast_in_dim3A_64 : f32 to vector<16xf32>
      %swap3A_66 = arith.index_cast %scan3A_43 : i32 to index
      %swap3A_67 = arith.constant 48 : index
      %swap3A_68 = tpu.vector_load %arg5[%swap3A_66, %swap3A_67] {strides = array<i32>} : memref<80x128xf32, #tpu.memory_space<vmem>>, vector<1x16xf32>,
      %swap3A_69 = vector.shape_cast %swap3A_68 : vector<1x16xf32> to vector<16xf32>
      %swap3A_70 = vector.shape_cast %broadcast_in_dim3A_65 : vector<16xf32> to vector<1x16xf32>
      tpu.vector_store %arg5[%swap3A_66, %swap3A_67], %swap3A_70 {strides = array<i32>} : memref<80x128xf32, #tpu.memory_space<vmem>>, vector<1x16xf32>,
      %broadcast_in_dim3A_71 = arith.constant 1.000000e+00 : f32
      %broadcast_in_dim3A_72 = vector.broadcast %broadcast_in_dim3A_71 : f32 to vector<16xf32>
      %swap3A_73 = arith.index_cast %scan3A_43 : i32 to index
      %swap3A_74 = arith.constant 64 : index
      %swap3A_75 = tpu.vector_load %arg5[%swap3A_73, %swap3A_74] {strides = array<i32>} : memref<80x128xf32, #tpu.memory_space<vmem>>, vector<1x16xf32>,
      %swap3A_76 = vector.shape_cast %swap3A_75 : vector<1x16xf32> to vector<16xf32>
      %swap3A_77 = vector.shape_cast %broadcast_in_dim3A_72 : vector<16xf32> to vector<1x16xf32>
      tpu.vector_store %arg5[%swap3A_73, %swap3A_74], %swap3A_77 {strides = array<i32>} : memref<80x128xf32, #tpu.memory_space<vmem>>, vector<1x16xf32>,
      %broadcast_in_dim3A_78 = arith.constant 1.000000e+00 : f32
      %broadcast_in_dim3A_79 = vector.broadcast %broadcast_in_dim3A_78 : f32 to vector<16xf32>
      %swap3A_80 = arith.index_cast %scan3A_43 : i32 to index
      %swap3A_81 = arith.constant 80 : index
      %swap3A_82 = tpu.vector_load %arg5[%swap3A_80, %swap3A_81] {strides = array<i32>} : memref<80x128xf32, #tpu.memory_space<vmem>>, vector<1x16xf32>,
      %swap3A_83 = vector.shape_cast %swap3A_82 : vector<1x16xf32> to vector<16xf32>
      %swap3A_84 = vector.shape_cast %broadcast_in_dim3A_79 : vector<16xf32> to vector<1x16xf32>
      tpu.vector_store %arg5[%swap3A_80, %swap3A_81], %swap3A_84 {strides = array<i32>} : memref<80x128xf32, #tpu.memory_space<vmem>>, vector<1x16xf32>,
      %broadcast_in_dim3A_85 = arith.constant 1.000000e+00 : f32
      %broadcast_in_dim3A_86 = vector.broadcast %broadcast_in_dim3A_85 : f32 to vector<16xf32>
      %swap3A_87 = arith.index_cast %scan3A_43 : i32 to index
      %swap3A_88 = arith.constant 96 : index
      %swap3A_89 = tpu.vector_load %arg5[%swap3A_87, %swap3A_88] {strides = array<i32>} : memref<80x128xf32, #tpu.memory_space<vmem>>, vector<1x16xf32>,
      %swap3A_90 = vector.shape_cast %swap3A_89 : vector<1x16xf32> to vector<16xf32>
      %swap3A_91 = vector.shape_cast %broadcast_in_dim3A_86 : vector<16xf32> to vector<1x16xf32>
      tpu.vector_store %arg5[%swap3A_87, %swap3A_88], %swap3A_91 {strides = array<i32>} : memref<80x128xf32, #tpu.memory_space<vmem>>, vector<1x16xf32>,
      %broadcast_in_dim3A_92 = arith.constant 1.000000e+00 : f32
      %broadcast_in_dim3A_93 = vector.broadcast %broadcast_in_dim3A_92 : f32 to vector<16xf32>
      %swap3A_94 = arith.index_cast %scan3A_43 : i32 to index
      %swap3A_95 = arith.constant 112 : index
      %swap3A_96 = tpu.vector_load %arg5[%swap3A_94, %swap3A_95] {strides = array<i32>} : memref<80x128xf32, #tpu.memory_space<vmem>>, vector<1x16xf32>,
      %swap3A_97 = vector.shape_cast %swap3A_96 : vector<1x16xf32> to vector<16xf32>
      %swap3A_98 = vector.shape_cast %broadcast_in_dim3A_93 : vector<16xf32> to vector<1x16xf32>
      tpu.vector_store %arg5[%swap3A_94, %swap3A_95], %swap3A_98 {strides = array<i32>} : memref<80x128xf32, #tpu.memory_space<vmem>>, vector<1x16xf32>,
      %scan3A_99 = arith.constant 0 : i32
      scf.yield %scan3A_99 : i32
    }
    %scan3A_8 = arith.constant 80 : i32
    %scan3A_9 = arith.constant 0 : i32
    %scan3A_10 = arith.constant 0 : i32
    %scan3A_11 = arith.constant 80 : i32
    %scan3A_12 = arith.addi %scan3A_10, %scan3A_11 : i32
    %scan3A_13 = arith.constant 1 : i32
    %scan3A_14 = scf.for %scan3A_43 = %scan3A_10 to %scan3A_12 step %scan3A_13 iter_args(%scan3A_44 = %scan3A_9) -> (i32)  : i32 {
      %broadcast_in_dim3A = arith.constant 0.000000e+00 : f32
      %broadcast_in_dim3A_45 = vector.broadcast %broadcast_in_dim3A : f32 to vector<16xf32>
      %swap3A = arith.index_cast %scan3A_43 : i32 to index
      %swap3A_46 = arith.constant 0 : index
      %swap3A_47 = tpu.vector_load %arg6[%swap3A, %swap3A_46] {strides = array<i32>} : memref<80x128xf32, #tpu.memory_space<vmem>>, vector<1x16xf32>,
      %swap3A_48 = vector.shape_cast %swap3A_47 : vector<1x16xf32> to vector<16xf32>
      %swap3A_49 = vector.shape_cast %broadcast_in_dim3A_45 : vector<16xf32> to vector<1x16xf32>
      tpu.vector_store %arg6[%swap3A, %swap3A_46], %swap3A_49 {strides = array<i32>} : memref<80x128xf32, #tpu.memory_space<vmem>>, vector<1x16xf32>,
      %broadcast_in_dim3A_50 = arith.constant 0.000000e+00 : f32
      %broadcast_in_dim3A_51 = vector.broadcast %broadcast_in_dim3A_50 : f32 to vector<16xf32>
      %swap3A_52 = arith.index_cast %scan3A_43 : i32 to index
      %swap3A_53 = arith.constant 16 : index
      %swap3A_54 = tpu.vector_load %arg6[%swap3A_52, %swap3A_53] {strides = array<i32>} : memref<80x128xf32, #tpu.memory_space<vmem>>, vector<1x16xf32>,
      %swap3A_55 = vector.shape_cast %swap3A_54 : vector<1x16xf32> to vector<16xf32>
      %swap3A_56 = vector.shape_cast %broadcast_in_dim3A_51 : vector<16xf32> to vector<1x16xf32>
      tpu.vector_store %arg6[%swap3A_52, %swap3A_53], %swap3A_56 {strides = array<i32>} : memref<80x128xf32, #tpu.memory_space<vmem>>, vector<1x16xf32>,
      %broadcast_in_dim3A_57 = arith.constant 0.000000e+00 : f32
      %broadcast_in_dim3A_58 = vector.broadcast %broadcast_in_dim3A_57 : f32 to vector<16xf32>
      %swap3A_59 = arith.index_cast %scan3A_43 : i32 to index
      %swap3A_60 = arith.constant 32 : index
      %swap3A_61 = tpu.vector_load %arg6[%swap3A_59, %swap3A_60] {strides = array<i32>} : memref<80x128xf32, #tpu.memory_space<vmem>>, vector<1x16xf32>,
      %swap3A_62 = vector.shape_cast %swap3A_61 : vector<1x16xf32> to vector<16xf32>
      %swap3A_63 = vector.shape_cast %broadcast_in_dim3A_58 : vector<16xf32> to vector<1x16xf32>
      tpu.vector_store %arg6[%swap3A_59, %swap3A_60], %swap3A_63 {strides = array<i32>} : memref<80x128xf32, #tpu.memory_space<vmem>>, vector<1x16xf32>,
      %broadcast_in_dim3A_64 = arith.constant 0.000000e+00 : f32
      %broadcast_in_dim3A_65 = vector.broadcast %broadcast_in_dim3A_64 : f32 to vector<16xf32>
      %swap3A_66 = arith.index_cast %scan3A_43 : i32 to index
      %swap3A_67 = arith.constant 48 : index
      %swap3A_68 = tpu.vector_load %arg6[%swap3A_66, %swap3A_67] {strides = array<i32>} : memref<80x128xf32, #tpu.memory_space<vmem>>, vector<1x16xf32>,
      %swap3A_69 = vector.shape_cast %swap3A_68 : vector<1x16xf32> to vector<16xf32>
      %swap3A_70 = vector.shape_cast %broadcast_in_dim3A_65 : vector<16xf32> to vector<1x16xf32>
      tpu.vector_store %arg6[%swap3A_66, %swap3A_67], %swap3A_70 {strides = array<i32>} : memref<80x128xf32, #tpu.memory_space<vmem>>, vector<1x16xf32>,
      %broadcast_in_dim3A_71 = arith.constant 0.000000e+00 : f32
      %broadcast_in_dim3A_72 = vector.broadcast %broadcast_in_dim3A_71 : f32 to vector<16xf32>
      %swap3A_73 = arith.index_cast %scan3A_43 : i32 to index
      %swap3A_74 = arith.constant 64 : index
      %swap3A_75 = tpu.vector_load %arg6[%swap3A_73, %swap3A_74] {strides = array<i32>} : memref<80x128xf32, #tpu.memory_space<vmem>>, vector<1x16xf32>,
      %swap3A_76 = vector.shape_cast %swap3A_75 : vector<1x16xf32> to vector<16xf32>
      %swap3A_77 = vector.shape_cast %broadcast_in_dim3A_72 : vector<16xf32> to vector<1x16xf32>
      tpu.vector_store %arg6[%swap3A_73, %swap3A_74], %swap3A_77 {strides = array<i32>} : memref<80x128xf32, #tpu.memory_space<vmem>>, vector<1x16xf32>,
      %broadcast_in_dim3A_78 = arith.constant 0.000000e+00 : f32
      %broadcast_in_dim3A_79 = vector.broadcast %broadcast_in_dim3A_78 : f32 to vector<16xf32>
      %swap3A_80 = arith.index_cast %scan3A_43 : i32 to index
      %swap3A_81 = arith.constant 80 : index
      %swap3A_82 = tpu.vector_load %arg6[%swap3A_80, %swap3A_81] {strides = array<i32>} : memref<80x128xf32, #tpu.memory_space<vmem>>, vector<1x16xf32>,
      %swap3A_83 = vector.shape_cast %swap3A_82 : vector<1x16xf32> to vector<16xf32>
      %swap3A_84 = vector.shape_cast %broadcast_in_dim3A_79 : vector<16xf32> to vector<1x16xf32>
      tpu.vector_store %arg6[%swap3A_80, %swap3A_81], %swap3A_84 {strides = array<i32>} : memref<80x128xf32, #tpu.memory_space<vmem>>, vector<1x16xf32>,
      %broadcast_in_dim3A_85 = arith.constant 0.000000e+00 : f32
      %broadcast_in_dim3A_86 = vector.broadcast %broadcast_in_dim3A_85 : f32 to vector<16xf32>
      %swap3A_87 = arith.index_cast %scan3A_43 : i32 to index
      %swap3A_88 = arith.constant 96 : index
      %swap3A_89 = tpu.vector_load %arg6[%swap3A_87, %swap3A_88] {strides = array<i32>} : memref<80x128xf32, #tpu.memory_space<vmem>>, vector<1x16xf32>,
      %swap3A_90 = vector.shape_cast %swap3A_89 : vector<1x16xf32> to vector<16xf32>
      %swap3A_91 = vector.shape_cast %broadcast_in_dim3A_86 : vector<16xf32> to vector<1x16xf32>
      tpu.vector_store %arg6[%swap3A_87, %swap3A_88], %swap3A_91 {strides = array<i32>} : memref<80x128xf32, #tpu.memory_space<vmem>>, vector<1x16xf32>,
      %broadcast_in_dim3A_92 = arith.constant 0.000000e+00 : f32
      %broadcast_in_dim3A_93 = vector.broadcast %broadcast_in_dim3A_92 : f32 to vector<16xf32>
      %swap3A_94 = arith.index_cast %scan3A_43 : i32 to index
      %swap3A_95 = arith.constant 112 : index
      %swap3A_96 = tpu.vector_load %arg6[%swap3A_94, %swap3A_95] {strides = array<i32>} : memref<80x128xf32, #tpu.memory_space<vmem>>, vector<1x16xf32>,
      %swap3A_97 = vector.shape_cast %swap3A_96 : vector<1x16xf32> to vector<16xf32>
      %swap3A_98 = vector.shape_cast %broadcast_in_dim3A_93 : vector<16xf32> to vector<1x16xf32>
      tpu.vector_store %arg6[%swap3A_94, %swap3A_95], %swap3A_98 {strides = array<i32>} : memref<80x128xf32, #tpu.memory_space<vmem>>, vector<1x16xf32>,
      %scan3A_99 = arith.constant 0 : i32
      scf.yield %scan3A_99 : i32
    }
    %scan3A_15 = arith.constant 80 : i32
    %add3A_16 = arith.constant 0 : i32
    %add3A_17 = arith.addi %mul3A_2, %add3A_16 : i32
    "tpu.region"() ({
      %run_scoped3A = tpu.sem_alloc : memref<!tpu.dma_semaphore, #tpu.memory_space<semaphore_mem>>
      %dma_start3A = arith.constant 0 : i32
      %dma_start3A_43 = tpu.memref_slice %arg7[%add3A_17, %dma_start3A] : memref<10240x128xf32, #tpu.memory_space<vmem_shared>> -> memref<80x128xf32, #tpu.memory_space<vmem_shared>>
      %dma_start3A_44 = arith.constant 0 : i32
      %dma_start3A_45 = tpu.memref_slice %arg7[%add3A_17, %dma_start3A_44] : memref<10240x128xf32, #tpu.memory_space<vmem_shared>> -> memref<80x128xf32, #tpu.memory_space<vmem_shared>>
      tpu.enqueue_dma source(%arg6 : memref<80x128xf32, #tpu.memory_space<vmem>>) target(%dma_start3A_45 : memref<80x128xf32, #tpu.memory_space<vmem_shared>>) target_semaphore(%run_scoped3A : memref<!tpu.dma_semaphore, #tpu.memory_space<semaphore_mem>>)
      %dma_wait3A = arith.constant 0 : i32
      %dma_wait3A_46 = tpu.memref_slice %arg7[%add3A_17, %dma_wait3A] : memref<10240x128xf32, #tpu.memory_space<vmem_shared>> -> memref<80x128xf32, #tpu.memory_space<vmem_shared>>
      %dma_wait3A_47 = arith.constant 0 : i32
      %dma_wait3A_48 = tpu.memref_slice %arg7[%add3A_17, %dma_wait3A_47] : memref<10240x128xf32, #tpu.memory_space<vmem_shared>> -> memref<80x128xf32, #tpu.memory_space<vmem_shared>>
      tpu.wait_dma2 semaphore(%run_scoped3A : memref<!tpu.dma_semaphore, #tpu.memory_space<semaphore_mem>>) src(%arg6 : memref<80x128xf32, #tpu.memory_space<vmem>>) dst(%dma_wait3A_48 : memref<80x128xf32, #tpu.memory_space<vmem_shared>>)
      tpu.yield
    }) : () -> ()
    %add3A_18 = arith.constant 80 : i32
    %add3A_19 = arith.addi %mul3A_2, %add3A_18 : i32
    "tpu.region"() ({
      %run_scoped3A = tpu.sem_alloc : memref<!tpu.dma_semaphore, #tpu.memory_space<semaphore_mem>>
      %dma_start3A = arith.constant 0 : i32
      %dma_start3A_43 = tpu.memref_slice %arg7[%add3A_19, %dma_start3A] : memref<10240x128xf32, #tpu.memory_space<vmem_shared>> -> memref<80x128xf32, #tpu.memory_space<vmem_shared>>
      %dma_start3A_44 = arith.constant 0 : i32
      %dma_start3A_45 = tpu.memref_slice %arg7[%add3A_19, %dma_start3A_44] : memref<10240x128xf32, #tpu.memory_space<vmem_shared>> -> memref<80x128xf32, #tpu.memory_space<vmem_shared>>
      tpu.enqueue_dma source(%arg6 : memref<80x128xf32, #tpu.memory_space<vmem>>) target(%dma_start3A_45 : memref<80x128xf32, #tpu.memory_space<vmem_shared>>) target_semaphore(%run_scoped3A : memref<!tpu.dma_semaphore, #tpu.memory_space<semaphore_mem>>)
      %dma_wait3A = arith.constant 0 : i32
      %dma_wait3A_46 = tpu.memref_slice %arg7[%add3A_19, %dma_wait3A] : memref<10240x128xf32, #tpu.memory_space<vmem_shared>> -> memref<80x128xf32, #tpu.memory_space<vmem_shared>>
      %dma_wait3A_47 = arith.constant 0 : i32
      %dma_wait3A_48 = tpu.memref_slice %arg7[%add3A_19, %dma_wait3A_47] : memref<10240x128xf32, #tpu.memory_space<vmem_shared>> -> memref<80x128xf32, #tpu.memory_space<vmem_shared>>
      tpu.wait_dma2 semaphore(%run_scoped3A : memref<!tpu.dma_semaphore, #tpu.memory_space<semaphore_mem>>) src(%arg6 : memref<80x128xf32, #tpu.memory_space<vmem>>) dst(%dma_wait3A_48 : memref<80x128xf32, #tpu.memory_space<vmem_shared>>)
      tpu.yield
    }) : () -> ()
    %add3A_20 = arith.constant 160 : i32
    %add3A_21 = arith.addi %mul3A_2, %add3A_20 : i32
    "tpu.region"() ({
      %run_scoped3A = tpu.sem_alloc : memref<!tpu.dma_semaphore, #tpu.memory_space<semaphore_mem>>
      %dma_start3A = arith.constant 0 : i32
      %dma_start3A_43 = tpu.memref_slice %arg7[%add3A_21, %dma_start3A] : memref<10240x128xf32, #tpu.memory_space<vmem_shared>> -> memref<80x128xf32, #tpu.memory_space<vmem_shared>>
      %dma_start3A_44 = arith.constant 0 : i32
      %dma_start3A_45 = tpu.memref_slice %arg7[%add3A_21, %dma_start3A_44] : memref<10240x128xf32, #tpu.memory_space<vmem_shared>> -> memref<80x128xf32, #tpu.memory_space<vmem_shared>>
      tpu.enqueue_dma source(%arg6 : memref<80x128xf32, #tpu.memory_space<vmem>>) target(%dma_start3A_45 : memref<80x128xf32, #tpu.memory_space<vmem_shared>>) target_semaphore(%run_scoped3A : memref<!tpu.dma_semaphore, #tpu.memory_space<semaphore_mem>>)
      %dma_wait3A = arith.constant 0 : i32
      %dma_wait3A_46 = tpu.memref_slice %arg7[%add3A_21, %dma_wait3A] : memref<10240x128xf32, #tpu.memory_space<vmem_shared>> -> memref<80x128xf32, #tpu.memory_space<vmem_shared>>
      %dma_wait3A_47 = arith.constant 0 : i32
      %dma_wait3A_48 = tpu.memref_slice %arg7[%add3A_21, %dma_wait3A_47] : memref<10240x128xf32, #tpu.memory_space<vmem_shared>> -> memref<80x128xf32, #tpu.memory_space<vmem_shared>>
      tpu.wait_dma2 semaphore(%run_scoped3A : memref<!tpu.dma_semaphore, #tpu.memory_space<semaphore_mem>>) src(%arg6 : memref<80x128xf32, #tpu.memory_space<vmem>>) dst(%dma_wait3A_48 : memref<80x128xf32, #tpu.memory_space<vmem_shared>>)
      tpu.yield
    }) : () -> ()
    %add3A_22 = arith.constant 240 : i32
    %add3A_23 = arith.addi %mul3A_2, %add3A_22 : i32
    "tpu.region"() ({
      %run_scoped3A = tpu.sem_alloc : memref<!tpu.dma_semaphore, #tpu.memory_space<semaphore_mem>>
      %dma_start3A = arith.constant 0 : i32
      %dma_start3A_43 = tpu.memref_slice %arg7[%add3A_23, %dma_start3A] : memref<10240x128xf32, #tpu.memory_space<vmem_shared>> -> memref<80x128xf32, #tpu.memory_space<vmem_shared>>
      %dma_start3A_44 = arith.constant 0 : i32
      %dma_start3A_45 = tpu.memref_slice %arg7[%add3A_23, %dma_start3A_44] : memref<10240x128xf32, #tpu.memory_space<vmem_shared>> -> memref<80x128xf32, #tpu.memory_space<vmem_shared>>
      tpu.enqueue_dma source(%arg6 : memref<80x128xf32, #tpu.memory_space<vmem>>) target(%dma_start3A_45 : memref<80x128xf32, #tpu.memory_space<vmem_shared>>) target_semaphore(%run_scoped3A : memref<!tpu.dma_semaphore, #tpu.memory_space<semaphore_mem>>)
      %dma_wait3A = arith.constant 0 : i32
      %dma_wait3A_46 = tpu.memref_slice %arg7[%add3A_23, %dma_wait3A] : memref<10240x128xf32, #tpu.memory_space<vmem_shared>> -> memref<80x128xf32, #tpu.memory_space<vmem_shared>>
      %dma_wait3A_47 = arith.constant 0 : i32
      %dma_wait3A_48 = tpu.memref_slice %arg7[%add3A_23, %dma_wait3A_47] : memref<10240x128xf32, #tpu.memory_space<vmem_shared>> -> memref<80x128xf32, #tpu.memory_space<vmem_shared>>
      tpu.wait_dma2 semaphore(%run_scoped3A : memref<!tpu.dma_semaphore, #tpu.memory_space<semaphore_mem>>) src(%arg6 : memref<80x128xf32, #tpu.memory_space<vmem>>) dst(%dma_wait3A_48 : memref<80x128xf32, #tpu.memory_space<vmem_shared>>)
      tpu.yield
    }) : () -> ()
    %add3A_24 = arith.constant 320 : i32
    %add3A_25 = arith.addi %mul3A_2, %add3A_24 : i32
    "tpu.region"() ({
      %run_scoped3A = tpu.sem_alloc : memref<!tpu.dma_semaphore, #tpu.memory_space<semaphore_mem>>
      %dma_start3A = arith.constant 0 : i32
      %dma_start3A_43 = tpu.memref_slice %arg7[%add3A_25, %dma_start3A] : memref<10240x128xf32, #tpu.memory_space<vmem_shared>> -> memref<80x128xf32, #tpu.memory_space<vmem_shared>>
      %dma_start3A_44 = arith.constant 0 : i32
      %dma_start3A_45 = tpu.memref_slice %arg7[%add3A_25, %dma_start3A_44] : memref<10240x128xf32, #tpu.memory_space<vmem_shared>> -> memref<80x128xf32, #tpu.memory_space<vmem_shared>>
      tpu.enqueue_dma source(%arg6 : memref<80x128xf32, #tpu.memory_space<vmem>>) target(%dma_start3A_45 : memref<80x128xf32, #tpu.memory_space<vmem_shared>>) target_semaphore(%run_scoped3A : memref<!tpu.dma_semaphore, #tpu.memory_space<semaphore_mem>>)
      %dma_wait3A = arith.constant 0 : i32
      %dma_wait3A_46 = tpu.memref_slice %arg7[%add3A_25, %dma_wait3A] : memref<10240x128xf32, #tpu.memory_space<vmem_shared>> -> memref<80x128xf32, #tpu.memory_space<vmem_shared>>
      %dma_wait3A_47 = arith.constant 0 : i32
      %dma_wait3A_48 = tpu.memref_slice %arg7[%add3A_25, %dma_wait3A_47] : memref<10240x128xf32, #tpu.memory_space<vmem_shared>> -> memref<80x128xf32, #tpu.memory_space<vmem_shared>>
      tpu.wait_dma2 semaphore(%run_scoped3A : memref<!tpu.dma_semaphore, #tpu.memory_space<semaphore_mem>>) src(%arg6 : memref<80x128xf32, #tpu.memory_space<vmem>>) dst(%dma_wait3A_48 : memref<80x128xf32, #tpu.memory_space<vmem_shared>>)
      tpu.yield
    }) : () -> ()
    %add3A_26 = arith.constant 400 : i32
    %add3A_27 = arith.addi %mul3A_2, %add3A_26 : i32
    "tpu.region"() ({
      %run_scoped3A = tpu.sem_alloc : memref<!tpu.dma_semaphore, #tpu.memory_space<semaphore_mem>>
      %dma_start3A = arith.constant 0 : i32
      %dma_start3A_43 = tpu.memref_slice %arg7[%add3A_27, %dma_start3A] : memref<10240x128xf32, #tpu.memory_space<vmem_shared>> -> memref<80x128xf32, #tpu.memory_space<vmem_shared>>
      %dma_start3A_44 = arith.constant 0 : i32
      %dma_start3A_45 = tpu.memref_slice %arg7[%add3A_27, %dma_start3A_44] : memref<10240x128xf32, #tpu.memory_space<vmem_shared>> -> memref<80x128xf32, #tpu.memory_space<vmem_shared>>
      tpu.enqueue_dma source(%arg6 : memref<80x128xf32, #tpu.memory_space<vmem>>) target(%dma_start3A_45 : memref<80x128xf32, #tpu.memory_space<vmem_shared>>) target_semaphore(%run_scoped3A : memref<!tpu.dma_semaphore, #tpu.memory_space<semaphore_mem>>)
      %dma_wait3A = arith.constant 0 : i32
      %dma_wait3A_46 = tpu.memref_slice %arg7[%add3A_27, %dma_wait3A] : memref<10240x128xf32, #tpu.memory_space<vmem_shared>> -> memref<80x128xf32, #tpu.memory_space<vmem_shared>>
      %dma_wait3A_47 = arith.constant 0 : i32
      %dma_wait3A_48 = tpu.memref_slice %arg7[%add3A_27, %dma_wait3A_47] : memref<10240x128xf32, #tpu.memory_space<vmem_shared>> -> memref<80x128xf32, #tpu.memory_space<vmem_shared>>
      tpu.wait_dma2 semaphore(%run_scoped3A : memref<!tpu.dma_semaphore, #tpu.memory_space<semaphore_mem>>) src(%arg6 : memref<80x128xf32, #tpu.memory_space<vmem>>) dst(%dma_wait3A_48 : memref<80x128xf32, #tpu.memory_space<vmem_shared>>)
      tpu.yield
    }) : () -> ()
    %add3A_28 = arith.constant 480 : i32
    %add3A_29 = arith.addi %mul3A_2, %add3A_28 : i32
    "tpu.region"() ({
      %run_scoped3A = tpu.sem_alloc : memref<!tpu.dma_semaphore, #tpu.memory_space<semaphore_mem>>
      %dma_start3A = arith.constant 0 : i32
      %dma_start3A_43 = tpu.memref_slice %arg7[%add3A_29, %dma_start3A] : memref<10240x128xf32, #tpu.memory_space<vmem_shared>> -> memref<80x128xf32, #tpu.memory_space<vmem_shared>>
      %dma_start3A_44 = arith.constant 0 : i32
      %dma_start3A_45 = tpu.memref_slice %arg7[%add3A_29, %dma_start3A_44] : memref<10240x128xf32, #tpu.memory_space<vmem_shared>> -> memref<80x128xf32, #tpu.memory_space<vmem_shared>>
      tpu.enqueue_dma source(%arg6 : memref<80x128xf32, #tpu.memory_space<vmem>>) target(%dma_start3A_45 : memref<80x128xf32, #tpu.memory_space<vmem_shared>>) target_semaphore(%run_scoped3A : memref<!tpu.dma_semaphore, #tpu.memory_space<semaphore_mem>>)
      %dma_wait3A = arith.constant 0 : i32
      %dma_wait3A_46 = tpu.memref_slice %arg7[%add3A_29, %dma_wait3A] : memref<10240x128xf32, #tpu.memory_space<vmem_shared>> -> memref<80x128xf32, #tpu.memory_space<vmem_shared>>
      %dma_wait3A_47 = arith.constant 0 : i32
      %dma_wait3A_48 = tpu.memref_slice %arg7[%add3A_29, %dma_wait3A_47] : memref<10240x128xf32, #tpu.memory_space<vmem_shared>> -> memref<80x128xf32, #tpu.memory_space<vmem_shared>>
      tpu.wait_dma2 semaphore(%run_scoped3A : memref<!tpu.dma_semaphore, #tpu.memory_space<semaphore_mem>>) src(%arg6 : memref<80x128xf32, #tpu.memory_space<vmem>>) dst(%dma_wait3A_48 : memref<80x128xf32, #tpu.memory_space<vmem_shared>>)
      tpu.yield
    }) : () -> ()
    %add3A_30 = arith.constant 560 : i32
    %add3A_31 = arith.addi %mul3A_2, %add3A_30 : i32
    "tpu.region"() ({
      %run_scoped3A = tpu.sem_alloc : memref<!tpu.dma_semaphore, #tpu.memory_space<semaphore_mem>>
      %dma_start3A = arith.constant 0 : i32
      %dma_start3A_43 = tpu.memref_slice %arg7[%add3A_31, %dma_start3A] : memref<10240x128xf32, #tpu.memory_space<vmem_shared>> -> memref<80x128xf32, #tpu.memory_space<vmem_shared>>
      %dma_start3A_44 = arith.constant 0 : i32
      %dma_start3A_45 = tpu.memref_slice %arg7[%add3A_31, %dma_start3A_44] : memref<10240x128xf32, #tpu.memory_space<vmem_shared>> -> memref<80x128xf32, #tpu.memory_space<vmem_shared>>
      tpu.enqueue_dma source(%arg6 : memref<80x128xf32, #tpu.memory_space<vmem>>) target(%dma_start3A_45 : memref<80x128xf32, #tpu.memory_space<vmem_shared>>) target_semaphore(%run_scoped3A : memref<!tpu.dma_semaphore, #tpu.memory_space<semaphore_mem>>)
      %dma_wait3A = arith.constant 0 : i32
      %dma_wait3A_46 = tpu.memref_slice %arg7[%add3A_31, %dma_wait3A] : memref<10240x128xf32, #tpu.memory_space<vmem_shared>> -> memref<80x128xf32, #tpu.memory_space<vmem_shared>>
      %dma_wait3A_47 = arith.constant 0 : i32
      %dma_wait3A_48 = tpu.memref_slice %arg7[%add3A_31, %dma_wait3A_47] : memref<10240x128xf32, #tpu.memory_space<vmem_shared>> -> memref<80x128xf32, #tpu.memory_space<vmem_shared>>
      tpu.wait_dma2 semaphore(%run_scoped3A : memref<!tpu.dma_semaphore, #tpu.memory_space<semaphore_mem>>) src(%arg6 : memref<80x128xf32, #tpu.memory_space<vmem>>) dst(%dma_wait3A_48 : memref<80x128xf32, #tpu.memory_space<vmem_shared>>)
      tpu.yield
    }) : () -> ()
    %barrier3A = arith.constant 0 : index
    tpu.barrier barrier_id(%barrier3A)
    %scan3A_32 = arith.constant 0 : i32
    %scan3A_33 = arith.constant 0 : i32
    %scan3A_34 = arith.constant 125 : i32
    %scan3A_35 = arith.addi %scan3A_33, %scan3A_34 : i32
    %scan3A_36 = arith.constant 1 : i32
    %scan3A_37 = scf.for %scan3A_43 = %scan3A_33 to %scan3A_35 step %scan3A_36 iter_args(%scan3A_44 = %scan3A_32) -> (i32)  : i32 {
      "tpu.region"() ({
        %run_scoped3A = tpu.sem_alloc : memref<!tpu.dma_semaphore, #tpu.memory_space<semaphore_mem>>
        %dma_start3A = arith.constant 0 : i32
        %dma_start3A_46 = tpu.memref_slice %arg2[%add3A, %scan3A_43, %dma_start3A] : memref<32x125x80xi32, #tpu.memory_space<hbm>> -> memref<1x1x80xi32, #tpu.memory_space<hbm>>
        %dma_start3A_47 = tpu.memref_squeeze %dma_start3A_46 : memref<1x1x80xi32, #tpu.memory_space<hbm>> -> memref<80xi32, #tpu.memory_space<hbm>>
        %dma_start3A_48 = arith.constant 0 : i32
        %dma_start3A_49 = tpu.memref_slice %arg2[%add3A, %scan3A_43, %dma_start3A_48] : memref<32x125x80xi32, #tpu.memory_space<hbm>> -> memref<1x1x80xi32, #tpu.memory_space<hbm>>
        %dma_start3A_50 = tpu.memref_squeeze %dma_start3A_49 : memref<1x1x80xi32, #tpu.memory_space<hbm>> -> memref<80xi32, #tpu.memory_space<hbm>>
        tpu.enqueue_dma source(%dma_start3A_50 : memref<80xi32, #tpu.memory_space<hbm>>) target(%arg4 : memref<80xi32, #tpu.memory_space<vmem>>) target_semaphore(%run_scoped3A : memref<!tpu.dma_semaphore, #tpu.memory_space<semaphore_mem>>)
        %dma_wait3A = arith.constant 0 : i32
        %dma_wait3A_51 = tpu.memref_slice %arg2[%add3A, %scan3A_43, %dma_wait3A] : memref<32x125x80xi32, #tpu.memory_space<hbm>> -> memref<1x1x80xi32, #tpu.memory_space<hbm>>
        %dma_wait3A_52 = tpu.memref_squeeze %dma_wait3A_51 : memref<1x1x80xi32, #tpu.memory_space<hbm>> -> memref<80xi32, #tpu.memory_space<hbm>>
        %dma_wait3A_53 = arith.constant 0 : i32
        %dma_wait3A_54 = tpu.memref_slice %arg2[%add3A, %scan3A_43, %dma_wait3A_53] : memref<32x125x80xi32, #tpu.memory_space<hbm>> -> memref<1x1x80xi32, #tpu.memory_space<hbm>>
        %dma_wait3A_55 = tpu.memref_squeeze %dma_wait3A_54 : memref<1x1x80xi32, #tpu.memory_space<hbm>> -> memref<80xi32, #tpu.memory_space<hbm>>
        tpu.wait_dma2 semaphore(%run_scoped3A : memref<!tpu.dma_semaphore, #tpu.memory_space<semaphore_mem>>) src(%dma_wait3A_55 : memref<80xi32, #tpu.memory_space<hbm>>) dst(%arg4 : memref<80xi32, #tpu.memory_space<vmem>>)
        tpu.yield
      }) : () -> ()
      "tpu.region"() ({
        %run_scoped3A = tpu.sem_alloc : memref<!tpu.dma_semaphore, #tpu.memory_space<semaphore_mem>>
        %dma_start3A = arith.constant 0 : i32
        %dma_start3A_46 = arith.constant 0 : i32
        %dma_start3A_47 = tpu.memref_slice %arg7[%dma_start3A, %dma_start3A_46] : memref<10240x128xf32, #tpu.memory_space<vmem_shared>> -> memref<10240x128xf32, #tpu.memory_space<vmem_shared>>
        tpu.enqueue_indirect_dma source(%arg5 : memref<80x128xf32, #tpu.memory_space<vmem>>) target(%dma_start3A_47 : memref<10240x128xf32, #tpu.memory_space<vmem_shared>>) offsets(%arg4 : memref<80xi32, #tpu.memory_space<vmem>>) semaphore(%run_scoped3A : memref<!tpu.dma_semaphore, #tpu.memory_space<semaphore_mem>>) {add = true}
        %dma_wait3A = arith.constant 0 : i32
        %dma_wait3A_48 = arith.constant 0 : i32
        %dma_wait3A_49 = tpu.memref_slice %arg7[%dma_wait3A, %dma_wait3A_48] : memref<10240x128xf32, #tpu.memory_space<vmem_shared>> -> memref<10240x128xf32, #tpu.memory_space<vmem_shared>>
        tpu.wait_indirect_dma semaphore(%run_scoped3A : memref<!tpu.dma_semaphore, #tpu.memory_space<semaphore_mem>>) src(%arg5 : memref<80x128xf32, #tpu.memory_space<vmem>>) dst(%dma_wait3A_49 : memref<10240x128xf32, #tpu.memory_space<vmem_shared>>)
        tpu.yield
      }) : () -> ()
      %scan3A_45 = arith.constant 0 : i32
      scf.yield %scan3A_45 : i32
    }
    %scan3A_38 = arith.constant 125 : i32
    %barrier3A_39 = arith.constant 0 : index
    tpu.barrier barrier_id(%barrier3A_39)
    %mul3A_40 = arith.constant 10240 : i32
    %mul3A_41 = arith.muli %arg0, %mul3A_40 : i32
    %add3A_42 = arith.addi %mul3A_41, %mul3A_2 : i32
    "tpu.region"() ({
      %run_scoped3A = tpu.sem_alloc : memref<!tpu.dma_semaphore, #tpu.memory_space<semaphore_mem>>
      %dma_start3A = arith.constant 0 : i32
      %dma_start3A_43 = tpu.memref_slice %arg3[%add3A_42, %dma_start3A] : memref<20480x128xf32, #tpu.memory_space<hbm>> -> memref<640x128xf32, #tpu.memory_space<hbm>>
      %dma_start3A_44 = arith.constant 0 : i32
      %dma_start3A_45 = tpu.memref_slice %arg7[%mul3A_2, %dma_start3A_44] : memref<10240x128xf32, #tpu.memory_space<vmem_shared>> -> memref<640x128xf32, #tpu.memory_space<vmem_shared>>
      tpu.enqueue_dma source(%dma_start3A_45 : memref<640x128xf32, #tpu.memory_space<vmem_shared>>) target(%dma_start3A_43 : memref<640x128xf32, #tpu.memory_space<hbm>>) target_semaphore(%run_scoped3A : memref<!tpu.dma_semaphore, #tpu.memory_space<semaphore_mem>>)
      %dma_wait3A = arith.constant 0 : i32
      %dma_wait3A_46 = tpu.memref_slice %arg3[%add3A_42, %dma_wait3A] : memref<20480x128xf32, #tpu.memory_space<hbm>> -> memref<640x128xf32, #tpu.memory_space<hbm>>
      %dma_wait3A_47 = arith.constant 0 : i32
      %dma_wait3A_48 = tpu.memref_slice %arg7[%mul3A_2, %dma_wait3A_47] : memref<10240x128xf32, #tpu.memory_space<vmem_shared>> -> memref<640x128xf32, #tpu.memory_space<vmem_shared>>
      tpu.wait_dma2 semaphore(%run_scoped3A : memref<!tpu.dma_semaphore, #tpu.memory_space<semaphore_mem>>) src(%dma_wait3A_48 : memref<640x128xf32, #tpu.memory_space<vmem_shared>>) dst(%dma_wait3A_46 : memref<640x128xf32, #tpu.memory_space<hbm>>)
      tpu.yield
    }) : () -> ()
    return
  }
}

#map = affine_map<(d0, d1) -> (0, 0)>
#map1 = affine_map<(d0, d1) -> (0, 0, 0, 0)>
module attributes {stable_mosaic.version = 14 : i64} {
  func.func @_agg_sc(%arg0: i32, %arg1: i32, %arg2: memref<20480x128xf32, #tpu.memory_space<hbm>>, %arg3: memref<20480x128xf32, #tpu.memory_space<hbm>>, %arg4: memref<16x25x10x80xi32, #tpu.memory_space<hbm>>, %arg5: memref<16x25x10x80xi32, #tpu.memory_space<hbm>>, %arg6: memref<16x25x10x80xi32, #tpu.memory_space<hbm>>, %arg7: memref<16x25x10x80xi32, #tpu.memory_space<hbm>>, %arg8: memref<16x250x80x16xf32, #tpu.memory_space<hbm>>, %arg9: memref<20480x128xf32, #tpu.memory_space<hbm>>, %arg10: memref<20480x128xf32, #tpu.memory_space<hbm>>, %arg11: memref<10x80xi32, #tpu.memory_space<vmem>>, %arg12: memref<10x80xi32, #tpu.memory_space<vmem>>, %arg13: memref<80x16xf32, #tpu.memory_space<vmem>>, %arg14: memref<80x128xf32, #tpu.memory_space<vmem>>, %arg15: memref<10240x128xf32, #tpu.memory_space<vmem_shared>>) attributes {dimension_semantics = [#tpu.dimension_semantics<core_parallel>, #tpu.dimension_semantics<subcore_parallel>], iteration_bounds = array<i64: 2, 16>, scalar_prefetch = 0 : i64, scratch_operands = 5 : i64, tpu.core_type = #tpu.core_type<sc_vector_subcore>, window_params = [{transform_indices = #map}, {transform_indices = #map}, {transform_indices = #map1}, {transform_indices = #map1}, {transform_indices = #map1}, {transform_indices = #map1}, {transform_indices = #map1}, {transform_indices = #map}, {transform_indices = #map}]} {
    %mul3A = arith.constant 640 : i32
    %mul3A_0 = arith.muli %arg1, %mul3A : i32
    %mul3A_1 = arith.constant 10240 : i32
    %mul3A_2 = arith.muli %arg0, %mul3A_1 : i32
    %scan3A = arith.constant 0 : i32
    %scan3A_3 = arith.constant 0 : i32
    %scan3A_4 = arith.constant 80 : i32
    %scan3A_5 = arith.addi %scan3A_3, %scan3A_4 : i32
    %scan3A_6 = arith.constant 1 : i32
    %scan3A_7 = scf.for %scan3A_66 = %scan3A_3 to %scan3A_5 step %scan3A_6 iter_args(%scan3A_67 = %scan3A) -> (i32)  : i32 {
      %broadcast_in_dim3A = arith.constant 0.000000e+00 : f32
      %broadcast_in_dim3A_68 = vector.broadcast %broadcast_in_dim3A : f32 to vector<16xf32>
      %swap3A = arith.index_cast %scan3A_66 : i32 to index
      %swap3A_69 = arith.constant 0 : index
      %swap3A_70 = tpu.vector_load %arg14[%swap3A, %swap3A_69] {strides = array<i32>} : memref<80x128xf32, #tpu.memory_space<vmem>>, vector<1x16xf32>,
      %swap3A_71 = vector.shape_cast %swap3A_70 : vector<1x16xf32> to vector<16xf32>
      %swap3A_72 = vector.shape_cast %broadcast_in_dim3A_68 : vector<16xf32> to vector<1x16xf32>
      tpu.vector_store %arg14[%swap3A, %swap3A_69], %swap3A_72 {strides = array<i32>} : memref<80x128xf32, #tpu.memory_space<vmem>>, vector<1x16xf32>,
      %broadcast_in_dim3A_73 = arith.constant 0.000000e+00 : f32
      %broadcast_in_dim3A_74 = vector.broadcast %broadcast_in_dim3A_73 : f32 to vector<16xf32>
      %swap3A_75 = arith.index_cast %scan3A_66 : i32 to index
      %swap3A_76 = arith.constant 16 : index
      %swap3A_77 = tpu.vector_load %arg14[%swap3A_75, %swap3A_76] {strides = array<i32>} : memref<80x128xf32, #tpu.memory_space<vmem>>, vector<1x16xf32>,
      %swap3A_78 = vector.shape_cast %swap3A_77 : vector<1x16xf32> to vector<16xf32>
      %swap3A_79 = vector.shape_cast %broadcast_in_dim3A_74 : vector<16xf32> to vector<1x16xf32>
      tpu.vector_store %arg14[%swap3A_75, %swap3A_76], %swap3A_79 {strides = array<i32>} : memref<80x128xf32, #tpu.memory_space<vmem>>, vector<1x16xf32>,
      %broadcast_in_dim3A_80 = arith.constant 0.000000e+00 : f32
      %broadcast_in_dim3A_81 = vector.broadcast %broadcast_in_dim3A_80 : f32 to vector<16xf32>
      %swap3A_82 = arith.index_cast %scan3A_66 : i32 to index
      %swap3A_83 = arith.constant 32 : index
      %swap3A_84 = tpu.vector_load %arg14[%swap3A_82, %swap3A_83] {strides = array<i32>} : memref<80x128xf32, #tpu.memory_space<vmem>>, vector<1x16xf32>,
      %swap3A_85 = vector.shape_cast %swap3A_84 : vector<1x16xf32> to vector<16xf32>
      %swap3A_86 = vector.shape_cast %broadcast_in_dim3A_81 : vector<16xf32> to vector<1x16xf32>
      tpu.vector_store %arg14[%swap3A_82, %swap3A_83], %swap3A_86 {strides = array<i32>} : memref<80x128xf32, #tpu.memory_space<vmem>>, vector<1x16xf32>,
      %broadcast_in_dim3A_87 = arith.constant 0.000000e+00 : f32
      %broadcast_in_dim3A_88 = vector.broadcast %broadcast_in_dim3A_87 : f32 to vector<16xf32>
      %swap3A_89 = arith.index_cast %scan3A_66 : i32 to index
      %swap3A_90 = arith.constant 48 : index
      %swap3A_91 = tpu.vector_load %arg14[%swap3A_89, %swap3A_90] {strides = array<i32>} : memref<80x128xf32, #tpu.memory_space<vmem>>, vector<1x16xf32>,
      %swap3A_92 = vector.shape_cast %swap3A_91 : vector<1x16xf32> to vector<16xf32>
      %swap3A_93 = vector.shape_cast %broadcast_in_dim3A_88 : vector<16xf32> to vector<1x16xf32>
      tpu.vector_store %arg14[%swap3A_89, %swap3A_90], %swap3A_93 {strides = array<i32>} : memref<80x128xf32, #tpu.memory_space<vmem>>, vector<1x16xf32>,
      %broadcast_in_dim3A_94 = arith.constant 0.000000e+00 : f32
      %broadcast_in_dim3A_95 = vector.broadcast %broadcast_in_dim3A_94 : f32 to vector<16xf32>
      %swap3A_96 = arith.index_cast %scan3A_66 : i32 to index
      %swap3A_97 = arith.constant 64 : index
      %swap3A_98 = tpu.vector_load %arg14[%swap3A_96, %swap3A_97] {strides = array<i32>} : memref<80x128xf32, #tpu.memory_space<vmem>>, vector<1x16xf32>,
      %swap3A_99 = vector.shape_cast %swap3A_98 : vector<1x16xf32> to vector<16xf32>
      %swap3A_100 = vector.shape_cast %broadcast_in_dim3A_95 : vector<16xf32> to vector<1x16xf32>
      tpu.vector_store %arg14[%swap3A_96, %swap3A_97], %swap3A_100 {strides = array<i32>} : memref<80x128xf32, #tpu.memory_space<vmem>>, vector<1x16xf32>,
      %broadcast_in_dim3A_101 = arith.constant 0.000000e+00 : f32
      %broadcast_in_dim3A_102 = vector.broadcast %broadcast_in_dim3A_101 : f32 to vector<16xf32>
      %swap3A_103 = arith.index_cast %scan3A_66 : i32 to index
      %swap3A_104 = arith.constant 80 : index
      %swap3A_105 = tpu.vector_load %arg14[%swap3A_103, %swap3A_104] {strides = array<i32>} : memref<80x128xf32, #tpu.memory_space<vmem>>, vector<1x16xf32>,
      %swap3A_106 = vector.shape_cast %swap3A_105 : vector<1x16xf32> to vector<16xf32>
      %swap3A_107 = vector.shape_cast %broadcast_in_dim3A_102 : vector<16xf32> to vector<1x16xf32>
      tpu.vector_store %arg14[%swap3A_103, %swap3A_104], %swap3A_107 {strides = array<i32>} : memref<80x128xf32, #tpu.memory_space<vmem>>, vector<1x16xf32>,
      %broadcast_in_dim3A_108 = arith.constant 0.000000e+00 : f32
      %broadcast_in_dim3A_109 = vector.broadcast %broadcast_in_dim3A_108 : f32 to vector<16xf32>
      %swap3A_110 = arith.index_cast %scan3A_66 : i32 to index
      %swap3A_111 = arith.constant 96 : index
      %swap3A_112 = tpu.vector_load %arg14[%swap3A_110, %swap3A_111] {strides = array<i32>} : memref<80x128xf32, #tpu.memory_space<vmem>>, vector<1x16xf32>,
      %swap3A_113 = vector.shape_cast %swap3A_112 : vector<1x16xf32> to vector<16xf32>
      %swap3A_114 = vector.shape_cast %broadcast_in_dim3A_109 : vector<16xf32> to vector<1x16xf32>
      tpu.vector_store %arg14[%swap3A_110, %swap3A_111], %swap3A_114 {strides = array<i32>} : memref<80x128xf32, #tpu.memory_space<vmem>>, vector<1x16xf32>,
      %broadcast_in_dim3A_115 = arith.constant 0.000000e+00 : f32
      %broadcast_in_dim3A_116 = vector.broadcast %broadcast_in_dim3A_115 : f32 to vector<16xf32>
      %swap3A_117 = arith.index_cast %scan3A_66 : i32 to index
      %swap3A_118 = arith.constant 112 : index
      %swap3A_119 = tpu.vector_load %arg14[%swap3A_117, %swap3A_118] {strides = array<i32>} : memref<80x128xf32, #tpu.memory_space<vmem>>, vector<1x16xf32>,
      %swap3A_120 = vector.shape_cast %swap3A_119 : vector<1x16xf32> to vector<16xf32>
      %swap3A_121 = vector.shape_cast %broadcast_in_dim3A_116 : vector<16xf32> to vector<1x16xf32>
      tpu.vector_store %arg14[%swap3A_117, %swap3A_118], %swap3A_121 {strides = array<i32>} : memref<80x128xf32, #tpu.memory_space<vmem>>, vector<1x16xf32>,
      %scan3A_122 = arith.constant 0 : i32
      scf.yield %scan3A_122 : i32
    }
    %scan3A_8 = arith.constant 80 : i32
    %add3A = arith.constant 0 : i32
    %add3A_9 = arith.addi %mul3A_0, %add3A : i32
    "tpu.region"() ({
      %run_scoped3A = tpu.sem_alloc : memref<!tpu.dma_semaphore, #tpu.memory_space<semaphore_mem>>
      %dma_start3A = arith.constant 0 : i32
      %dma_start3A_66 = tpu.memref_slice %arg15[%add3A_9, %dma_start3A] : memref<10240x128xf32, #tpu.memory_space<vmem_shared>> -> memref<80x128xf32, #tpu.memory_space<vmem_shared>>
      %dma_start3A_67 = arith.constant 0 : i32
      %dma_start3A_68 = tpu.memref_slice %arg15[%add3A_9, %dma_start3A_67] : memref<10240x128xf32, #tpu.memory_space<vmem_shared>> -> memref<80x128xf32, #tpu.memory_space<vmem_shared>>
      tpu.enqueue_dma source(%arg14 : memref<80x128xf32, #tpu.memory_space<vmem>>) target(%dma_start3A_68 : memref<80x128xf32, #tpu.memory_space<vmem_shared>>) target_semaphore(%run_scoped3A : memref<!tpu.dma_semaphore, #tpu.memory_space<semaphore_mem>>)
      %dma_wait3A = arith.constant 0 : i32
      %dma_wait3A_69 = tpu.memref_slice %arg15[%add3A_9, %dma_wait3A] : memref<10240x128xf32, #tpu.memory_space<vmem_shared>> -> memref<80x128xf32, #tpu.memory_space<vmem_shared>>
      %dma_wait3A_70 = arith.constant 0 : i32
      %dma_wait3A_71 = tpu.memref_slice %arg15[%add3A_9, %dma_wait3A_70] : memref<10240x128xf32, #tpu.memory_space<vmem_shared>> -> memref<80x128xf32, #tpu.memory_space<vmem_shared>>
      tpu.wait_dma2 semaphore(%run_scoped3A : memref<!tpu.dma_semaphore, #tpu.memory_space<semaphore_mem>>) src(%arg14 : memref<80x128xf32, #tpu.memory_space<vmem>>) dst(%dma_wait3A_71 : memref<80x128xf32, #tpu.memory_space<vmem_shared>>)
      tpu.yield
    }) : () -> ()
    %add3A_10 = arith.constant 80 : i32
    %add3A_11 = arith.addi %mul3A_0, %add3A_10 : i32
    "tpu.region"() ({
      %run_scoped3A = tpu.sem_alloc : memref<!tpu.dma_semaphore, #tpu.memory_space<semaphore_mem>>
      %dma_start3A = arith.constant 0 : i32
      %dma_start3A_66 = tpu.memref_slice %arg15[%add3A_11, %dma_start3A] : memref<10240x128xf32, #tpu.memory_space<vmem_shared>> -> memref<80x128xf32, #tpu.memory_space<vmem_shared>>
      %dma_start3A_67 = arith.constant 0 : i32
      %dma_start3A_68 = tpu.memref_slice %arg15[%add3A_11, %dma_start3A_67] : memref<10240x128xf32, #tpu.memory_space<vmem_shared>> -> memref<80x128xf32, #tpu.memory_space<vmem_shared>>
      tpu.enqueue_dma source(%arg14 : memref<80x128xf32, #tpu.memory_space<vmem>>) target(%dma_start3A_68 : memref<80x128xf32, #tpu.memory_space<vmem_shared>>) target_semaphore(%run_scoped3A : memref<!tpu.dma_semaphore, #tpu.memory_space<semaphore_mem>>)
      %dma_wait3A = arith.constant 0 : i32
      %dma_wait3A_69 = tpu.memref_slice %arg15[%add3A_11, %dma_wait3A] : memref<10240x128xf32, #tpu.memory_space<vmem_shared>> -> memref<80x128xf32, #tpu.memory_space<vmem_shared>>
      %dma_wait3A_70 = arith.constant 0 : i32
      %dma_wait3A_71 = tpu.memref_slice %arg15[%add3A_11, %dma_wait3A_70] : memref<10240x128xf32, #tpu.memory_space<vmem_shared>> -> memref<80x128xf32, #tpu.memory_space<vmem_shared>>
      tpu.wait_dma2 semaphore(%run_scoped3A : memref<!tpu.dma_semaphore, #tpu.memory_space<semaphore_mem>>) src(%arg14 : memref<80x128xf32, #tpu.memory_space<vmem>>) dst(%dma_wait3A_71 : memref<80x128xf32, #tpu.memory_space<vmem_shared>>)
      tpu.yield
    }) : () -> ()
    %add3A_12 = arith.constant 160 : i32
    %add3A_13 = arith.addi %mul3A_0, %add3A_12 : i32
    "tpu.region"() ({
      %run_scoped3A = tpu.sem_alloc : memref<!tpu.dma_semaphore, #tpu.memory_space<semaphore_mem>>
      %dma_start3A = arith.constant 0 : i32
      %dma_start3A_66 = tpu.memref_slice %arg15[%add3A_13, %dma_start3A] : memref<10240x128xf32, #tpu.memory_space<vmem_shared>> -> memref<80x128xf32, #tpu.memory_space<vmem_shared>>
      %dma_start3A_67 = arith.constant 0 : i32
      %dma_start3A_68 = tpu.memref_slice %arg15[%add3A_13, %dma_start3A_67] : memref<10240x128xf32, #tpu.memory_space<vmem_shared>> -> memref<80x128xf32, #tpu.memory_space<vmem_shared>>
      tpu.enqueue_dma source(%arg14 : memref<80x128xf32, #tpu.memory_space<vmem>>) target(%dma_start3A_68 : memref<80x128xf32, #tpu.memory_space<vmem_shared>>) target_semaphore(%run_scoped3A : memref<!tpu.dma_semaphore, #tpu.memory_space<semaphore_mem>>)
      %dma_wait3A = arith.constant 0 : i32
      %dma_wait3A_69 = tpu.memref_slice %arg15[%add3A_13, %dma_wait3A] : memref<10240x128xf32, #tpu.memory_space<vmem_shared>> -> memref<80x128xf32, #tpu.memory_space<vmem_shared>>
      %dma_wait3A_70 = arith.constant 0 : i32
      %dma_wait3A_71 = tpu.memref_slice %arg15[%add3A_13, %dma_wait3A_70] : memref<10240x128xf32, #tpu.memory_space<vmem_shared>> -> memref<80x128xf32, #tpu.memory_space<vmem_shared>>
      tpu.wait_dma2 semaphore(%run_scoped3A : memref<!tpu.dma_semaphore, #tpu.memory_space<semaphore_mem>>) src(%arg14 : memref<80x128xf32, #tpu.memory_space<vmem>>) dst(%dma_wait3A_71 : memref<80x128xf32, #tpu.memory_space<vmem_shared>>)
      tpu.yield
    }) : () -> ()
    %add3A_14 = arith.constant 240 : i32
    %add3A_15 = arith.addi %mul3A_0, %add3A_14 : i32
    "tpu.region"() ({
      %run_scoped3A = tpu.sem_alloc : memref<!tpu.dma_semaphore, #tpu.memory_space<semaphore_mem>>
      %dma_start3A = arith.constant 0 : i32
      %dma_start3A_66 = tpu.memref_slice %arg15[%add3A_15, %dma_start3A] : memref<10240x128xf32, #tpu.memory_space<vmem_shared>> -> memref<80x128xf32, #tpu.memory_space<vmem_shared>>
      %dma_start3A_67 = arith.constant 0 : i32
      %dma_start3A_68 = tpu.memref_slice %arg15[%add3A_15, %dma_start3A_67] : memref<10240x128xf32, #tpu.memory_space<vmem_shared>> -> memref<80x128xf32, #tpu.memory_space<vmem_shared>>
      tpu.enqueue_dma source(%arg14 : memref<80x128xf32, #tpu.memory_space<vmem>>) target(%dma_start3A_68 : memref<80x128xf32, #tpu.memory_space<vmem_shared>>) target_semaphore(%run_scoped3A : memref<!tpu.dma_semaphore, #tpu.memory_space<semaphore_mem>>)
      %dma_wait3A = arith.constant 0 : i32
      %dma_wait3A_69 = tpu.memref_slice %arg15[%add3A_15, %dma_wait3A] : memref<10240x128xf32, #tpu.memory_space<vmem_shared>> -> memref<80x128xf32, #tpu.memory_space<vmem_shared>>
      %dma_wait3A_70 = arith.constant 0 : i32
      %dma_wait3A_71 = tpu.memref_slice %arg15[%add3A_15, %dma_wait3A_70] : memref<10240x128xf32, #tpu.memory_space<vmem_shared>> -> memref<80x128xf32, #tpu.memory_space<vmem_shared>>
      tpu.wait_dma2 semaphore(%run_scoped3A : memref<!tpu.dma_semaphore, #tpu.memory_space<semaphore_mem>>) src(%arg14 : memref<80x128xf32, #tpu.memory_space<vmem>>) dst(%dma_wait3A_71 : memref<80x128xf32, #tpu.memory_space<vmem_shared>>)
      tpu.yield
    }) : () -> ()
    %add3A_16 = arith.constant 320 : i32
    %add3A_17 = arith.addi %mul3A_0, %add3A_16 : i32
    "tpu.region"() ({
      %run_scoped3A = tpu.sem_alloc : memref<!tpu.dma_semaphore, #tpu.memory_space<semaphore_mem>>
      %dma_start3A = arith.constant 0 : i32
      %dma_start3A_66 = tpu.memref_slice %arg15[%add3A_17, %dma_start3A] : memref<10240x128xf32, #tpu.memory_space<vmem_shared>> -> memref<80x128xf32, #tpu.memory_space<vmem_shared>>
      %dma_start3A_67 = arith.constant 0 : i32
      %dma_start3A_68 = tpu.memref_slice %arg15[%add3A_17, %dma_start3A_67] : memref<10240x128xf32, #tpu.memory_space<vmem_shared>> -> memref<80x128xf32, #tpu.memory_space<vmem_shared>>
      tpu.enqueue_dma source(%arg14 : memref<80x128xf32, #tpu.memory_space<vmem>>) target(%dma_start3A_68 : memref<80x128xf32, #tpu.memory_space<vmem_shared>>) target_semaphore(%run_scoped3A : memref<!tpu.dma_semaphore, #tpu.memory_space<semaphore_mem>>)
      %dma_wait3A = arith.constant 0 : i32
      %dma_wait3A_69 = tpu.memref_slice %arg15[%add3A_17, %dma_wait3A] : memref<10240x128xf32, #tpu.memory_space<vmem_shared>> -> memref<80x128xf32, #tpu.memory_space<vmem_shared>>
      %dma_wait3A_70 = arith.constant 0 : i32
      %dma_wait3A_71 = tpu.memref_slice %arg15[%add3A_17, %dma_wait3A_70] : memref<10240x128xf32, #tpu.memory_space<vmem_shared>> -> memref<80x128xf32, #tpu.memory_space<vmem_shared>>
      tpu.wait_dma2 semaphore(%run_scoped3A : memref<!tpu.dma_semaphore, #tpu.memory_space<semaphore_mem>>) src(%arg14 : memref<80x128xf32, #tpu.memory_space<vmem>>) dst(%dma_wait3A_71 : memref<80x128xf32, #tpu.memory_space<vmem_shared>>)
      tpu.yield
    }) : () -> ()
    %add3A_18 = arith.constant 400 : i32
    %add3A_19 = arith.addi %mul3A_0, %add3A_18 : i32
    "tpu.region"() ({
      %run_scoped3A = tpu.sem_alloc : memref<!tpu.dma_semaphore, #tpu.memory_space<semaphore_mem>>
      %dma_start3A = arith.constant 0 : i32
      %dma_start3A_66 = tpu.memref_slice %arg15[%add3A_19, %dma_start3A] : memref<10240x128xf32, #tpu.memory_space<vmem_shared>> -> memref<80x128xf32, #tpu.memory_space<vmem_shared>>
      %dma_start3A_67 = arith.constant 0 : i32
      %dma_start3A_68 = tpu.memref_slice %arg15[%add3A_19, %dma_start3A_67] : memref<10240x128xf32, #tpu.memory_space<vmem_shared>> -> memref<80x128xf32, #tpu.memory_space<vmem_shared>>
      tpu.enqueue_dma source(%arg14 : memref<80x128xf32, #tpu.memory_space<vmem>>) target(%dma_start3A_68 : memref<80x128xf32, #tpu.memory_space<vmem_shared>>) target_semaphore(%run_scoped3A : memref<!tpu.dma_semaphore, #tpu.memory_space<semaphore_mem>>)
      %dma_wait3A = arith.constant 0 : i32
      %dma_wait3A_69 = tpu.memref_slice %arg15[%add3A_19, %dma_wait3A] : memref<10240x128xf32, #tpu.memory_space<vmem_shared>> -> memref<80x128xf32, #tpu.memory_space<vmem_shared>>
      %dma_wait3A_70 = arith.constant 0 : i32
      %dma_wait3A_71 = tpu.memref_slice %arg15[%add3A_19, %dma_wait3A_70] : memref<10240x128xf32, #tpu.memory_space<vmem_shared>> -> memref<80x128xf32, #tpu.memory_space<vmem_shared>>
      tpu.wait_dma2 semaphore(%run_scoped3A : memref<!tpu.dma_semaphore, #tpu.memory_space<semaphore_mem>>) src(%arg14 : memref<80x128xf32, #tpu.memory_space<vmem>>) dst(%dma_wait3A_71 : memref<80x128xf32, #tpu.memory_space<vmem_shared>>)
      tpu.yield
    }) : () -> ()
    %add3A_20 = arith.constant 480 : i32
    %add3A_21 = arith.addi %mul3A_0, %add3A_20 : i32
    "tpu.region"() ({
      %run_scoped3A = tpu.sem_alloc : memref<!tpu.dma_semaphore, #tpu.memory_space<semaphore_mem>>
      %dma_start3A = arith.constant 0 : i32
      %dma_start3A_66 = tpu.memref_slice %arg15[%add3A_21, %dma_start3A] : memref<10240x128xf32, #tpu.memory_space<vmem_shared>> -> memref<80x128xf32, #tpu.memory_space<vmem_shared>>
      %dma_start3A_67 = arith.constant 0 : i32
      %dma_start3A_68 = tpu.memref_slice %arg15[%add3A_21, %dma_start3A_67] : memref<10240x128xf32, #tpu.memory_space<vmem_shared>> -> memref<80x128xf32, #tpu.memory_space<vmem_shared>>
      tpu.enqueue_dma source(%arg14 : memref<80x128xf32, #tpu.memory_space<vmem>>) target(%dma_start3A_68 : memref<80x128xf32, #tpu.memory_space<vmem_shared>>) target_semaphore(%run_scoped3A : memref<!tpu.dma_semaphore, #tpu.memory_space<semaphore_mem>>)
      %dma_wait3A = arith.constant 0 : i32
      %dma_wait3A_69 = tpu.memref_slice %arg15[%add3A_21, %dma_wait3A] : memref<10240x128xf32, #tpu.memory_space<vmem_shared>> -> memref<80x128xf32, #tpu.memory_space<vmem_shared>>
      %dma_wait3A_70 = arith.constant 0 : i32
      %dma_wait3A_71 = tpu.memref_slice %arg15[%add3A_21, %dma_wait3A_70] : memref<10240x128xf32, #tpu.memory_space<vmem_shared>> -> memref<80x128xf32, #tpu.memory_space<vmem_shared>>
      tpu.wait_dma2 semaphore(%run_scoped3A : memref<!tpu.dma_semaphore, #tpu.memory_space<semaphore_mem>>) src(%arg14 : memref<80x128xf32, #tpu.memory_space<vmem>>) dst(%dma_wait3A_71 : memref<80x128xf32, #tpu.memory_space<vmem_shared>>)
      tpu.yield
    }) : () -> ()
    %add3A_22 = arith.constant 560 : i32
    %add3A_23 = arith.addi %mul3A_0, %add3A_22 : i32
    "tpu.region"() ({
      %run_scoped3A = tpu.sem_alloc : memref<!tpu.dma_semaphore, #tpu.memory_space<semaphore_mem>>
      %dma_start3A = arith.constant 0 : i32
      %dma_start3A_66 = tpu.memref_slice %arg15[%add3A_23, %dma_start3A] : memref<10240x128xf32, #tpu.memory_space<vmem_shared>> -> memref<80x128xf32, #tpu.memory_space<vmem_shared>>
      %dma_start3A_67 = arith.constant 0 : i32
      %dma_start3A_68 = tpu.memref_slice %arg15[%add3A_23, %dma_start3A_67] : memref<10240x128xf32, #tpu.memory_space<vmem_shared>> -> memref<80x128xf32, #tpu.memory_space<vmem_shared>>
      tpu.enqueue_dma source(%arg14 : memref<80x128xf32, #tpu.memory_space<vmem>>) target(%dma_start3A_68 : memref<80x128xf32, #tpu.memory_space<vmem_shared>>) target_semaphore(%run_scoped3A : memref<!tpu.dma_semaphore, #tpu.memory_space<semaphore_mem>>)
      %dma_wait3A = arith.constant 0 : i32
      %dma_wait3A_69 = tpu.memref_slice %arg15[%add3A_23, %dma_wait3A] : memref<10240x128xf32, #tpu.memory_space<vmem_shared>> -> memref<80x128xf32, #tpu.memory_space<vmem_shared>>
      %dma_wait3A_70 = arith.constant 0 : i32
      %dma_wait3A_71 = tpu.memref_slice %arg15[%add3A_23, %dma_wait3A_70] : memref<10240x128xf32, #tpu.memory_space<vmem_shared>> -> memref<80x128xf32, #tpu.memory_space<vmem_shared>>
      tpu.wait_dma2 semaphore(%run_scoped3A : memref<!tpu.dma_semaphore, #tpu.memory_space<semaphore_mem>>) src(%arg14 : memref<80x128xf32, #tpu.memory_space<vmem>>) dst(%dma_wait3A_71 : memref<80x128xf32, #tpu.memory_space<vmem_shared>>)
      tpu.yield
    }) : () -> ()
    %barrier3A = arith.constant 0 : index
    tpu.barrier barrier_id(%barrier3A)
    %scan3A_24 = arith.constant 0 : i32
    %scan3A_25 = arith.constant 0 : i32
    %scan3A_26 = arith.constant 25 : i32
    %scan3A_27 = arith.addi %scan3A_25, %scan3A_26 : i32
    %scan3A_28 = arith.constant 1 : i32
    %scan3A_29 = scf.for %scan3A_66 = %scan3A_25 to %scan3A_27 step %scan3A_28 iter_args(%scan3A_67 = %scan3A_24) -> (i32)  : i32 {
      "tpu.region"() ({
        %run_scoped3A = tpu.sem_alloc : memref<!tpu.dma_semaphore, #tpu.memory_space<semaphore_mem>>
        %dma_start3A = arith.constant 0 : i32
        %dma_start3A_83 = arith.constant 0 : i32
        %dma_start3A_84 = tpu.memref_slice %arg4[%arg1, %scan3A_66, %dma_start3A, %dma_start3A_83] : memref<16x25x10x80xi32, #tpu.memory_space<hbm>> -> memref<1x1x10x80xi32, #tpu.memory_space<hbm>>
        %dma_start3A_85 = tpu.memref_squeeze %dma_start3A_84 : memref<1x1x10x80xi32, #tpu.memory_space<hbm>> -> memref<10x80xi32, #tpu.memory_space<hbm>>
        %dma_start3A_86 = arith.constant 0 : i32
        %dma_start3A_87 = arith.constant 0 : i32
        %dma_start3A_88 = tpu.memref_slice %arg4[%arg1, %scan3A_66, %dma_start3A_86, %dma_start3A_87] : memref<16x25x10x80xi32, #tpu.memory_space<hbm>> -> memref<1x1x10x80xi32, #tpu.memory_space<hbm>>
        %dma_start3A_89 = tpu.memref_squeeze %dma_start3A_88 : memref<1x1x10x80xi32, #tpu.memory_space<hbm>> -> memref<10x80xi32, #tpu.memory_space<hbm>>
        tpu.enqueue_dma source(%dma_start3A_89 : memref<10x80xi32, #tpu.memory_space<hbm>>) target(%arg11 : memref<10x80xi32, #tpu.memory_space<vmem>>) target_semaphore(%run_scoped3A : memref<!tpu.dma_semaphore, #tpu.memory_space<semaphore_mem>>)
        %dma_wait3A = arith.constant 0 : i32
        %dma_wait3A_90 = arith.constant 0 : i32
        %dma_wait3A_91 = tpu.memref_slice %arg4[%arg1, %scan3A_66, %dma_wait3A, %dma_wait3A_90] : memref<16x25x10x80xi32, #tpu.memory_space<hbm>> -> memref<1x1x10x80xi32, #tpu.memory_space<hbm>>
        %dma_wait3A_92 = tpu.memref_squeeze %dma_wait3A_91 : memref<1x1x10x80xi32, #tpu.memory_space<hbm>> -> memref<10x80xi32, #tpu.memory_space<hbm>>
        %dma_wait3A_93 = arith.constant 0 : i32
        %dma_wait3A_94 = arith.constant 0 : i32
        %dma_wait3A_95 = tpu.memref_slice %arg4[%arg1, %scan3A_66, %dma_wait3A_93, %dma_wait3A_94] : memref<16x25x10x80xi32, #tpu.memory_space<hbm>> -> memref<1x1x10x80xi32, #tpu.memory_space<hbm>>
        %dma_wait3A_96 = tpu.memref_squeeze %dma_wait3A_95 : memref<1x1x10x80xi32, #tpu.memory_space<hbm>> -> memref<10x80xi32, #tpu.memory_space<hbm>>
        tpu.wait_dma2 semaphore(%run_scoped3A : memref<!tpu.dma_semaphore, #tpu.memory_space<semaphore_mem>>) src(%dma_wait3A_96 : memref<10x80xi32, #tpu.memory_space<hbm>>) dst(%arg11 : memref<10x80xi32, #tpu.memory_space<vmem>>)
        tpu.yield
      }) : () -> ()
      "tpu.region"() ({
        %run_scoped3A = tpu.sem_alloc : memref<!tpu.dma_semaphore, #tpu.memory_space<semaphore_mem>>
        %dma_start3A = arith.constant 0 : i32
        %dma_start3A_83 = arith.constant 0 : i32
        %dma_start3A_84 = tpu.memref_slice %arg5[%arg1, %scan3A_66, %dma_start3A, %dma_start3A_83] : memref<16x25x10x80xi32, #tpu.memory_space<hbm>> -> memref<1x1x10x80xi32, #tpu.memory_space<hbm>>
        %dma_start3A_85 = tpu.memref_squeeze %dma_start3A_84 : memref<1x1x10x80xi32, #tpu.memory_space<hbm>> -> memref<10x80xi32, #tpu.memory_space<hbm>>
        %dma_start3A_86 = arith.constant 0 : i32
        %dma_start3A_87 = arith.constant 0 : i32
        %dma_start3A_88 = tpu.memref_slice %arg5[%arg1, %scan3A_66, %dma_start3A_86, %dma_start3A_87] : memref<16x25x10x80xi32, #tpu.memory_space<hbm>> -> memref<1x1x10x80xi32, #tpu.memory_space<hbm>>
        %dma_start3A_89 = tpu.memref_squeeze %dma_start3A_88 : memref<1x1x10x80xi32, #tpu.memory_space<hbm>> -> memref<10x80xi32, #tpu.memory_space<hbm>>
        tpu.enqueue_dma source(%dma_start3A_89 : memref<10x80xi32, #tpu.memory_space<hbm>>) target(%arg12 : memref<10x80xi32, #tpu.memory_space<vmem>>) target_semaphore(%run_scoped3A : memref<!tpu.dma_semaphore, #tpu.memory_space<semaphore_mem>>)
        %dma_wait3A = arith.constant 0 : i32
        %dma_wait3A_90 = arith.constant 0 : i32
        %dma_wait3A_91 = tpu.memref_slice %arg5[%arg1, %scan3A_66, %dma_wait3A, %dma_wait3A_90] : memref<16x25x10x80xi32, #tpu.memory_space<hbm>> -> memref<1x1x10x80xi32, #tpu.memory_space<hbm>>
        %dma_wait3A_92 = tpu.memref_squeeze %dma_wait3A_91 : memref<1x1x10x80xi32, #tpu.memory_space<hbm>> -> memref<10x80xi32, #tpu.memory_space<hbm>>
        %dma_wait3A_93 = arith.constant 0 : i32
        %dma_wait3A_94 = arith.constant 0 : i32
        %dma_wait3A_95 = tpu.memref_slice %arg5[%arg1, %scan3A_66, %dma_wait3A_93, %dma_wait3A_94] : memref<16x25x10x80xi32, #tpu.memory_space<hbm>> -> memref<1x1x10x80xi32, #tpu.memory_space<hbm>>
        %dma_wait3A_96 = tpu.memref_squeeze %dma_wait3A_95 : memref<1x1x10x80xi32, #tpu.memory_space<hbm>> -> memref<10x80xi32, #tpu.memory_space<hbm>>
        tpu.wait_dma2 semaphore(%run_scoped3A : memref<!tpu.dma_semaphore, #tpu.memory_space<semaphore_mem>>) src(%dma_wait3A_96 : memref<10x80xi32, #tpu.memory_space<hbm>>) dst(%arg12 : memref<10x80xi32, #tpu.memory_space<vmem>>)
        tpu.yield
      }) : () -> ()
      %scan3A_68 = arith.constant 0 : i32
      %scan3A_69 = arith.constant 0 : i32
      %scan3A_70 = arith.constant 10 : i32
      %scan3A_71 = arith.addi %scan3A_69, %scan3A_70 : i32
      %scan3A_72 = arith.constant 1 : i32
      %scan3A_73 = scf.for %scan3A_83 = %scan3A_69 to %scan3A_71 step %scan3A_72 iter_args(%scan3A_84 = %scan3A_68) -> (i32)  : i32 {
        %get3A = arith.index_cast %scan3A_83 : i32 to index
        %get3A_85 = arith.constant 0 : index
        %get3A_86 = tpu.vector_load %arg11[%get3A, %get3A_85] {strides = array<i32>} : memref<10x80xi32, #tpu.memory_space<vmem>>, vector<1x16xi32>,
        %get3A_87 = vector.shape_cast %get3A_86 : vector<1x16xi32> to vector<16xi32>
        %add3A_88 = vector.broadcast %mul3A_2 : i32 to vector<16xi32>
        %add3A_89 = arith.addi %get3A_87, %add3A_88 : vector<16xi32>
        %swap3A = arith.index_cast %scan3A_83 : i32 to index
        %swap3A_90 = arith.constant 0 : index
        %swap3A_91 = tpu.vector_load %arg11[%swap3A, %swap3A_90] {strides = array<i32>} : memref<10x80xi32, #tpu.memory_space<vmem>>, vector<1x16xi32>,
        %swap3A_92 = vector.shape_cast %swap3A_91 : vector<1x16xi32> to vector<16xi32>
        %swap3A_93 = vector.shape_cast %add3A_89 : vector<16xi32> to vector<1x16xi32>
        tpu.vector_store %arg11[%swap3A, %swap3A_90], %swap3A_93 {strides = array<i32>} : memref<10x80xi32, #tpu.memory_space<vmem>>, vector<1x16xi32>,
        %get3A_94 = arith.index_cast %scan3A_83 : i32 to index
        %get3A_95 = arith.constant 16 : index
        %get3A_96 = tpu.vector_load %arg11[%get3A_94, %get3A_95] {strides = array<i32>} : memref<10x80xi32, #tpu.memory_space<vmem>>, vector<1x16xi32>,
        %get3A_97 = vector.shape_cast %get3A_96 : vector<1x16xi32> to vector<16xi32>
        %add3A_98 = vector.broadcast %mul3A_2 : i32 to vector<16xi32>
        %add3A_99 = arith.addi %get3A_97, %add3A_98 : vector<16xi32>
        %swap3A_100 = arith.index_cast %scan3A_83 : i32 to index
        %swap3A_101 = arith.constant 16 : index
        %swap3A_102 = tpu.vector_load %arg11[%swap3A_100, %swap3A_101] {strides = array<i32>} : memref<10x80xi32, #tpu.memory_space<vmem>>, vector<1x16xi32>,
        %swap3A_103 = vector.shape_cast %swap3A_102 : vector<1x16xi32> to vector<16xi32>
        %swap3A_104 = vector.shape_cast %add3A_99 : vector<16xi32> to vector<1x16xi32>
        tpu.vector_store %arg11[%swap3A_100, %swap3A_101], %swap3A_104 {strides = array<i32>} : memref<10x80xi32, #tpu.memory_space<vmem>>, vector<1x16xi32>,
        %get3A_105 = arith.index_cast %scan3A_83 : i32 to index
        %get3A_106 = arith.constant 32 : index
        %get3A_107 = tpu.vector_load %arg11[%get3A_105, %get3A_106] {strides = array<i32>} : memref<10x80xi32, #tpu.memory_space<vmem>>, vector<1x16xi32>,
        %get3A_108 = vector.shape_cast %get3A_107 : vector<1x16xi32> to vector<16xi32>
        %add3A_109 = vector.broadcast %mul3A_2 : i32 to vector<16xi32>
        %add3A_110 = arith.addi %get3A_108, %add3A_109 : vector<16xi32>
        %swap3A_111 = arith.index_cast %scan3A_83 : i32 to index
        %swap3A_112 = arith.constant 32 : index
        %swap3A_113 = tpu.vector_load %arg11[%swap3A_111, %swap3A_112] {strides = array<i32>} : memref<10x80xi32, #tpu.memory_space<vmem>>, vector<1x16xi32>,
        %swap3A_114 = vector.shape_cast %swap3A_113 : vector<1x16xi32> to vector<16xi32>
        %swap3A_115 = vector.shape_cast %add3A_110 : vector<16xi32> to vector<1x16xi32>
        tpu.vector_store %arg11[%swap3A_111, %swap3A_112], %swap3A_115 {strides = array<i32>} : memref<10x80xi32, #tpu.memory_space<vmem>>, vector<1x16xi32>,
        %get3A_116 = arith.index_cast %scan3A_83 : i32 to index
        %get3A_117 = arith.constant 48 : index
        %get3A_118 = tpu.vector_load %arg11[%get3A_116, %get3A_117] {strides = array<i32>} : memref<10x80xi32, #tpu.memory_space<vmem>>, vector<1x16xi32>,
        %get3A_119 = vector.shape_cast %get3A_118 : vector<1x16xi32> to vector<16xi32>
        %add3A_120 = vector.broadcast %mul3A_2 : i32 to vector<16xi32>
        %add3A_121 = arith.addi %get3A_119, %add3A_120 : vector<16xi32>
        %swap3A_122 = arith.index_cast %scan3A_83 : i32 to index
        %swap3A_123 = arith.constant 48 : index
        %swap3A_124 = tpu.vector_load %arg11[%swap3A_122, %swap3A_123] {strides = array<i32>} : memref<10x80xi32, #tpu.memory_space<vmem>>, vector<1x16xi32>,
        %swap3A_125 = vector.shape_cast %swap3A_124 : vector<1x16xi32> to vector<16xi32>
        %swap3A_126 = vector.shape_cast %add3A_121 : vector<16xi32> to vector<1x16xi32>
        tpu.vector_store %arg11[%swap3A_122, %swap3A_123], %swap3A_126 {strides = array<i32>} : memref<10x80xi32, #tpu.memory_space<vmem>>, vector<1x16xi32>,
        %get3A_127 = arith.index_cast %scan3A_83 : i32 to index
        %get3A_128 = arith.constant 64 : index
        %get3A_129 = tpu.vector_load %arg11[%get3A_127, %get3A_128] {strides = array<i32>} : memref<10x80xi32, #tpu.memory_space<vmem>>, vector<1x16xi32>,
        %get3A_130 = vector.shape_cast %get3A_129 : vector<1x16xi32> to vector<16xi32>
        %add3A_131 = vector.broadcast %mul3A_2 : i32 to vector<16xi32>
        %add3A_132 = arith.addi %get3A_130, %add3A_131 : vector<16xi32>
        %swap3A_133 = arith.index_cast %scan3A_83 : i32 to index
        %swap3A_134 = arith.constant 64 : index
        %swap3A_135 = tpu.vector_load %arg11[%swap3A_133, %swap3A_134] {strides = array<i32>} : memref<10x80xi32, #tpu.memory_space<vmem>>, vector<1x16xi32>,
        %swap3A_136 = vector.shape_cast %swap3A_135 : vector<1x16xi32> to vector<16xi32>
        %swap3A_137 = vector.shape_cast %add3A_132 : vector<16xi32> to vector<1x16xi32>
        tpu.vector_store %arg11[%swap3A_133, %swap3A_134], %swap3A_137 {strides = array<i32>} : memref<10x80xi32, #tpu.memory_space<vmem>>, vector<1x16xi32>,
        %scan3A_138 = arith.constant 0 : i32
        scf.yield %scan3A_138 : i32
      }
      %scan3A_74 = arith.constant 10 : i32
      %scan3A_75 = arith.constant 0 : i32
      %scan3A_76 = arith.constant 0 : i32
      %scan3A_77 = arith.constant 10 : i32
      %scan3A_78 = arith.addi %scan3A_76, %scan3A_77 : i32
      %scan3A_79 = arith.constant 1 : i32
      %scan3A_80 = scf.for %scan3A_83 = %scan3A_76 to %scan3A_78 step %scan3A_79 iter_args(%scan3A_84 = %scan3A_75) -> (i32)  : i32 {
        "tpu.region"() ({
          %run_scoped3A = tpu.sem_alloc : memref<!tpu.dma_semaphore, #tpu.memory_space<semaphore_mem>>
          %dma_start3A = arith.constant 0 : i32
          %dma_start3A_86 = tpu.memref_slice %arg11[%scan3A_83, %dma_start3A] : memref<10x80xi32, #tpu.memory_space<vmem>> -> memref<1x80xi32, #tpu.memory_space<vmem>>
          %dma_start3A_87 = tpu.memref_squeeze %dma_start3A_86 : memref<1x80xi32, #tpu.memory_space<vmem>> -> memref<80xi32, #tpu.memory_space<vmem>>
          %dma_start3A_88 = arith.constant 0 : i32
          %dma_start3A_89 = arith.constant 0 : i32
          %dma_start3A_90 = tpu.memref_slice %arg2[%dma_start3A_88, %dma_start3A_89] : memref<20480x128xf32, #tpu.memory_space<hbm>> -> memref<20480x128xf32, #tpu.memory_space<hbm>>
          tpu.enqueue_indirect_dma source(%dma_start3A_90 : memref<20480x128xf32, #tpu.memory_space<hbm>>) target(%arg14 : memref<80x128xf32, #tpu.memory_space<vmem>>) offsets(%dma_start3A_87 : memref<80xi32, #tpu.memory_space<vmem>>) semaphore(%run_scoped3A : memref<!tpu.dma_semaphore, #tpu.memory_space<semaphore_mem>>)
          %dma_wait3A = arith.constant 0 : i32
          %dma_wait3A_91 = tpu.memref_slice %arg11[%scan3A_83, %dma_wait3A] : memref<10x80xi32, #tpu.memory_space<vmem>> -> memref<1x80xi32, #tpu.memory_space<vmem>>
          %dma_wait3A_92 = tpu.memref_squeeze %dma_wait3A_91 : memref<1x80xi32, #tpu.memory_space<vmem>> -> memref<80xi32, #tpu.memory_space<vmem>>
          %dma_wait3A_93 = arith.constant 0 : i32
          %dma_wait3A_94 = arith.constant 0 : i32
          %dma_wait3A_95 = tpu.memref_slice %arg2[%dma_wait3A_93, %dma_wait3A_94] : memref<20480x128xf32, #tpu.memory_space<hbm>> -> memref<20480x128xf32, #tpu.memory_space<hbm>>
          tpu.wait_indirect_dma semaphore(%run_scoped3A : memref<!tpu.dma_semaphore, #tpu.memory_space<semaphore_mem>>) src(%dma_wait3A_95 : memref<20480x128xf32, #tpu.memory_space<hbm>>) dst(%arg14 : memref<80x128xf32, #tpu.memory_space<vmem>>)
          tpu.yield
        }) : () -> ()
        "tpu.region"() ({
          %run_scoped3A = tpu.sem_alloc : memref<!tpu.dma_semaphore, #tpu.memory_space<semaphore_mem>>
          %dma_start3A = arith.constant 0 : i32
          %dma_start3A_86 = tpu.memref_slice %arg12[%scan3A_83, %dma_start3A] : memref<10x80xi32, #tpu.memory_space<vmem>> -> memref<1x80xi32, #tpu.memory_space<vmem>>
          %dma_start3A_87 = tpu.memref_squeeze %dma_start3A_86 : memref<1x80xi32, #tpu.memory_space<vmem>> -> memref<80xi32, #tpu.memory_space<vmem>>
          %dma_start3A_88 = arith.constant 0 : i32
          %dma_start3A_89 = arith.constant 0 : i32
          %dma_start3A_90 = tpu.memref_slice %arg15[%dma_start3A_88, %dma_start3A_89] : memref<10240x128xf32, #tpu.memory_space<vmem_shared>> -> memref<10240x128xf32, #tpu.memory_space<vmem_shared>>
          tpu.enqueue_indirect_dma source(%arg14 : memref<80x128xf32, #tpu.memory_space<vmem>>) target(%dma_start3A_90 : memref<10240x128xf32, #tpu.memory_space<vmem_shared>>) offsets(%dma_start3A_87 : memref<80xi32, #tpu.memory_space<vmem>>) semaphore(%run_scoped3A : memref<!tpu.dma_semaphore, #tpu.memory_space<semaphore_mem>>) {add = true}
          %dma_wait3A = arith.constant 0 : i32
          %dma_wait3A_91 = tpu.memref_slice %arg12[%scan3A_83, %dma_wait3A] : memref<10x80xi32, #tpu.memory_space<vmem>> -> memref<1x80xi32, #tpu.memory_space<vmem>>
          %dma_wait3A_92 = tpu.memref_squeeze %dma_wait3A_91 : memref<1x80xi32, #tpu.memory_space<vmem>> -> memref<80xi32, #tpu.memory_space<vmem>>
          %dma_wait3A_93 = arith.constant 0 : i32
          %dma_wait3A_94 = arith.constant 0 : i32
          %dma_wait3A_95 = tpu.memref_slice %arg15[%dma_wait3A_93, %dma_wait3A_94] : memref<10240x128xf32, #tpu.memory_space<vmem_shared>> -> memref<10240x128xf32, #tpu.memory_space<vmem_shared>>
          tpu.wait_indirect_dma semaphore(%run_scoped3A : memref<!tpu.dma_semaphore, #tpu.memory_space<semaphore_mem>>) src(%arg14 : memref<80x128xf32, #tpu.memory_space<vmem>>) dst(%dma_wait3A_95 : memref<10240x128xf32, #tpu.memory_space<vmem_shared>>)
          tpu.yield
        }) : () -> ()
        %scan3A_85 = arith.constant 0 : i32
        scf.yield %scan3A_85 : i32
      }
      %scan3A_81 = arith.constant 10 : i32
      %scan3A_82 = arith.constant 0 : i32
      scf.yield %scan3A_82 : i32
    }
    %scan3A_30 = arith.constant 25 : i32
    %barrier3A_31 = arith.constant 0 : index
    tpu.barrier barrier_id(%barrier3A_31)
    %add3A_32 = arith.addi %mul3A_2, %mul3A_0 : i32
    "tpu.region"() ({
      %run_scoped3A = tpu.sem_alloc : memref<!tpu.dma_semaphore, #tpu.memory_space<semaphore_mem>>
      %dma_start3A = arith.constant 0 : i32
      %dma_start3A_66 = tpu.memref_slice %arg9[%add3A_32, %dma_start3A] : memref<20480x128xf32, #tpu.memory_space<hbm>> -> memref<640x128xf32, #tpu.memory_space<hbm>>
      %dma_start3A_67 = arith.constant 0 : i32
      %dma_start3A_68 = tpu.memref_slice %arg15[%mul3A_0, %dma_start3A_67] : memref<10240x128xf32, #tpu.memory_space<vmem_shared>> -> memref<640x128xf32, #tpu.memory_space<vmem_shared>>
      tpu.enqueue_dma source(%dma_start3A_68 : memref<640x128xf32, #tpu.memory_space<vmem_shared>>) target(%dma_start3A_66 : memref<640x128xf32, #tpu.memory_space<hbm>>) target_semaphore(%run_scoped3A : memref<!tpu.dma_semaphore, #tpu.memory_space<semaphore_mem>>)
      %dma_wait3A = arith.constant 0 : i32
      %dma_wait3A_69 = tpu.memref_slice %arg9[%add3A_32, %dma_wait3A] : memref<20480x128xf32, #tpu.memory_space<hbm>> -> memref<640x128xf32, #tpu.memory_space<hbm>>
      %dma_wait3A_70 = arith.constant 0 : i32
      %dma_wait3A_71 = tpu.memref_slice %arg15[%mul3A_0, %dma_wait3A_70] : memref<10240x128xf32, #tpu.memory_space<vmem_shared>> -> memref<640x128xf32, #tpu.memory_space<vmem_shared>>
      tpu.wait_dma2 semaphore(%run_scoped3A : memref<!tpu.dma_semaphore, #tpu.memory_space<semaphore_mem>>) src(%dma_wait3A_71 : memref<640x128xf32, #tpu.memory_space<vmem_shared>>) dst(%dma_wait3A_69 : memref<640x128xf32, #tpu.memory_space<hbm>>)
      tpu.yield
    }) : () -> ()
    %scan3A_33 = arith.constant 0 : i32
    %scan3A_34 = arith.constant 0 : i32
    %scan3A_35 = arith.constant 80 : i32
    %scan3A_36 = arith.addi %scan3A_34, %scan3A_35 : i32
    %scan3A_37 = arith.constant 1 : i32
    %scan3A_38 = scf.for %scan3A_66 = %scan3A_34 to %scan3A_36 step %scan3A_37 iter_args(%scan3A_67 = %scan3A_33) -> (i32)  : i32 {
      %broadcast_in_dim3A = arith.constant 0.000000e+00 : f32
      %broadcast_in_dim3A_68 = vector.broadcast %broadcast_in_dim3A : f32 to vector<16xf32>
      %swap3A = arith.index_cast %scan3A_66 : i32 to index
      %swap3A_69 = arith.constant 0 : index
      %swap3A_70 = tpu.vector_load %arg14[%swap3A, %swap3A_69] {strides = array<i32>} : memref<80x128xf32, #tpu.memory_space<vmem>>, vector<1x16xf32>,
      %swap3A_71 = vector.shape_cast %swap3A_70 : vector<1x16xf32> to vector<16xf32>
      %swap3A_72 = vector.shape_cast %broadcast_in_dim3A_68 : vector<16xf32> to vector<1x16xf32>
      tpu.vector_store %arg14[%swap3A, %swap3A_69], %swap3A_72 {strides = array<i32>} : memref<80x128xf32, #tpu.memory_space<vmem>>, vector<1x16xf32>,
      %broadcast_in_dim3A_73 = arith.constant 0.000000e+00 : f32
      %broadcast_in_dim3A_74 = vector.broadcast %broadcast_in_dim3A_73 : f32 to vector<16xf32>
      %swap3A_75 = arith.index_cast %scan3A_66 : i32 to index
      %swap3A_76 = arith.constant 16 : index
      %swap3A_77 = tpu.vector_load %arg14[%swap3A_75, %swap3A_76] {strides = array<i32>} : memref<80x128xf32, #tpu.memory_space<vmem>>, vector<1x16xf32>,
      %swap3A_78 = vector.shape_cast %swap3A_77 : vector<1x16xf32> to vector<16xf32>
      %swap3A_79 = vector.shape_cast %broadcast_in_dim3A_74 : vector<16xf32> to vector<1x16xf32>
      tpu.vector_store %arg14[%swap3A_75, %swap3A_76], %swap3A_79 {strides = array<i32>} : memref<80x128xf32, #tpu.memory_space<vmem>>, vector<1x16xf32>,
      %broadcast_in_dim3A_80 = arith.constant 0.000000e+00 : f32
      %broadcast_in_dim3A_81 = vector.broadcast %broadcast_in_dim3A_80 : f32 to vector<16xf32>
      %swap3A_82 = arith.index_cast %scan3A_66 : i32 to index
      %swap3A_83 = arith.constant 32 : index
      %swap3A_84 = tpu.vector_load %arg14[%swap3A_82, %swap3A_83] {strides = array<i32>} : memref<80x128xf32, #tpu.memory_space<vmem>>, vector<1x16xf32>,
      %swap3A_85 = vector.shape_cast %swap3A_84 : vector<1x16xf32> to vector<16xf32>
      %swap3A_86 = vector.shape_cast %broadcast_in_dim3A_81 : vector<16xf32> to vector<1x16xf32>
      tpu.vector_store %arg14[%swap3A_82, %swap3A_83], %swap3A_86 {strides = array<i32>} : memref<80x128xf32, #tpu.memory_space<vmem>>, vector<1x16xf32>,
      %broadcast_in_dim3A_87 = arith.constant 0.000000e+00 : f32
      %broadcast_in_dim3A_88 = vector.broadcast %broadcast_in_dim3A_87 : f32 to vector<16xf32>
      %swap3A_89 = arith.index_cast %scan3A_66 : i32 to index
      %swap3A_90 = arith.constant 48 : index
      %swap3A_91 = tpu.vector_load %arg14[%swap3A_89, %swap3A_90] {strides = array<i32>} : memref<80x128xf32, #tpu.memory_space<vmem>>, vector<1x16xf32>,
      %swap3A_92 = vector.shape_cast %swap3A_91 : vector<1x16xf32> to vector<16xf32>
      %swap3A_93 = vector.shape_cast %broadcast_in_dim3A_88 : vector<16xf32> to vector<1x16xf32>
      tpu.vector_store %arg14[%swap3A_89, %swap3A_90], %swap3A_93 {strides = array<i32>} : memref<80x128xf32, #tpu.memory_space<vmem>>, vector<1x16xf32>,
      %broadcast_in_dim3A_94 = arith.constant 0.000000e+00 : f32
      %broadcast_in_dim3A_95 = vector.broadcast %broadcast_in_dim3A_94 : f32 to vector<16xf32>
      %swap3A_96 = arith.index_cast %scan3A_66 : i32 to index
      %swap3A_97 = arith.constant 64 : index
      %swap3A_98 = tpu.vector_load %arg14[%swap3A_96, %swap3A_97] {strides = array<i32>} : memref<80x128xf32, #tpu.memory_space<vmem>>, vector<1x16xf32>,
      %swap3A_99 = vector.shape_cast %swap3A_98 : vector<1x16xf32> to vector<16xf32>
      %swap3A_100 = vector.shape_cast %broadcast_in_dim3A_95 : vector<16xf32> to vector<1x16xf32>
      tpu.vector_store %arg14[%swap3A_96, %swap3A_97], %swap3A_100 {strides = array<i32>} : memref<80x128xf32, #tpu.memory_space<vmem>>, vector<1x16xf32>,
      %broadcast_in_dim3A_101 = arith.constant 0.000000e+00 : f32
      %broadcast_in_dim3A_102 = vector.broadcast %broadcast_in_dim3A_101 : f32 to vector<16xf32>
      %swap3A_103 = arith.index_cast %scan3A_66 : i32 to index
      %swap3A_104 = arith.constant 80 : index
      %swap3A_105 = tpu.vector_load %arg14[%swap3A_103, %swap3A_104] {strides = array<i32>} : memref<80x128xf32, #tpu.memory_space<vmem>>, vector<1x16xf32>,
      %swap3A_106 = vector.shape_cast %swap3A_105 : vector<1x16xf32> to vector<16xf32>
      %swap3A_107 = vector.shape_cast %broadcast_in_dim3A_102 : vector<16xf32> to vector<1x16xf32>
      tpu.vector_store %arg14[%swap3A_103, %swap3A_104], %swap3A_107 {strides = array<i32>} : memref<80x128xf32, #tpu.memory_space<vmem>>, vector<1x16xf32>,
      %broadcast_in_dim3A_108 = arith.constant 0.000000e+00 : f32
      %broadcast_in_dim3A_109 = vector.broadcast %broadcast_in_dim3A_108 : f32 to vector<16xf32>
      %swap3A_110 = arith.index_cast %scan3A_66 : i32 to index
      %swap3A_111 = arith.constant 96 : index
      %swap3A_112 = tpu.vector_load %arg14[%swap3A_110, %swap3A_111] {strides = array<i32>} : memref<80x128xf32, #tpu.memory_space<vmem>>, vector<1x16xf32>,
      %swap3A_113 = vector.shape_cast %swap3A_112 : vector<1x16xf32> to vector<16xf32>
      %swap3A_114 = vector.shape_cast %broadcast_in_dim3A_109 : vector<16xf32> to vector<1x16xf32>
      tpu.vector_store %arg14[%swap3A_110, %swap3A_111], %swap3A_114 {strides = array<i32>} : memref<80x128xf32, #tpu.memory_space<vmem>>, vector<1x16xf32>,
      %broadcast_in_dim3A_115 = arith.constant 0.000000e+00 : f32
      %broadcast_in_dim3A_116 = vector.broadcast %broadcast_in_dim3A_115 : f32 to vector<16xf32>
      %swap3A_117 = arith.index_cast %scan3A_66 : i32 to index
      %swap3A_118 = arith.constant 112 : index
      %swap3A_119 = tpu.vector_load %arg14[%swap3A_117, %swap3A_118] {strides = array<i32>} : memref<80x128xf32, #tpu.memory_space<vmem>>, vector<1x16xf32>,
      %swap3A_120 = vector.shape_cast %swap3A_119 : vector<1x16xf32> to vector<16xf32>
      %swap3A_121 = vector.shape_cast %broadcast_in_dim3A_116 : vector<16xf32> to vector<1x16xf32>
      tpu.vector_store %arg14[%swap3A_117, %swap3A_118], %swap3A_121 {strides = array<i32>} : memref<80x128xf32, #tpu.memory_space<vmem>>, vector<1x16xf32>,
      %scan3A_122 = arith.constant 0 : i32
      scf.yield %scan3A_122 : i32
    }
    %scan3A_39 = arith.constant 80 : i32
    %add3A_40 = arith.constant 0 : i32
    %add3A_41 = arith.addi %mul3A_0, %add3A_40 : i32
    "tpu.region"() ({
      %run_scoped3A = tpu.sem_alloc : memref<!tpu.dma_semaphore, #tpu.memory_space<semaphore_mem>>
      %dma_start3A = arith.constant 0 : i32
      %dma_start3A_66 = tpu.memref_slice %arg15[%add3A_41, %dma_start3A] : memref<10240x128xf32, #tpu.memory_space<vmem_shared>> -> memref<80x128xf32, #tpu.memory_space<vmem_shared>>
      %dma_start3A_67 = arith.constant 0 : i32
      %dma_start3A_68 = tpu.memref_slice %arg15[%add3A_41, %dma_start3A_67] : memref<10240x128xf32, #tpu.memory_space<vmem_shared>> -> memref<80x128xf32, #tpu.memory_space<vmem_shared>>
      tpu.enqueue_dma source(%arg14 : memref<80x128xf32, #tpu.memory_space<vmem>>) target(%dma_start3A_68 : memref<80x128xf32, #tpu.memory_space<vmem_shared>>) target_semaphore(%run_scoped3A : memref<!tpu.dma_semaphore, #tpu.memory_space<semaphore_mem>>)
      %dma_wait3A = arith.constant 0 : i32
      %dma_wait3A_69 = tpu.memref_slice %arg15[%add3A_41, %dma_wait3A] : memref<10240x128xf32, #tpu.memory_space<vmem_shared>> -> memref<80x128xf32, #tpu.memory_space<vmem_shared>>
      %dma_wait3A_70 = arith.constant 0 : i32
      %dma_wait3A_71 = tpu.memref_slice %arg15[%add3A_41, %dma_wait3A_70] : memref<10240x128xf32, #tpu.memory_space<vmem_shared>> -> memref<80x128xf32, #tpu.memory_space<vmem_shared>>
      tpu.wait_dma2 semaphore(%run_scoped3A : memref<!tpu.dma_semaphore, #tpu.memory_space<semaphore_mem>>) src(%arg14 : memref<80x128xf32, #tpu.memory_space<vmem>>) dst(%dma_wait3A_71 : memref<80x128xf32, #tpu.memory_space<vmem_shared>>)
      tpu.yield
    }) : () -> ()
    %add3A_42 = arith.constant 80 : i32
    %add3A_43 = arith.addi %mul3A_0, %add3A_42 : i32
    "tpu.region"() ({
      %run_scoped3A = tpu.sem_alloc : memref<!tpu.dma_semaphore, #tpu.memory_space<semaphore_mem>>
      %dma_start3A = arith.constant 0 : i32
      %dma_start3A_66 = tpu.memref_slice %arg15[%add3A_43, %dma_start3A] : memref<10240x128xf32, #tpu.memory_space<vmem_shared>> -> memref<80x128xf32, #tpu.memory_space<vmem_shared>>
      %dma_start3A_67 = arith.constant 0 : i32
      %dma_start3A_68 = tpu.memref_slice %arg15[%add3A_43, %dma_start3A_67] : memref<10240x128xf32, #tpu.memory_space<vmem_shared>> -> memref<80x128xf32, #tpu.memory_space<vmem_shared>>
      tpu.enqueue_dma source(%arg14 : memref<80x128xf32, #tpu.memory_space<vmem>>) target(%dma_start3A_68 : memref<80x128xf32, #tpu.memory_space<vmem_shared>>) target_semaphore(%run_scoped3A : memref<!tpu.dma_semaphore, #tpu.memory_space<semaphore_mem>>)
      %dma_wait3A = arith.constant 0 : i32
      %dma_wait3A_69 = tpu.memref_slice %arg15[%add3A_43, %dma_wait3A] : memref<10240x128xf32, #tpu.memory_space<vmem_shared>> -> memref<80x128xf32, #tpu.memory_space<vmem_shared>>
      %dma_wait3A_70 = arith.constant 0 : i32
      %dma_wait3A_71 = tpu.memref_slice %arg15[%add3A_43, %dma_wait3A_70] : memref<10240x128xf32, #tpu.memory_space<vmem_shared>> -> memref<80x128xf32, #tpu.memory_space<vmem_shared>>
      tpu.wait_dma2 semaphore(%run_scoped3A : memref<!tpu.dma_semaphore, #tpu.memory_space<semaphore_mem>>) src(%arg14 : memref<80x128xf32, #tpu.memory_space<vmem>>) dst(%dma_wait3A_71 : memref<80x128xf32, #tpu.memory_space<vmem_shared>>)
      tpu.yield
    }) : () -> ()
    %add3A_44 = arith.constant 160 : i32
    %add3A_45 = arith.addi %mul3A_0, %add3A_44 : i32
    "tpu.region"() ({
      %run_scoped3A = tpu.sem_alloc : memref<!tpu.dma_semaphore, #tpu.memory_space<semaphore_mem>>
      %dma_start3A = arith.constant 0 : i32
      %dma_start3A_66 = tpu.memref_slice %arg15[%add3A_45, %dma_start3A] : memref<10240x128xf32, #tpu.memory_space<vmem_shared>> -> memref<80x128xf32, #tpu.memory_space<vmem_shared>>
      %dma_start3A_67 = arith.constant 0 : i32
      %dma_start3A_68 = tpu.memref_slice %arg15[%add3A_45, %dma_start3A_67] : memref<10240x128xf32, #tpu.memory_space<vmem_shared>> -> memref<80x128xf32, #tpu.memory_space<vmem_shared>>
      tpu.enqueue_dma source(%arg14 : memref<80x128xf32, #tpu.memory_space<vmem>>) target(%dma_start3A_68 : memref<80x128xf32, #tpu.memory_space<vmem_shared>>) target_semaphore(%run_scoped3A : memref<!tpu.dma_semaphore, #tpu.memory_space<semaphore_mem>>)
      %dma_wait3A = arith.constant 0 : i32
      %dma_wait3A_69 = tpu.memref_slice %arg15[%add3A_45, %dma_wait3A] : memref<10240x128xf32, #tpu.memory_space<vmem_shared>> -> memref<80x128xf32, #tpu.memory_space<vmem_shared>>
      %dma_wait3A_70 = arith.constant 0 : i32
      %dma_wait3A_71 = tpu.memref_slice %arg15[%add3A_45, %dma_wait3A_70] : memref<10240x128xf32, #tpu.memory_space<vmem_shared>> -> memref<80x128xf32, #tpu.memory_space<vmem_shared>>
      tpu.wait_dma2 semaphore(%run_scoped3A : memref<!tpu.dma_semaphore, #tpu.memory_space<semaphore_mem>>) src(%arg14 : memref<80x128xf32, #tpu.memory_space<vmem>>) dst(%dma_wait3A_71 : memref<80x128xf32, #tpu.memory_space<vmem_shared>>)
      tpu.yield
    }) : () -> ()
    %add3A_46 = arith.constant 240 : i32
    %add3A_47 = arith.addi %mul3A_0, %add3A_46 : i32
    "tpu.region"() ({
      %run_scoped3A = tpu.sem_alloc : memref<!tpu.dma_semaphore, #tpu.memory_space<semaphore_mem>>
      %dma_start3A = arith.constant 0 : i32
      %dma_start3A_66 = tpu.memref_slice %arg15[%add3A_47, %dma_start3A] : memref<10240x128xf32, #tpu.memory_space<vmem_shared>> -> memref<80x128xf32, #tpu.memory_space<vmem_shared>>
      %dma_start3A_67 = arith.constant 0 : i32
      %dma_start3A_68 = tpu.memref_slice %arg15[%add3A_47, %dma_start3A_67] : memref<10240x128xf32, #tpu.memory_space<vmem_shared>> -> memref<80x128xf32, #tpu.memory_space<vmem_shared>>
      tpu.enqueue_dma source(%arg14 : memref<80x128xf32, #tpu.memory_space<vmem>>) target(%dma_start3A_68 : memref<80x128xf32, #tpu.memory_space<vmem_shared>>) target_semaphore(%run_scoped3A : memref<!tpu.dma_semaphore, #tpu.memory_space<semaphore_mem>>)
      %dma_wait3A = arith.constant 0 : i32
      %dma_wait3A_69 = tpu.memref_slice %arg15[%add3A_47, %dma_wait3A] : memref<10240x128xf32, #tpu.memory_space<vmem_shared>> -> memref<80x128xf32, #tpu.memory_space<vmem_shared>>
      %dma_wait3A_70 = arith.constant 0 : i32
      %dma_wait3A_71 = tpu.memref_slice %arg15[%add3A_47, %dma_wait3A_70] : memref<10240x128xf32, #tpu.memory_space<vmem_shared>> -> memref<80x128xf32, #tpu.memory_space<vmem_shared>>
      tpu.wait_dma2 semaphore(%run_scoped3A : memref<!tpu.dma_semaphore, #tpu.memory_space<semaphore_mem>>) src(%arg14 : memref<80x128xf32, #tpu.memory_space<vmem>>) dst(%dma_wait3A_71 : memref<80x128xf32, #tpu.memory_space<vmem_shared>>)
      tpu.yield
    }) : () -> ()
    %add3A_48 = arith.constant 320 : i32
    %add3A_49 = arith.addi %mul3A_0, %add3A_48 : i32
    "tpu.region"() ({
      %run_scoped3A = tpu.sem_alloc : memref<!tpu.dma_semaphore, #tpu.memory_space<semaphore_mem>>
      %dma_start3A = arith.constant 0 : i32
      %dma_start3A_66 = tpu.memref_slice %arg15[%add3A_49, %dma_start3A] : memref<10240x128xf32, #tpu.memory_space<vmem_shared>> -> memref<80x128xf32, #tpu.memory_space<vmem_shared>>
      %dma_start3A_67 = arith.constant 0 : i32
      %dma_start3A_68 = tpu.memref_slice %arg15[%add3A_49, %dma_start3A_67] : memref<10240x128xf32, #tpu.memory_space<vmem_shared>> -> memref<80x128xf32, #tpu.memory_space<vmem_shared>>
      tpu.enqueue_dma source(%arg14 : memref<80x128xf32, #tpu.memory_space<vmem>>) target(%dma_start3A_68 : memref<80x128xf32, #tpu.memory_space<vmem_shared>>) target_semaphore(%run_scoped3A : memref<!tpu.dma_semaphore, #tpu.memory_space<semaphore_mem>>)
      %dma_wait3A = arith.constant 0 : i32
      %dma_wait3A_69 = tpu.memref_slice %arg15[%add3A_49, %dma_wait3A] : memref<10240x128xf32, #tpu.memory_space<vmem_shared>> -> memref<80x128xf32, #tpu.memory_space<vmem_shared>>
      %dma_wait3A_70 = arith.constant 0 : i32
      %dma_wait3A_71 = tpu.memref_slice %arg15[%add3A_49, %dma_wait3A_70] : memref<10240x128xf32, #tpu.memory_space<vmem_shared>> -> memref<80x128xf32, #tpu.memory_space<vmem_shared>>
      tpu.wait_dma2 semaphore(%run_scoped3A : memref<!tpu.dma_semaphore, #tpu.memory_space<semaphore_mem>>) src(%arg14 : memref<80x128xf32, #tpu.memory_space<vmem>>) dst(%dma_wait3A_71 : memref<80x128xf32, #tpu.memory_space<vmem_shared>>)
      tpu.yield
    }) : () -> ()
    %add3A_50 = arith.constant 400 : i32
    %add3A_51 = arith.addi %mul3A_0, %add3A_50 : i32
    "tpu.region"() ({
      %run_scoped3A = tpu.sem_alloc : memref<!tpu.dma_semaphore, #tpu.memory_space<semaphore_mem>>
      %dma_start3A = arith.constant 0 : i32
      %dma_start3A_66 = tpu.memref_slice %arg15[%add3A_51, %dma_start3A] : memref<10240x128xf32, #tpu.memory_space<vmem_shared>> -> memref<80x128xf32, #tpu.memory_space<vmem_shared>>
      %dma_start3A_67 = arith.constant 0 : i32
      %dma_start3A_68 = tpu.memref_slice %arg15[%add3A_51, %dma_start3A_67] : memref<10240x128xf32, #tpu.memory_space<vmem_shared>> -> memref<80x128xf32, #tpu.memory_space<vmem_shared>>
      tpu.enqueue_dma source(%arg14 : memref<80x128xf32, #tpu.memory_space<vmem>>) target(%dma_start3A_68 : memref<80x128xf32, #tpu.memory_space<vmem_shared>>) target_semaphore(%run_scoped3A : memref<!tpu.dma_semaphore, #tpu.memory_space<semaphore_mem>>)
      %dma_wait3A = arith.constant 0 : i32
      %dma_wait3A_69 = tpu.memref_slice %arg15[%add3A_51, %dma_wait3A] : memref<10240x128xf32, #tpu.memory_space<vmem_shared>> -> memref<80x128xf32, #tpu.memory_space<vmem_shared>>
      %dma_wait3A_70 = arith.constant 0 : i32
      %dma_wait3A_71 = tpu.memref_slice %arg15[%add3A_51, %dma_wait3A_70] : memref<10240x128xf32, #tpu.memory_space<vmem_shared>> -> memref<80x128xf32, #tpu.memory_space<vmem_shared>>
      tpu.wait_dma2 semaphore(%run_scoped3A : memref<!tpu.dma_semaphore, #tpu.memory_space<semaphore_mem>>) src(%arg14 : memref<80x128xf32, #tpu.memory_space<vmem>>) dst(%dma_wait3A_71 : memref<80x128xf32, #tpu.memory_space<vmem_shared>>)
      tpu.yield
    }) : () -> ()
    %add3A_52 = arith.constant 480 : i32
    %add3A_53 = arith.addi %mul3A_0, %add3A_52 : i32
    "tpu.region"() ({
      %run_scoped3A = tpu.sem_alloc : memref<!tpu.dma_semaphore, #tpu.memory_space<semaphore_mem>>
      %dma_start3A = arith.constant 0 : i32
      %dma_start3A_66 = tpu.memref_slice %arg15[%add3A_53, %dma_start3A] : memref<10240x128xf32, #tpu.memory_space<vmem_shared>> -> memref<80x128xf32, #tpu.memory_space<vmem_shared>>
      %dma_start3A_67 = arith.constant 0 : i32
      %dma_start3A_68 = tpu.memref_slice %arg15[%add3A_53, %dma_start3A_67] : memref<10240x128xf32, #tpu.memory_space<vmem_shared>> -> memref<80x128xf32, #tpu.memory_space<vmem_shared>>
      tpu.enqueue_dma source(%arg14 : memref<80x128xf32, #tpu.memory_space<vmem>>) target(%dma_start3A_68 : memref<80x128xf32, #tpu.memory_space<vmem_shared>>) target_semaphore(%run_scoped3A : memref<!tpu.dma_semaphore, #tpu.memory_space<semaphore_mem>>)
      %dma_wait3A = arith.constant 0 : i32
      %dma_wait3A_69 = tpu.memref_slice %arg15[%add3A_53, %dma_wait3A] : memref<10240x128xf32, #tpu.memory_space<vmem_shared>> -> memref<80x128xf32, #tpu.memory_space<vmem_shared>>
      %dma_wait3A_70 = arith.constant 0 : i32
      %dma_wait3A_71 = tpu.memref_slice %arg15[%add3A_53, %dma_wait3A_70] : memref<10240x128xf32, #tpu.memory_space<vmem_shared>> -> memref<80x128xf32, #tpu.memory_space<vmem_shared>>
      tpu.wait_dma2 semaphore(%run_scoped3A : memref<!tpu.dma_semaphore, #tpu.memory_space<semaphore_mem>>) src(%arg14 : memref<80x128xf32, #tpu.memory_space<vmem>>) dst(%dma_wait3A_71 : memref<80x128xf32, #tpu.memory_space<vmem_shared>>)
      tpu.yield
    }) : () -> ()
    %add3A_54 = arith.constant 560 : i32
    %add3A_55 = arith.addi %mul3A_0, %add3A_54 : i32
    "tpu.region"() ({
      %run_scoped3A = tpu.sem_alloc : memref<!tpu.dma_semaphore, #tpu.memory_space<semaphore_mem>>
      %dma_start3A = arith.constant 0 : i32
      %dma_start3A_66 = tpu.memref_slice %arg15[%add3A_55, %dma_start3A] : memref<10240x128xf32, #tpu.memory_space<vmem_shared>> -> memref<80x128xf32, #tpu.memory_space<vmem_shared>>
      %dma_start3A_67 = arith.constant 0 : i32
      %dma_start3A_68 = tpu.memref_slice %arg15[%add3A_55, %dma_start3A_67] : memref<10240x128xf32, #tpu.memory_space<vmem_shared>> -> memref<80x128xf32, #tpu.memory_space<vmem_shared>>
      tpu.enqueue_dma source(%arg14 : memref<80x128xf32, #tpu.memory_space<vmem>>) target(%dma_start3A_68 : memref<80x128xf32, #tpu.memory_space<vmem_shared>>) target_semaphore(%run_scoped3A : memref<!tpu.dma_semaphore, #tpu.memory_space<semaphore_mem>>)
      %dma_wait3A = arith.constant 0 : i32
      %dma_wait3A_69 = tpu.memref_slice %arg15[%add3A_55, %dma_wait3A] : memref<10240x128xf32, #tpu.memory_space<vmem_shared>> -> memref<80x128xf32, #tpu.memory_space<vmem_shared>>
      %dma_wait3A_70 = arith.constant 0 : i32
      %dma_wait3A_71 = tpu.memref_slice %arg15[%add3A_55, %dma_wait3A_70] : memref<10240x128xf32, #tpu.memory_space<vmem_shared>> -> memref<80x128xf32, #tpu.memory_space<vmem_shared>>
      tpu.wait_dma2 semaphore(%run_scoped3A : memref<!tpu.dma_semaphore, #tpu.memory_space<semaphore_mem>>) src(%arg14 : memref<80x128xf32, #tpu.memory_space<vmem>>) dst(%dma_wait3A_71 : memref<80x128xf32, #tpu.memory_space<vmem_shared>>)
      tpu.yield
    }) : () -> ()
    %barrier3A_56 = arith.constant 0 : index
    tpu.barrier barrier_id(%barrier3A_56)
    %scan3A_57 = arith.constant 0 : i32
    %scan3A_58 = arith.constant 0 : i32
    %scan3A_59 = arith.constant 25 : i32
    %scan3A_60 = arith.addi %scan3A_58, %scan3A_59 : i32
    %scan3A_61 = arith.constant 1 : i32
    %scan3A_62 = scf.for %scan3A_66 = %scan3A_58 to %scan3A_60 step %scan3A_61 iter_args(%scan3A_67 = %scan3A_57) -> (i32)  : i32 {
      "tpu.region"() ({
        %run_scoped3A = tpu.sem_alloc : memref<!tpu.dma_semaphore, #tpu.memory_space<semaphore_mem>>
        %dma_start3A = arith.constant 0 : i32
        %dma_start3A_83 = arith.constant 0 : i32
        %dma_start3A_84 = tpu.memref_slice %arg6[%arg1, %scan3A_66, %dma_start3A, %dma_start3A_83] : memref<16x25x10x80xi32, #tpu.memory_space<hbm>> -> memref<1x1x10x80xi32, #tpu.memory_space<hbm>>
        %dma_start3A_85 = tpu.memref_squeeze %dma_start3A_84 : memref<1x1x10x80xi32, #tpu.memory_space<hbm>> -> memref<10x80xi32, #tpu.memory_space<hbm>>
        %dma_start3A_86 = arith.constant 0 : i32
        %dma_start3A_87 = arith.constant 0 : i32
        %dma_start3A_88 = tpu.memref_slice %arg6[%arg1, %scan3A_66, %dma_start3A_86, %dma_start3A_87] : memref<16x25x10x80xi32, #tpu.memory_space<hbm>> -> memref<1x1x10x80xi32, #tpu.memory_space<hbm>>
        %dma_start3A_89 = tpu.memref_squeeze %dma_start3A_88 : memref<1x1x10x80xi32, #tpu.memory_space<hbm>> -> memref<10x80xi32, #tpu.memory_space<hbm>>
        tpu.enqueue_dma source(%dma_start3A_89 : memref<10x80xi32, #tpu.memory_space<hbm>>) target(%arg11 : memref<10x80xi32, #tpu.memory_space<vmem>>) target_semaphore(%run_scoped3A : memref<!tpu.dma_semaphore, #tpu.memory_space<semaphore_mem>>)
        %dma_wait3A = arith.constant 0 : i32
        %dma_wait3A_90 = arith.constant 0 : i32
        %dma_wait3A_91 = tpu.memref_slice %arg6[%arg1, %scan3A_66, %dma_wait3A, %dma_wait3A_90] : memref<16x25x10x80xi32, #tpu.memory_space<hbm>> -> memref<1x1x10x80xi32, #tpu.memory_space<hbm>>
        %dma_wait3A_92 = tpu.memref_squeeze %dma_wait3A_91 : memref<1x1x10x80xi32, #tpu.memory_space<hbm>> -> memref<10x80xi32, #tpu.memory_space<hbm>>
        %dma_wait3A_93 = arith.constant 0 : i32
        %dma_wait3A_94 = arith.constant 0 : i32
        %dma_wait3A_95 = tpu.memref_slice %arg6[%arg1, %scan3A_66, %dma_wait3A_93, %dma_wait3A_94] : memref<16x25x10x80xi32, #tpu.memory_space<hbm>> -> memref<1x1x10x80xi32, #tpu.memory_space<hbm>>
        %dma_wait3A_96 = tpu.memref_squeeze %dma_wait3A_95 : memref<1x1x10x80xi32, #tpu.memory_space<hbm>> -> memref<10x80xi32, #tpu.memory_space<hbm>>
        tpu.wait_dma2 semaphore(%run_scoped3A : memref<!tpu.dma_semaphore, #tpu.memory_space<semaphore_mem>>) src(%dma_wait3A_96 : memref<10x80xi32, #tpu.memory_space<hbm>>) dst(%arg11 : memref<10x80xi32, #tpu.memory_space<vmem>>)
        tpu.yield
      }) : () -> ()
      "tpu.region"() ({
        %run_scoped3A = tpu.sem_alloc : memref<!tpu.dma_semaphore, #tpu.memory_space<semaphore_mem>>
        %dma_start3A = arith.constant 0 : i32
        %dma_start3A_83 = arith.constant 0 : i32
        %dma_start3A_84 = tpu.memref_slice %arg7[%arg1, %scan3A_66, %dma_start3A, %dma_start3A_83] : memref<16x25x10x80xi32, #tpu.memory_space<hbm>> -> memref<1x1x10x80xi32, #tpu.memory_space<hbm>>
        %dma_start3A_85 = tpu.memref_squeeze %dma_start3A_84 : memref<1x1x10x80xi32, #tpu.memory_space<hbm>> -> memref<10x80xi32, #tpu.memory_space<hbm>>
        %dma_start3A_86 = arith.constant 0 : i32
        %dma_start3A_87 = arith.constant 0 : i32
        %dma_start3A_88 = tpu.memref_slice %arg7[%arg1, %scan3A_66, %dma_start3A_86, %dma_start3A_87] : memref<16x25x10x80xi32, #tpu.memory_space<hbm>> -> memref<1x1x10x80xi32, #tpu.memory_space<hbm>>
        %dma_start3A_89 = tpu.memref_squeeze %dma_start3A_88 : memref<1x1x10x80xi32, #tpu.memory_space<hbm>> -> memref<10x80xi32, #tpu.memory_space<hbm>>
        tpu.enqueue_dma source(%dma_start3A_89 : memref<10x80xi32, #tpu.memory_space<hbm>>) target(%arg12 : memref<10x80xi32, #tpu.memory_space<vmem>>) target_semaphore(%run_scoped3A : memref<!tpu.dma_semaphore, #tpu.memory_space<semaphore_mem>>)
        %dma_wait3A = arith.constant 0 : i32
        %dma_wait3A_90 = arith.constant 0 : i32
        %dma_wait3A_91 = tpu.memref_slice %arg7[%arg1, %scan3A_66, %dma_wait3A, %dma_wait3A_90] : memref<16x25x10x80xi32, #tpu.memory_space<hbm>> -> memref<1x1x10x80xi32, #tpu.memory_space<hbm>>
        %dma_wait3A_92 = tpu.memref_squeeze %dma_wait3A_91 : memref<1x1x10x80xi32, #tpu.memory_space<hbm>> -> memref<10x80xi32, #tpu.memory_space<hbm>>
        %dma_wait3A_93 = arith.constant 0 : i32
        %dma_wait3A_94 = arith.constant 0 : i32
        %dma_wait3A_95 = tpu.memref_slice %arg7[%arg1, %scan3A_66, %dma_wait3A_93, %dma_wait3A_94] : memref<16x25x10x80xi32, #tpu.memory_space<hbm>> -> memref<1x1x10x80xi32, #tpu.memory_space<hbm>>
        %dma_wait3A_96 = tpu.memref_squeeze %dma_wait3A_95 : memref<1x1x10x80xi32, #tpu.memory_space<hbm>> -> memref<10x80xi32, #tpu.memory_space<hbm>>
        tpu.wait_dma2 semaphore(%run_scoped3A : memref<!tpu.dma_semaphore, #tpu.memory_space<semaphore_mem>>) src(%dma_wait3A_96 : memref<10x80xi32, #tpu.memory_space<hbm>>) dst(%arg12 : memref<10x80xi32, #tpu.memory_space<vmem>>)
        tpu.yield
      }) : () -> ()
      %scan3A_68 = arith.constant 0 : i32
      %scan3A_69 = arith.constant 0 : i32
      %scan3A_70 = arith.constant 10 : i32
      %scan3A_71 = arith.addi %scan3A_69, %scan3A_70 : i32
      %scan3A_72 = arith.constant 1 : i32
      %scan3A_73 = scf.for %scan3A_83 = %scan3A_69 to %scan3A_71 step %scan3A_72 iter_args(%scan3A_84 = %scan3A_68) -> (i32)  : i32 {
        %get3A = arith.index_cast %scan3A_83 : i32 to index
        %get3A_85 = arith.constant 0 : index
        %get3A_86 = tpu.vector_load %arg11[%get3A, %get3A_85] {strides = array<i32>} : memref<10x80xi32, #tpu.memory_space<vmem>>, vector<1x16xi32>,
        %get3A_87 = vector.shape_cast %get3A_86 : vector<1x16xi32> to vector<16xi32>
        %add3A_88 = vector.broadcast %mul3A_2 : i32 to vector<16xi32>
        %add3A_89 = arith.addi %get3A_87, %add3A_88 : vector<16xi32>
        %swap3A = arith.index_cast %scan3A_83 : i32 to index
        %swap3A_90 = arith.constant 0 : index
        %swap3A_91 = tpu.vector_load %arg11[%swap3A, %swap3A_90] {strides = array<i32>} : memref<10x80xi32, #tpu.memory_space<vmem>>, vector<1x16xi32>,
        %swap3A_92 = vector.shape_cast %swap3A_91 : vector<1x16xi32> to vector<16xi32>
        %swap3A_93 = vector.shape_cast %add3A_89 : vector<16xi32> to vector<1x16xi32>
        tpu.vector_store %arg11[%swap3A, %swap3A_90], %swap3A_93 {strides = array<i32>} : memref<10x80xi32, #tpu.memory_space<vmem>>, vector<1x16xi32>,
        %get3A_94 = arith.index_cast %scan3A_83 : i32 to index
        %get3A_95 = arith.constant 16 : index
        %get3A_96 = tpu.vector_load %arg11[%get3A_94, %get3A_95] {strides = array<i32>} : memref<10x80xi32, #tpu.memory_space<vmem>>, vector<1x16xi32>,
        %get3A_97 = vector.shape_cast %get3A_96 : vector<1x16xi32> to vector<16xi32>
        %add3A_98 = vector.broadcast %mul3A_2 : i32 to vector<16xi32>
        %add3A_99 = arith.addi %get3A_97, %add3A_98 : vector<16xi32>
        %swap3A_100 = arith.index_cast %scan3A_83 : i32 to index
        %swap3A_101 = arith.constant 16 : index
        %swap3A_102 = tpu.vector_load %arg11[%swap3A_100, %swap3A_101] {strides = array<i32>} : memref<10x80xi32, #tpu.memory_space<vmem>>, vector<1x16xi32>,
        %swap3A_103 = vector.shape_cast %swap3A_102 : vector<1x16xi32> to vector<16xi32>
        %swap3A_104 = vector.shape_cast %add3A_99 : vector<16xi32> to vector<1x16xi32>
        tpu.vector_store %arg11[%swap3A_100, %swap3A_101], %swap3A_104 {strides = array<i32>} : memref<10x80xi32, #tpu.memory_space<vmem>>, vector<1x16xi32>,
        %get3A_105 = arith.index_cast %scan3A_83 : i32 to index
        %get3A_106 = arith.constant 32 : index
        %get3A_107 = tpu.vector_load %arg11[%get3A_105, %get3A_106] {strides = array<i32>} : memref<10x80xi32, #tpu.memory_space<vmem>>, vector<1x16xi32>,
        %get3A_108 = vector.shape_cast %get3A_107 : vector<1x16xi32> to vector<16xi32>
        %add3A_109 = vector.broadcast %mul3A_2 : i32 to vector<16xi32>
        %add3A_110 = arith.addi %get3A_108, %add3A_109 : vector<16xi32>
        %swap3A_111 = arith.index_cast %scan3A_83 : i32 to index
        %swap3A_112 = arith.constant 32 : index
        %swap3A_113 = tpu.vector_load %arg11[%swap3A_111, %swap3A_112] {strides = array<i32>} : memref<10x80xi32, #tpu.memory_space<vmem>>, vector<1x16xi32>,
        %swap3A_114 = vector.shape_cast %swap3A_113 : vector<1x16xi32> to vector<16xi32>
        %swap3A_115 = vector.shape_cast %add3A_110 : vector<16xi32> to vector<1x16xi32>
        tpu.vector_store %arg11[%swap3A_111, %swap3A_112], %swap3A_115 {strides = array<i32>} : memref<10x80xi32, #tpu.memory_space<vmem>>, vector<1x16xi32>,
        %get3A_116 = arith.index_cast %scan3A_83 : i32 to index
        %get3A_117 = arith.constant 48 : index
        %get3A_118 = tpu.vector_load %arg11[%get3A_116, %get3A_117] {strides = array<i32>} : memref<10x80xi32, #tpu.memory_space<vmem>>, vector<1x16xi32>,
        %get3A_119 = vector.shape_cast %get3A_118 : vector<1x16xi32> to vector<16xi32>
        %add3A_120 = vector.broadcast %mul3A_2 : i32 to vector<16xi32>
        %add3A_121 = arith.addi %get3A_119, %add3A_120 : vector<16xi32>
        %swap3A_122 = arith.index_cast %scan3A_83 : i32 to index
        %swap3A_123 = arith.constant 48 : index
        %swap3A_124 = tpu.vector_load %arg11[%swap3A_122, %swap3A_123] {strides = array<i32>} : memref<10x80xi32, #tpu.memory_space<vmem>>, vector<1x16xi32>,
        %swap3A_125 = vector.shape_cast %swap3A_124 : vector<1x16xi32> to vector<16xi32>
        %swap3A_126 = vector.shape_cast %add3A_121 : vector<16xi32> to vector<1x16xi32>
        tpu.vector_store %arg11[%swap3A_122, %swap3A_123], %swap3A_126 {strides = array<i32>} : memref<10x80xi32, #tpu.memory_space<vmem>>, vector<1x16xi32>,
        %get3A_127 = arith.index_cast %scan3A_83 : i32 to index
        %get3A_128 = arith.constant 64 : index
        %get3A_129 = tpu.vector_load %arg11[%get3A_127, %get3A_128] {strides = array<i32>} : memref<10x80xi32, #tpu.memory_space<vmem>>, vector<1x16xi32>,
        %get3A_130 = vector.shape_cast %get3A_129 : vector<1x16xi32> to vector<16xi32>
        %add3A_131 = vector.broadcast %mul3A_2 : i32 to vector<16xi32>
        %add3A_132 = arith.addi %get3A_130, %add3A_131 : vector<16xi32>
        %swap3A_133 = arith.index_cast %scan3A_83 : i32 to index
        %swap3A_134 = arith.constant 64 : index
        %swap3A_135 = tpu.vector_load %arg11[%swap3A_133, %swap3A_134] {strides = array<i32>} : memref<10x80xi32, #tpu.memory_space<vmem>>, vector<1x16xi32>,
        %swap3A_136 = vector.shape_cast %swap3A_135 : vector<1x16xi32> to vector<16xi32>
        %swap3A_137 = vector.shape_cast %add3A_132 : vector<16xi32> to vector<1x16xi32>
        tpu.vector_store %arg11[%swap3A_133, %swap3A_134], %swap3A_137 {strides = array<i32>} : memref<10x80xi32, #tpu.memory_space<vmem>>, vector<1x16xi32>,
        %scan3A_138 = arith.constant 0 : i32
        scf.yield %scan3A_138 : i32
      }
      %scan3A_74 = arith.constant 10 : i32
      %scan3A_75 = arith.constant 0 : i32
      %scan3A_76 = arith.constant 0 : i32
      %scan3A_77 = arith.constant 10 : i32
      %scan3A_78 = arith.addi %scan3A_76, %scan3A_77 : i32
      %scan3A_79 = arith.constant 1 : i32
      %scan3A_80 = scf.for %scan3A_83 = %scan3A_76 to %scan3A_78 step %scan3A_79 iter_args(%scan3A_84 = %scan3A_75) -> (i32)  : i32 {
        "tpu.region"() ({
          %run_scoped3A = tpu.sem_alloc : memref<!tpu.dma_semaphore, #tpu.memory_space<semaphore_mem>>
          %dma_start3A = arith.constant 0 : i32
          %dma_start3A_96 = tpu.memref_slice %arg11[%scan3A_83, %dma_start3A] : memref<10x80xi32, #tpu.memory_space<vmem>> -> memref<1x80xi32, #tpu.memory_space<vmem>>
          %dma_start3A_97 = tpu.memref_squeeze %dma_start3A_96 : memref<1x80xi32, #tpu.memory_space<vmem>> -> memref<80xi32, #tpu.memory_space<vmem>>
          %dma_start3A_98 = arith.constant 0 : i32
          %dma_start3A_99 = arith.constant 0 : i32
          %dma_start3A_100 = tpu.memref_slice %arg3[%dma_start3A_98, %dma_start3A_99] : memref<20480x128xf32, #tpu.memory_space<hbm>> -> memref<20480x128xf32, #tpu.memory_space<hbm>>
          tpu.enqueue_indirect_dma source(%dma_start3A_100 : memref<20480x128xf32, #tpu.memory_space<hbm>>) target(%arg14 : memref<80x128xf32, #tpu.memory_space<vmem>>) offsets(%dma_start3A_97 : memref<80xi32, #tpu.memory_space<vmem>>) semaphore(%run_scoped3A : memref<!tpu.dma_semaphore, #tpu.memory_space<semaphore_mem>>)
          %dma_wait3A = arith.constant 0 : i32
          %dma_wait3A_101 = tpu.memref_slice %arg11[%scan3A_83, %dma_wait3A] : memref<10x80xi32, #tpu.memory_space<vmem>> -> memref<1x80xi32, #tpu.memory_space<vmem>>
          %dma_wait3A_102 = tpu.memref_squeeze %dma_wait3A_101 : memref<1x80xi32, #tpu.memory_space<vmem>> -> memref<80xi32, #tpu.memory_space<vmem>>
          %dma_wait3A_103 = arith.constant 0 : i32
          %dma_wait3A_104 = arith.constant 0 : i32
          %dma_wait3A_105 = tpu.memref_slice %arg3[%dma_wait3A_103, %dma_wait3A_104] : memref<20480x128xf32, #tpu.memory_space<hbm>> -> memref<20480x128xf32, #tpu.memory_space<hbm>>
          tpu.wait_indirect_dma semaphore(%run_scoped3A : memref<!tpu.dma_semaphore, #tpu.memory_space<semaphore_mem>>) src(%dma_wait3A_105 : memref<20480x128xf32, #tpu.memory_space<hbm>>) dst(%arg14 : memref<80x128xf32, #tpu.memory_space<vmem>>)
          tpu.yield
        }) : () -> ()
        %mul3A_85 = arith.constant 10 : i32
        %mul3A_86 = arith.muli %scan3A_66, %mul3A_85 : i32
        %add3A_87 = arith.addi %mul3A_86, %scan3A_83 : i32
        "tpu.region"() ({
          %run_scoped3A = tpu.sem_alloc : memref<!tpu.dma_semaphore, #tpu.memory_space<semaphore_mem>>
          %dma_start3A = arith.constant 0 : i32
          %dma_start3A_96 = arith.constant 0 : i32
          %dma_start3A_97 = tpu.memref_slice %arg8[%arg1, %add3A_87, %dma_start3A, %dma_start3A_96] : memref<16x250x80x16xf32, #tpu.memory_space<hbm>> -> memref<1x1x80x16xf32, #tpu.memory_space<hbm>>
          %dma_start3A_98 = tpu.memref_squeeze %dma_start3A_97 : memref<1x1x80x16xf32, #tpu.memory_space<hbm>> -> memref<80x16xf32, #tpu.memory_space<hbm>>
          %dma_start3A_99 = arith.constant 0 : i32
          %dma_start3A_100 = arith.constant 0 : i32
          %dma_start3A_101 = tpu.memref_slice %arg8[%arg1, %add3A_87, %dma_start3A_99, %dma_start3A_100] : memref<16x250x80x16xf32, #tpu.memory_space<hbm>> -> memref<1x1x80x16xf32, #tpu.memory_space<hbm>>
          %dma_start3A_102 = tpu.memref_squeeze %dma_start3A_101 : memref<1x1x80x16xf32, #tpu.memory_space<hbm>> -> memref<80x16xf32, #tpu.memory_space<hbm>>
          tpu.enqueue_dma source(%dma_start3A_102 : memref<80x16xf32, #tpu.memory_space<hbm>>) target(%arg13 : memref<80x16xf32, #tpu.memory_space<vmem>>) target_semaphore(%run_scoped3A : memref<!tpu.dma_semaphore, #tpu.memory_space<semaphore_mem>>)
          %dma_wait3A = arith.constant 0 : i32
          %dma_wait3A_103 = arith.constant 0 : i32
          %dma_wait3A_104 = tpu.memref_slice %arg8[%arg1, %add3A_87, %dma_wait3A, %dma_wait3A_103] : memref<16x250x80x16xf32, #tpu.memory_space<hbm>> -> memref<1x1x80x16xf32, #tpu.memory_space<hbm>>
          %dma_wait3A_105 = tpu.memref_squeeze %dma_wait3A_104 : memref<1x1x80x16xf32, #tpu.memory_space<hbm>> -> memref<80x16xf32, #tpu.memory_space<hbm>>
          %dma_wait3A_106 = arith.constant 0 : i32
          %dma_wait3A_107 = arith.constant 0 : i32
          %dma_wait3A_108 = tpu.memref_slice %arg8[%arg1, %add3A_87, %dma_wait3A_106, %dma_wait3A_107] : memref<16x250x80x16xf32, #tpu.memory_space<hbm>> -> memref<1x1x80x16xf32, #tpu.memory_space<hbm>>
          %dma_wait3A_109 = tpu.memref_squeeze %dma_wait3A_108 : memref<1x1x80x16xf32, #tpu.memory_space<hbm>> -> memref<80x16xf32, #tpu.memory_space<hbm>>
          tpu.wait_dma2 semaphore(%run_scoped3A : memref<!tpu.dma_semaphore, #tpu.memory_space<semaphore_mem>>) src(%dma_wait3A_109 : memref<80x16xf32, #tpu.memory_space<hbm>>) dst(%arg13 : memref<80x16xf32, #tpu.memory_space<vmem>>)
          tpu.yield
        }) : () -> ()
        %scan3A_88 = arith.constant 0 : i32
        %scan3A_89 = arith.constant 0 : i32
        %scan3A_90 = arith.constant 80 : i32
        %scan3A_91 = arith.addi %scan3A_89, %scan3A_90 : i32
        %scan3A_92 = arith.constant 1 : i32
        %scan3A_93 = scf.for %scan3A_96 = %scan3A_89 to %scan3A_91 step %scan3A_92 iter_args(%scan3A_97 = %scan3A_88) -> (i32)  : i32 {
          %get3A = arith.index_cast %scan3A_96 : i32 to index
          %get3A_98 = arith.constant 0 : index
          %get3A_99 = tpu.vector_load %arg13[%get3A, %get3A_98] {strides = array<i32>} : memref<80x16xf32, #tpu.memory_space<vmem>>, vector<1x16xf32>,
          %get3A_100 = vector.shape_cast %get3A_99 : vector<1x16xf32> to vector<16xf32>
          %get3A_101 = arith.index_cast %scan3A_96 : i32 to index
          %get3A_102 = arith.constant 0 : index
          %get3A_103 = tpu.vector_load %arg14[%get3A_101, %get3A_102] {strides = array<i32>} : memref<80x128xf32, #tpu.memory_space<vmem>>, vector<1x16xf32>,
          %get3A_104 = vector.shape_cast %get3A_103 : vector<1x16xf32> to vector<16xf32>
          %mul3A_105 = arith.mulf %get3A_104, %get3A_100 : vector<16xf32>
          %swap3A = arith.index_cast %scan3A_96 : i32 to index
          %swap3A_106 = arith.constant 0 : index
          %swap3A_107 = tpu.vector_load %arg14[%swap3A, %swap3A_106] {strides = array<i32>} : memref<80x128xf32, #tpu.memory_space<vmem>>, vector<1x16xf32>,
          %swap3A_108 = vector.shape_cast %swap3A_107 : vector<1x16xf32> to vector<16xf32>
          %swap3A_109 = vector.shape_cast %mul3A_105 : vector<16xf32> to vector<1x16xf32>
          tpu.vector_store %arg14[%swap3A, %swap3A_106], %swap3A_109 {strides = array<i32>} : memref<80x128xf32, #tpu.memory_space<vmem>>, vector<1x16xf32>,
          %get3A_110 = arith.index_cast %scan3A_96 : i32 to index
          %get3A_111 = arith.constant 16 : index
          %get3A_112 = tpu.vector_load %arg14[%get3A_110, %get3A_111] {strides = array<i32>} : memref<80x128xf32, #tpu.memory_space<vmem>>, vector<1x16xf32>,
          %get3A_113 = vector.shape_cast %get3A_112 : vector<1x16xf32> to vector<16xf32>
          %mul3A_114 = arith.mulf %get3A_113, %get3A_100 : vector<16xf32>
          %swap3A_115 = arith.index_cast %scan3A_96 : i32 to index
          %swap3A_116 = arith.constant 16 : index
          %swap3A_117 = tpu.vector_load %arg14[%swap3A_115, %swap3A_116] {strides = array<i32>} : memref<80x128xf32, #tpu.memory_space<vmem>>, vector<1x16xf32>,
          %swap3A_118 = vector.shape_cast %swap3A_117 : vector<1x16xf32> to vector<16xf32>
          %swap3A_119 = vector.shape_cast %mul3A_114 : vector<16xf32> to vector<1x16xf32>
          tpu.vector_store %arg14[%swap3A_115, %swap3A_116], %swap3A_119 {strides = array<i32>} : memref<80x128xf32, #tpu.memory_space<vmem>>, vector<1x16xf32>,
          %get3A_120 = arith.index_cast %scan3A_96 : i32 to index
          %get3A_121 = arith.constant 32 : index
          %get3A_122 = tpu.vector_load %arg14[%get3A_120, %get3A_121] {strides = array<i32>} : memref<80x128xf32, #tpu.memory_space<vmem>>, vector<1x16xf32>,
          %get3A_123 = vector.shape_cast %get3A_122 : vector<1x16xf32> to vector<16xf32>
          %mul3A_124 = arith.mulf %get3A_123, %get3A_100 : vector<16xf32>
          %swap3A_125 = arith.index_cast %scan3A_96 : i32 to index
          %swap3A_126 = arith.constant 32 : index
          %swap3A_127 = tpu.vector_load %arg14[%swap3A_125, %swap3A_126] {strides = array<i32>} : memref<80x128xf32, #tpu.memory_space<vmem>>, vector<1x16xf32>,
          %swap3A_128 = vector.shape_cast %swap3A_127 : vector<1x16xf32> to vector<16xf32>
          %swap3A_129 = vector.shape_cast %mul3A_124 : vector<16xf32> to vector<1x16xf32>
          tpu.vector_store %arg14[%swap3A_125, %swap3A_126], %swap3A_129 {strides = array<i32>} : memref<80x128xf32, #tpu.memory_space<vmem>>, vector<1x16xf32>,
          %get3A_130 = arith.index_cast %scan3A_96 : i32 to index
          %get3A_131 = arith.constant 48 : index
          %get3A_132 = tpu.vector_load %arg14[%get3A_130, %get3A_131] {strides = array<i32>} : memref<80x128xf32, #tpu.memory_space<vmem>>, vector<1x16xf32>,
          %get3A_133 = vector.shape_cast %get3A_132 : vector<1x16xf32> to vector<16xf32>
          %mul3A_134 = arith.mulf %get3A_133, %get3A_100 : vector<16xf32>
          %swap3A_135 = arith.index_cast %scan3A_96 : i32 to index
          %swap3A_136 = arith.constant 48 : index
          %swap3A_137 = tpu.vector_load %arg14[%swap3A_135, %swap3A_136] {strides = array<i32>} : memref<80x128xf32, #tpu.memory_space<vmem>>, vector<1x16xf32>,
          %swap3A_138 = vector.shape_cast %swap3A_137 : vector<1x16xf32> to vector<16xf32>
          %swap3A_139 = vector.shape_cast %mul3A_134 : vector<16xf32> to vector<1x16xf32>
          tpu.vector_store %arg14[%swap3A_135, %swap3A_136], %swap3A_139 {strides = array<i32>} : memref<80x128xf32, #tpu.memory_space<vmem>>, vector<1x16xf32>,
          %get3A_140 = arith.index_cast %scan3A_96 : i32 to index
          %get3A_141 = arith.constant 64 : index
          %get3A_142 = tpu.vector_load %arg14[%get3A_140, %get3A_141] {strides = array<i32>} : memref<80x128xf32, #tpu.memory_space<vmem>>, vector<1x16xf32>,
          %get3A_143 = vector.shape_cast %get3A_142 : vector<1x16xf32> to vector<16xf32>
          %mul3A_144 = arith.mulf %get3A_143, %get3A_100 : vector<16xf32>
          %swap3A_145 = arith.index_cast %scan3A_96 : i32 to index
          %swap3A_146 = arith.constant 64 : index
          %swap3A_147 = tpu.vector_load %arg14[%swap3A_145, %swap3A_146] {strides = array<i32>} : memref<80x128xf32, #tpu.memory_space<vmem>>, vector<1x16xf32>,
          %swap3A_148 = vector.shape_cast %swap3A_147 : vector<1x16xf32> to vector<16xf32>
          %swap3A_149 = vector.shape_cast %mul3A_144 : vector<16xf32> to vector<1x16xf32>
          tpu.vector_store %arg14[%swap3A_145, %swap3A_146], %swap3A_149 {strides = array<i32>} : memref<80x128xf32, #tpu.memory_space<vmem>>, vector<1x16xf32>,
          %get3A_150 = arith.index_cast %scan3A_96 : i32 to index
          %get3A_151 = arith.constant 80 : index
          %get3A_152 = tpu.vector_load %arg14[%get3A_150, %get3A_151] {strides = array<i32>} : memref<80x128xf32, #tpu.memory_space<vmem>>, vector<1x16xf32>,
          %get3A_153 = vector.shape_cast %get3A_152 : vector<1x16xf32> to vector<16xf32>
          %mul3A_154 = arith.mulf %get3A_153, %get3A_100 : vector<16xf32>
          %swap3A_155 = arith.index_cast %scan3A_96 : i32 to index
          %swap3A_156 = arith.constant 80 : index
          %swap3A_157 = tpu.vector_load %arg14[%swap3A_155, %swap3A_156] {strides = array<i32>} : memref<80x128xf32, #tpu.memory_space<vmem>>, vector<1x16xf32>,
          %swap3A_158 = vector.shape_cast %swap3A_157 : vector<1x16xf32> to vector<16xf32>
          %swap3A_159 = vector.shape_cast %mul3A_154 : vector<16xf32> to vector<1x16xf32>
          tpu.vector_store %arg14[%swap3A_155, %swap3A_156], %swap3A_159 {strides = array<i32>} : memref<80x128xf32, #tpu.memory_space<vmem>>, vector<1x16xf32>,
          %get3A_160 = arith.index_cast %scan3A_96 : i32 to index
          %get3A_161 = arith.constant 96 : index
          %get3A_162 = tpu.vector_load %arg14[%get3A_160, %get3A_161] {strides = array<i32>} : memref<80x128xf32, #tpu.memory_space<vmem>>, vector<1x16xf32>,
          %get3A_163 = vector.shape_cast %get3A_162 : vector<1x16xf32> to vector<16xf32>
          %mul3A_164 = arith.mulf %get3A_163, %get3A_100 : vector<16xf32>
          %swap3A_165 = arith.index_cast %scan3A_96 : i32 to index
          %swap3A_166 = arith.constant 96 : index
          %swap3A_167 = tpu.vector_load %arg14[%swap3A_165, %swap3A_166] {strides = array<i32>} : memref<80x128xf32, #tpu.memory_space<vmem>>, vector<1x16xf32>,
          %swap3A_168 = vector.shape_cast %swap3A_167 : vector<1x16xf32> to vector<16xf32>
          %swap3A_169 = vector.shape_cast %mul3A_164 : vector<16xf32> to vector<1x16xf32>
          tpu.vector_store %arg14[%swap3A_165, %swap3A_166], %swap3A_169 {strides = array<i32>} : memref<80x128xf32, #tpu.memory_space<vmem>>, vector<1x16xf32>,
          %get3A_170 = arith.index_cast %scan3A_96 : i32 to index
          %get3A_171 = arith.constant 112 : index
          %get3A_172 = tpu.vector_load %arg14[%get3A_170, %get3A_171] {strides = array<i32>} : memref<80x128xf32, #tpu.memory_space<vmem>>, vector<1x16xf32>,
          %get3A_173 = vector.shape_cast %get3A_172 : vector<1x16xf32> to vector<16xf32>
          %mul3A_174 = arith.mulf %get3A_173, %get3A_100 : vector<16xf32>
          %swap3A_175 = arith.index_cast %scan3A_96 : i32 to index
          %swap3A_176 = arith.constant 112 : index
          %swap3A_177 = tpu.vector_load %arg14[%swap3A_175, %swap3A_176] {strides = array<i32>} : memref<80x128xf32, #tpu.memory_space<vmem>>, vector<1x16xf32>,
          %swap3A_178 = vector.shape_cast %swap3A_177 : vector<1x16xf32> to vector<16xf32>
          %swap3A_179 = vector.shape_cast %mul3A_174 : vector<16xf32> to vector<1x16xf32>
          tpu.vector_store %arg14[%swap3A_175, %swap3A_176], %swap3A_179 {strides = array<i32>} : memref<80x128xf32, #tpu.memory_space<vmem>>, vector<1x16xf32>,
          %scan3A_180 = arith.constant 0 : i32
          scf.yield %scan3A_180 : i32
        }
        %scan3A_94 = arith.constant 80 : i32
        "tpu.region"() ({
          %run_scoped3A = tpu.sem_alloc : memref<!tpu.dma_semaphore, #tpu.memory_space<semaphore_mem>>
          %dma_start3A = arith.constant 0 : i32
          %dma_start3A_96 = tpu.memref_slice %arg12[%scan3A_83, %dma_start3A] : memref<10x80xi32, #tpu.memory_space<vmem>> -> memref<1x80xi32, #tpu.memory_space<vmem>>
          %dma_start3A_97 = tpu.memref_squeeze %dma_start3A_96 : memref<1x80xi32, #tpu.memory_space<vmem>> -> memref<80xi32, #tpu.memory_space<vmem>>
          %dma_start3A_98 = arith.constant 0 : i32
          %dma_start3A_99 = arith.constant 0 : i32
          %dma_start3A_100 = tpu.memref_slice %arg15[%dma_start3A_98, %dma_start3A_99] : memref<10240x128xf32, #tpu.memory_space<vmem_shared>> -> memref<10240x128xf32, #tpu.memory_space<vmem_shared>>
          tpu.enqueue_indirect_dma source(%arg14 : memref<80x128xf32, #tpu.memory_space<vmem>>) target(%dma_start3A_100 : memref<10240x128xf32, #tpu.memory_space<vmem_shared>>) offsets(%dma_start3A_97 : memref<80xi32, #tpu.memory_space<vmem>>) semaphore(%run_scoped3A : memref<!tpu.dma_semaphore, #tpu.memory_space<semaphore_mem>>) {add = true}
          %dma_wait3A = arith.constant 0 : i32
          %dma_wait3A_101 = tpu.memref_slice %arg12[%scan3A_83, %dma_wait3A] : memref<10x80xi32, #tpu.memory_space<vmem>> -> memref<1x80xi32, #tpu.memory_space<vmem>>
          %dma_wait3A_102 = tpu.memref_squeeze %dma_wait3A_101 : memref<1x80xi32, #tpu.memory_space<vmem>> -> memref<80xi32, #tpu.memory_space<vmem>>
          %dma_wait3A_103 = arith.constant 0 : i32
          %dma_wait3A_104 = arith.constant 0 : i32
          %dma_wait3A_105 = tpu.memref_slice %arg15[%dma_wait3A_103, %dma_wait3A_104] : memref<10240x128xf32, #tpu.memory_space<vmem_shared>> -> memref<10240x128xf32, #tpu.memory_space<vmem_shared>>
          tpu.wait_indirect_dma semaphore(%run_scoped3A : memref<!tpu.dma_semaphore, #tpu.memory_space<semaphore_mem>>) src(%arg14 : memref<80x128xf32, #tpu.memory_space<vmem>>) dst(%dma_wait3A_105 : memref<10240x128xf32, #tpu.memory_space<vmem_shared>>)
          tpu.yield
        }) : () -> ()
        %scan3A_95 = arith.constant 0 : i32
        scf.yield %scan3A_95 : i32
      }
      %scan3A_81 = arith.constant 10 : i32
      %scan3A_82 = arith.constant 0 : i32
      scf.yield %scan3A_82 : i32
    }
    %scan3A_63 = arith.constant 25 : i32
    %barrier3A_64 = arith.constant 0 : index
    tpu.barrier barrier_id(%barrier3A_64)
    %add3A_65 = arith.addi %mul3A_2, %mul3A_0 : i32
    "tpu.region"() ({
      %run_scoped3A = tpu.sem_alloc : memref<!tpu.dma_semaphore, #tpu.memory_space<semaphore_mem>>
      %dma_start3A = arith.constant 0 : i32
      %dma_start3A_66 = tpu.memref_slice %arg10[%add3A_65, %dma_start3A] : memref<20480x128xf32, #tpu.memory_space<hbm>> -> memref<640x128xf32, #tpu.memory_space<hbm>>
      %dma_start3A_67 = arith.constant 0 : i32
      %dma_start3A_68 = tpu.memref_slice %arg15[%mul3A_0, %dma_start3A_67] : memref<10240x128xf32, #tpu.memory_space<vmem_shared>> -> memref<640x128xf32, #tpu.memory_space<vmem_shared>>
      tpu.enqueue_dma source(%dma_start3A_68 : memref<640x128xf32, #tpu.memory_space<vmem_shared>>) target(%dma_start3A_66 : memref<640x128xf32, #tpu.memory_space<hbm>>) target_semaphore(%run_scoped3A : memref<!tpu.dma_semaphore, #tpu.memory_space<semaphore_mem>>)
      %dma_wait3A = arith.constant 0 : i32
      %dma_wait3A_69 = tpu.memref_slice %arg10[%add3A_65, %dma_wait3A] : memref<20480x128xf32, #tpu.memory_space<hbm>> -> memref<640x128xf32, #tpu.memory_space<hbm>>
      %dma_wait3A_70 = arith.constant 0 : i32
      %dma_wait3A_71 = tpu.memref_slice %arg15[%mul3A_0, %dma_wait3A_70] : memref<10240x128xf32, #tpu.memory_space<vmem_shared>> -> memref<640x128xf32, #tpu.memory_space<vmem_shared>>
      tpu.wait_dma2 semaphore(%run_scoped3A : memref<!tpu.dma_semaphore, #tpu.memory_space<semaphore_mem>>) src(%dma_wait3A_71 : memref<640x128xf32, #tpu.memory_space<vmem_shared>>) dst(%dma_wait3A_69 : memref<640x128xf32, #tpu.memory_space<hbm>>)
      tpu.yield
    }) : () -> ()
    return
  }
}

module attributes {stable_mosaic.version = 14 : i64} {
  func.func @_prep_body(%arg0: i32, %arg1: memref<1000x128xf32, #tpu.memory_space<vmem>>, %arg2: memref<1000x128xf32, #tpu.memory_space<vmem>>, %arg3: memref<128x128xf32, #tpu.memory_space<vmem>>, %arg4: memref<128x128xf32, #tpu.memory_space<vmem>>, %arg5: memref<2x1000x16xf32, #tpu.memory_space<vmem>>, %arg6: memref<2x1000x128xf32, #tpu.memory_space<vmem>>, %arg7: memref<2x1000x128xf32, #tpu.memory_space<vmem>>) attributes {dimension_semantics = [#tpu.dimension_semantics<arbitrary>], iteration_bounds = array<i64: 10>, scalar_prefetch = 0 : i64, scratch_operands = 0 : i64, tpu.core_type = #tpu.core_type<tc>, window_params = [{transform_indices = @transform_0, window_bounds = array<i64: 1000, 128>}, {transform_indices = @transform_1, window_bounds = array<i64: 1000, 128>}, {pipeline_mode = #tpu.pipeline_mode<synchronous>, transform_indices = @transform_2, window_bounds = array<i64: 128, 128>}, {pipeline_mode = #tpu.pipeline_mode<synchronous>, transform_indices = @transform_3, window_bounds = array<i64: 128, 128>}, {transform_indices = @transform_4, window_bounds = array<i64: 2, 1000, 16>}, {transform_indices = @transform_5, window_bounds = array<i64: 2, 1000, 128>}, {transform_indices = @transform_6, window_bounds = array<i64: 2, 1000, 128>}]} {
    %get3A = arith.constant 0 : index
    %get3A_0 = arith.constant 0 : index
    %get3A_1 = arith.constant 0 : index
    %get3A_2 = vector.load %arg5[%get3A, %get3A_0, %get3A_1] : memref<2x1000x16xf32, #tpu.memory_space<vmem>>, vector<1x1000x1xf32>
    %get3A_3 = vector.shape_cast %get3A_2 : vector<1x1000x1xf32> to vector<1000x1xf32>
    %get3A_4 = arith.constant 1 : index
    %get3A_5 = arith.constant 0 : index
    %get3A_6 = arith.constant 0 : index
    %get3A_7 = vector.load %arg5[%get3A_4, %get3A_5, %get3A_6] : memref<2x1000x16xf32, #tpu.memory_space<vmem>>, vector<1x1000x1xf32>
    %get3A_8 = vector.shape_cast %get3A_7 : vector<1x1000x1xf32> to vector<1000x1xf32>
    %add3A = arith.addf %get3A_3, %get3A_8 : vector<1000x1xf32>
    %add3A_9 = arith.constant 1.000000e+00 : f32
    %add3A_10 = vector.broadcast %add3A_9 : f32 to vector<1000x1xf32>
    %add3A_11 = arith.addf %add3A, %add3A_10 : vector<1000x1xf32>
    %rsqrt3A = math.rsqrt %add3A_11 : vector<1000x1xf32>
    %get3A_12 = arith.constant 0 : index
    %get3A_13 = arith.constant 0 : index
    %get3A_14 = vector.load %arg1[%get3A_12, %get3A_13] : memref<1000x128xf32, #tpu.memory_space<vmem>>, vector<1000x128xf32>
    %get3A_15 = arith.constant 0 : index
    %get3A_16 = arith.constant 0 : index
    %get3A_17 = vector.load %arg2[%get3A_15, %get3A_16] : memref<1000x128xf32, #tpu.memory_space<vmem>>, vector<1000x128xf32>
    %get3A_18 = arith.constant 0 : index
    %get3A_19 = arith.constant 0 : index
    %get3A_20 = vector.load %arg3[%get3A_18, %get3A_19] : memref<128x128xf32, #tpu.memory_space<vmem>>, vector<128x128xf32>
    %get3A_21 = arith.constant 0 : index
    %get3A_22 = arith.constant 0 : index
    %get3A_23 = vector.load %arg4[%get3A_21, %get3A_22] : memref<128x128xf32, #tpu.memory_space<vmem>>, vector<128x128xf32>
    %dot_general3A = arith.constant dense<0.000000e+00> : vector<1000x128xf32>
    %dot_general3A_24 = tpu.matmul %get3A_14, %get3A_20, %dot_general3A {dimension_numbers = #tpu.dot_dimension_numbers<[1], [0], [0], [1], [0, 0, 1, 1], [], []>, transpose_lhs_hint = false} : vector<1000x128xf32>, vector<128x128xf32>, vector<1000x128xf32> -> vector<1000x128xf32>
    %mul3A = vector.broadcast %rsqrt3A : vector<1000x1xf32> to vector<1000x128xf32>
    %mul3A_25 = arith.mulf %dot_general3A_24, %mul3A : vector<1000x128xf32>
    %swap3A = arith.constant 0 : index
    %swap3A_26 = arith.constant 0 : index
    %swap3A_27 = arith.constant 0 : index
    %swap3A_28 = vector.load %arg6[%swap3A, %swap3A_26, %swap3A_27] : memref<2x1000x128xf32, #tpu.memory_space<vmem>>, vector<1x1000x128xf32>
    %swap3A_29 = vector.shape_cast %swap3A_28 : vector<1x1000x128xf32> to vector<1000x128xf32>
    %swap3A_30 = vector.shape_cast %mul3A_25 : vector<1000x128xf32> to vector<1x1000x128xf32>
    tpu.vector_store %arg6[%swap3A, %swap3A_26, %swap3A_27], %swap3A_30 {strides = array<i32>} : memref<2x1000x128xf32, #tpu.memory_space<vmem>>, vector<1x1000x128xf32>,
    %dot_general3A_31 = arith.constant dense<0.000000e+00> : vector<1000x128xf32>
    %dot_general3A_32 = tpu.matmul %get3A_17, %get3A_20, %dot_general3A_31 {dimension_numbers = #tpu.dot_dimension_numbers<[1], [0], [0], [1], [0, 0, 1, 1], [], []>, transpose_lhs_hint = false} : vector<1000x128xf32>, vector<128x128xf32>, vector<1000x128xf32> -> vector<1000x128xf32>
    %mul3A_33 = vector.broadcast %rsqrt3A : vector<1000x1xf32> to vector<1000x128xf32>
    %mul3A_34 = arith.mulf %dot_general3A_32, %mul3A_33 : vector<1000x128xf32>
    %swap3A_35 = arith.constant 1 : index
    %swap3A_36 = arith.constant 0 : index
    %swap3A_37 = arith.constant 0 : index
    %swap3A_38 = vector.load %arg6[%swap3A_35, %swap3A_36, %swap3A_37] : memref<2x1000x128xf32, #tpu.memory_space<vmem>>, vector<1x1000x128xf32>
    %swap3A_39 = vector.shape_cast %swap3A_38 : vector<1x1000x128xf32> to vector<1000x128xf32>
    %swap3A_40 = vector.shape_cast %mul3A_34 : vector<1000x128xf32> to vector<1x1000x128xf32>
    tpu.vector_store %arg6[%swap3A_35, %swap3A_36, %swap3A_37], %swap3A_40 {strides = array<i32>} : memref<2x1000x128xf32, #tpu.memory_space<vmem>>, vector<1x1000x128xf32>,
    %dot_general3A_41 = arith.constant dense<0.000000e+00> : vector<1000x128xf32>
    %dot_general3A_42 = tpu.matmul %get3A_14, %get3A_23, %dot_general3A_41 {dimension_numbers = #tpu.dot_dimension_numbers<[1], [0], [0], [1], [0, 0, 1, 1], [], []>, transpose_lhs_hint = false} : vector<1000x128xf32>, vector<128x128xf32>, vector<1000x128xf32> -> vector<1000x128xf32>
    %swap3A_43 = arith.constant 0 : index
    %swap3A_44 = arith.constant 0 : index
    %swap3A_45 = arith.constant 0 : index
    %swap3A_46 = vector.load %arg7[%swap3A_43, %swap3A_44, %swap3A_45] : memref<2x1000x128xf32, #tpu.memory_space<vmem>>, vector<1x1000x128xf32>
    %swap3A_47 = vector.shape_cast %swap3A_46 : vector<1x1000x128xf32> to vector<1000x128xf32>
    %swap3A_48 = vector.shape_cast %dot_general3A_42 : vector<1000x128xf32> to vector<1x1000x128xf32>
    tpu.vector_store %arg7[%swap3A_43, %swap3A_44, %swap3A_45], %swap3A_48 {strides = array<i32>} : memref<2x1000x128xf32, #tpu.memory_space<vmem>>, vector<1x1000x128xf32>,
    %dot_general3A_49 = arith.constant dense<0.000000e+00> : vector<1000x128xf32>
    %dot_general3A_50 = tpu.matmul %get3A_17, %get3A_23, %dot_general3A_49 {dimension_numbers = #tpu.dot_dimension_numbers<[1], [0], [0], [1], [0, 0, 1, 1], [], []>, transpose_lhs_hint = false} : vector<1000x128xf32>, vector<128x128xf32>, vector<1000x128xf32> -> vector<1000x128xf32>
    %swap3A_51 = arith.constant 1 : index
    %swap3A_52 = arith.constant 0 : index
    %swap3A_53 = arith.constant 0 : index
    %swap3A_54 = vector.load %arg7[%swap3A_51, %swap3A_52, %swap3A_53] : memref<2x1000x128xf32, #tpu.memory_space<vmem>>, vector<1x1000x128xf32>
    %swap3A_55 = vector.shape_cast %swap3A_54 : vector<1x1000x128xf32> to vector<1000x128xf32>
    %swap3A_56 = vector.shape_cast %dot_general3A_50 : vector<1000x128xf32> to vector<1x1000x128xf32>
    tpu.vector_store %arg7[%swap3A_51, %swap3A_52, %swap3A_53], %swap3A_56 {strides = array<i32>} : memref<2x1000x128xf32, #tpu.memory_space<vmem>>, vector<1x1000x128xf32>,
    return
  }
  func.func @transform_0(%arg0: i32) -> (i32, i32) {
    %c0_i32 = arith.constant 0 : i32
    %c0_i32_0 = arith.constant 0 : i32
    return %arg0, %c0_i32 : i32, i32
  }
  func.func @transform_1(%arg0: i32) -> (i32, i32) {
    %c0_i32 = arith.constant 0 : i32
    %c0_i32_0 = arith.constant 0 : i32
    return %arg0, %c0_i32 : i32, i32
  }
  func.func @transform_2(%arg0: i32) -> (i32, i32) {
    %c0_i32 = arith.constant 0 : i32
    %c0_i32_0 = arith.constant 0 : i32
    %c0_i32_1 = arith.constant 0 : i32
    return %c0_i32, %c0_i32_0 : i32, i32
  }
  func.func @transform_3(%arg0: i32) -> (i32, i32) {
    %c0_i32 = arith.constant 0 : i32
    %c0_i32_0 = arith.constant 0 : i32
    %c0_i32_1 = arith.constant 0 : i32
    return %c0_i32, %c0_i32_0 : i32, i32
  }
  func.func @transform_4(%arg0: i32) -> (i32, i32, i32) {
    %c0_i32 = arith.constant 0 : i32
    %c0_i32_0 = arith.constant 0 : i32
    %c0_i32_1 = arith.constant 0 : i32
    return %c0_i32, %arg0, %c0_i32_0 : i32, i32, i32
  }
  func.func @transform_5(%arg0: i32) -> (i32, i32, i32) {
    %c0_i32 = arith.constant 0 : i32
    %c0_i32_0 = arith.constant 0 : i32
    %c0_i32_1 = arith.constant 0 : i32
    return %c0_i32, %arg0, %c0_i32_0 : i32, i32, i32
  }
  func.func @transform_6(%arg0: i32) -> (i32, i32, i32) {
    %c0_i32 = arith.constant 0 : i32
    %c0_i32_0 = arith.constant 0 : i32
    %c0_i32_1 = arith.constant 0 : i32
    return %c0_i32, %arg0, %c0_i32_0 : i32, i32, i32
  }
}

module attributes {stable_mosaic.version = 14 : i64} {
  func.func @_read_body(%arg0: i32, %arg1: memref<2x1000x128xf32, #tpu.memory_space<vmem>>, %arg2: memref<2x1000x128xf32, #tpu.memory_space<vmem>>, %arg3: memref<2x1000x128xf32, #tpu.memory_space<vmem>>, %arg4: memref<2x1000x16xf32, #tpu.memory_space<vmem>>, %arg5: memref<1x128xf32, #tpu.memory_space<vmem>>, %arg6: memref<1x128xf32, #tpu.memory_space<vmem>>, %arg7: memref<1x1xf32, #tpu.memory_space<vmem>>, %arg8: memref<128x128xf32, #tpu.memory_space<vmem>>, %arg9: memref<1x1xf32, #tpu.memory_space<vmem>>, %arg10: memref<1000x4xf32, #tpu.memory_space<vmem>>) attributes {dimension_semantics = [#tpu.dimension_semantics<arbitrary>], iteration_bounds = array<i64: 10>, scalar_prefetch = 0 : i64, scratch_operands = 0 : i64, tpu.core_type = #tpu.core_type<tc>, window_params = [{transform_indices = @transform_0, window_bounds = array<i64: 2, 1000, 128>}, {transform_indices = @transform_1, window_bounds = array<i64: 2, 1000, 128>}, {transform_indices = @transform_2, window_bounds = array<i64: 2, 1000, 128>}, {transform_indices = @transform_3, window_bounds = array<i64: 2, 1000, 16>}, {pipeline_mode = #tpu.pipeline_mode<synchronous>, transform_indices = @transform_4, window_bounds = array<i64: 1, 128>}, {pipeline_mode = #tpu.pipeline_mode<synchronous>, transform_indices = @transform_5, window_bounds = array<i64: 1, 128>}, {pipeline_mode = #tpu.pipeline_mode<synchronous>, transform_indices = @transform_6, window_bounds = array<i64: 1, 1>}, {pipeline_mode = #tpu.pipeline_mode<synchronous>, transform_indices = @transform_7, window_bounds = array<i64: 128, 128>}, {pipeline_mode = #tpu.pipeline_mode<synchronous>, transform_indices = @transform_8, window_bounds = array<i64: 1, 1>}, {transform_indices = @transform_9, window_bounds = array<i64: 1000, 4>}]} {
    %get3A = arith.constant 0 : index
    %get3A_0 = arith.constant 0 : index
    %get3A_1 = arith.constant 0 : index
    %get3A_2 = vector.load %arg4[%get3A, %get3A_0, %get3A_1] : memref<2x1000x16xf32, #tpu.memory_space<vmem>>, vector<1x1000x1xf32>
    %get3A_3 = vector.shape_cast %get3A_2 : vector<1x1000x1xf32> to vector<1000x1xf32>
    %get3A_4 = arith.constant 1 : index
    %get3A_5 = arith.constant 0 : index
    %get3A_6 = arith.constant 0 : index
    %get3A_7 = vector.load %arg4[%get3A_4, %get3A_5, %get3A_6] : memref<2x1000x16xf32, #tpu.memory_space<vmem>>, vector<1x1000x1xf32>
    %get3A_8 = vector.shape_cast %get3A_7 : vector<1x1000x1xf32> to vector<1000x1xf32>
    %add3A = arith.addf %get3A_3, %get3A_8 : vector<1000x1xf32>
    %add3A_9 = arith.constant 1.000000e+00 : f32
    %add3A_10 = vector.broadcast %add3A_9 : f32 to vector<1000x1xf32>
    %add3A_11 = arith.addf %add3A, %add3A_10 : vector<1000x1xf32>
    %rsqrt3A = math.rsqrt %add3A_11 : vector<1000x1xf32>
    %get3A_12 = arith.constant 0 : index
    %get3A_13 = arith.constant 0 : index
    %get3A_14 = vector.load %arg7[%get3A_12, %get3A_13] : memref<1x1xf32, #tpu.memory_space<vmem>>, vector<1x1xf32>
    %get3A_15 = vector.extract %get3A_14[0, 0] : f32 from vector<1x1xf32>
    %get3A_16 = arith.constant 0 : index
    %get3A_17 = arith.constant 0 : index
    %get3A_18 = arith.constant 0 : index
    %get3A_19 = vector.load %arg1[%get3A_16, %get3A_17, %get3A_18] : memref<2x1000x128xf32, #tpu.memory_space<vmem>>, vector<1x1000x128xf32>
    %get3A_20 = vector.shape_cast %get3A_19 : vector<1x1000x128xf32> to vector<1000x128xf32>
    %get3A_21 = arith.constant 0 : index
    %get3A_22 = arith.constant 0 : index
    %get3A_23 = arith.constant 0 : index
    %get3A_24 = vector.load %arg3[%get3A_21, %get3A_22, %get3A_23] : memref<2x1000x128xf32, #tpu.memory_space<vmem>>, vector<1x1000x128xf32>
    %get3A_25 = vector.shape_cast %get3A_24 : vector<1x1000x128xf32> to vector<1000x128xf32>
    %add3A_26 = arith.addf %get3A_20, %get3A_25 : vector<1000x128xf32>
    %mul3A = vector.broadcast %rsqrt3A : vector<1000x1xf32> to vector<1000x128xf32>
    %mul3A_27 = arith.mulf %add3A_26, %mul3A : vector<1000x128xf32>
    %get3A_28 = arith.constant 0 : index
    %get3A_29 = arith.constant 0 : index
    %get3A_30 = vector.load %arg5[%get3A_28, %get3A_29] : memref<1x128xf32, #tpu.memory_space<vmem>>, vector<1x128xf32>
    %add3A_31 = vector.broadcast %get3A_30 : vector<1x128xf32> to vector<1000x128xf32>
    %add3A_32 = arith.addf %mul3A_27, %add3A_31 : vector<1000x128xf32>
    %gt3A = arith.constant 0.000000e+00 : f32
    %gt3A_33 = vector.broadcast %gt3A : f32 to vector<1000x128xf32>
    %gt3A_34 = arith.cmpf ogt, %add3A_32, %gt3A_33 : vector<1000x128xf32>
    %mul3A_35 = vector.broadcast %get3A_15 : f32 to vector<1000x128xf32>
    %mul3A_36 = arith.mulf %mul3A_35, %add3A_32 : vector<1000x128xf32>
    %select_n3A = arith.select %gt3A_34, %add3A_32, %mul3A_36 : vector<1000x128xi1>, vector<1000x128xf32>
    %get3A_37 = arith.constant 1 : index
    %get3A_38 = arith.constant 0 : index
    %get3A_39 = arith.constant 0 : index
    %get3A_40 = vector.load %arg1[%get3A_37, %get3A_38, %get3A_39] : memref<2x1000x128xf32, #tpu.memory_space<vmem>>, vector<1x1000x128xf32>
    %get3A_41 = vector.shape_cast %get3A_40 : vector<1x1000x128xf32> to vector<1000x128xf32>
    %get3A_42 = arith.constant 1 : index
    %get3A_43 = arith.constant 0 : index
    %get3A_44 = arith.constant 0 : index
    %get3A_45 = vector.load %arg3[%get3A_42, %get3A_43, %get3A_44] : memref<2x1000x128xf32, #tpu.memory_space<vmem>>, vector<1x1000x128xf32>
    %get3A_46 = vector.shape_cast %get3A_45 : vector<1x1000x128xf32> to vector<1000x128xf32>
    %add3A_47 = arith.addf %get3A_41, %get3A_46 : vector<1000x128xf32>
    %mul3A_48 = vector.broadcast %rsqrt3A : vector<1000x1xf32> to vector<1000x128xf32>
    %mul3A_49 = arith.mulf %add3A_47, %mul3A_48 : vector<1000x128xf32>
    %get3A_50 = arith.constant 0 : index
    %get3A_51 = arith.constant 0 : index
    %get3A_52 = vector.load %arg5[%get3A_50, %get3A_51] : memref<1x128xf32, #tpu.memory_space<vmem>>, vector<1x128xf32>
    %add3A_53 = vector.broadcast %get3A_52 : vector<1x128xf32> to vector<1000x128xf32>
    %add3A_54 = arith.addf %mul3A_49, %add3A_53 : vector<1000x128xf32>
    %gt3A_55 = arith.constant 0.000000e+00 : f32
    %gt3A_56 = vector.broadcast %gt3A_55 : f32 to vector<1000x128xf32>
    %gt3A_57 = arith.cmpf ogt, %add3A_54, %gt3A_56 : vector<1000x128xf32>
    %mul3A_58 = vector.broadcast %get3A_15 : f32 to vector<1000x128xf32>
    %mul3A_59 = arith.mulf %mul3A_58, %add3A_54 : vector<1000x128xf32>
    %select_n3A_60 = arith.select %gt3A_57, %add3A_54, %mul3A_59 : vector<1000x128xi1>, vector<1000x128xf32>
    %get3A_61 = arith.constant 0 : index
    %get3A_62 = arith.constant 0 : index
    %get3A_63 = arith.constant 0 : index
    %get3A_64 = vector.load %arg2[%get3A_61, %get3A_62, %get3A_63] : memref<2x1000x128xf32, #tpu.memory_space<vmem>>, vector<1x1000x128xf32>
    %get3A_65 = vector.shape_cast %get3A_64 : vector<1x1000x128xf32> to vector<1000x128xf32>
    %get3A_66 = arith.constant 0 : index
    %get3A_67 = arith.constant 0 : index
    %get3A_68 = vector.load %arg6[%get3A_66, %get3A_67] : memref<1x128xf32, #tpu.memory_space<vmem>>, vector<1x128xf32>
    %add3A_69 = vector.broadcast %get3A_68 : vector<1x128xf32> to vector<1000x128xf32>
    %add3A_70 = arith.addf %get3A_65, %add3A_69 : vector<1000x128xf32>
    %gt3A_71 = arith.constant 0.000000e+00 : f32
    %gt3A_72 = vector.broadcast %gt3A_71 : f32 to vector<1000x128xf32>
    %gt3A_73 = arith.cmpf ogt, %add3A_70, %gt3A_72 : vector<1000x128xf32>
    %mul3A_74 = vector.broadcast %get3A_15 : f32 to vector<1000x128xf32>
    %mul3A_75 = arith.mulf %mul3A_74, %add3A_70 : vector<1000x128xf32>
    %select_n3A_76 = arith.select %gt3A_73, %add3A_70, %mul3A_75 : vector<1000x128xi1>, vector<1000x128xf32>
    %get3A_77 = arith.constant 1 : index
    %get3A_78 = arith.constant 0 : index
    %get3A_79 = arith.constant 0 : index
    %get3A_80 = vector.load %arg2[%get3A_77, %get3A_78, %get3A_79] : memref<2x1000x128xf32, #tpu.memory_space<vmem>>, vector<1x1000x128xf32>
    %get3A_81 = vector.shape_cast %get3A_80 : vector<1x1000x128xf32> to vector<1000x128xf32>
    %get3A_82 = arith.constant 0 : index
    %get3A_83 = arith.constant 0 : index
    %get3A_84 = vector.load %arg6[%get3A_82, %get3A_83] : memref<1x128xf32, #tpu.memory_space<vmem>>, vector<1x128xf32>
    %add3A_85 = vector.broadcast %get3A_84 : vector<1x128xf32> to vector<1000x128xf32>
    %add3A_86 = arith.addf %get3A_81, %add3A_85 : vector<1000x128xf32>
    %gt3A_87 = arith.constant 0.000000e+00 : f32
    %gt3A_88 = vector.broadcast %gt3A_87 : f32 to vector<1000x128xf32>
    %gt3A_89 = arith.cmpf ogt, %add3A_86, %gt3A_88 : vector<1000x128xf32>
    %mul3A_90 = vector.broadcast %get3A_15 : f32 to vector<1000x128xf32>
    %mul3A_91 = arith.mulf %mul3A_90, %add3A_86 : vector<1000x128xf32>
    %select_n3A_92 = arith.select %gt3A_89, %add3A_86, %mul3A_91 : vector<1000x128xi1>, vector<1000x128xf32>
    %reduce_sum3A = arith.constant dense<0.000000e+00> : vector<1000xf32>
    %reduce_sum3A_93 = vector.multi_reduction <add>, %select_n3A, %reduce_sum3A [1] : vector<1000x128xf32> to vector<1000xf32>
    %broadcast_in_dim3A = vector.shape_cast %reduce_sum3A_93 : vector<1000xf32> to vector<1000x1xf32>
    %div3A = arith.constant 1.280000e+02 : f32
    %div3A_94 = vector.broadcast %div3A : f32 to vector<1000x1xf32>
    %div3A_95 = arith.divf %broadcast_in_dim3A, %div3A_94 : vector<1000x1xf32>
    %logistic3A = arith.negf %div3A_95 : vector<1000x1xf32>
    %logistic3A_96 = math.exp %logistic3A : vector<1000x1xf32>
    %logistic3A_97 = arith.constant 1.000000e+00 : f32
    %logistic3A_98 = vector.broadcast %logistic3A_97 : f32 to vector<1000x1xf32>
    %logistic3A_99 = arith.addf %logistic3A_98, %logistic3A_96 : vector<1000x1xf32>
    %logistic3A_100 = arith.divf %logistic3A_98, %logistic3A_99 : vector<1000x1xf32>
    %reduce_sum3A_101 = arith.constant dense<0.000000e+00> : vector<1000xf32>
    %reduce_sum3A_102 = vector.multi_reduction <add>, %select_n3A_76, %reduce_sum3A_101 [1] : vector<1000x128xf32> to vector<1000xf32>
    %broadcast_in_dim3A_103 = vector.shape_cast %reduce_sum3A_102 : vector<1000xf32> to vector<1000x1xf32>
    %div3A_104 = arith.constant 1.280000e+02 : f32
    %div3A_105 = vector.broadcast %div3A_104 : f32 to vector<1000x1xf32>
    %div3A_106 = arith.divf %broadcast_in_dim3A_103, %div3A_105 : vector<1000x1xf32>
    %logistic3A_107 = arith.negf %div3A_106 : vector<1000x1xf32>
    %logistic3A_108 = math.exp %logistic3A_107 : vector<1000x1xf32>
    %logistic3A_109 = arith.constant 1.000000e+00 : f32
    %logistic3A_110 = vector.broadcast %logistic3A_109 : f32 to vector<1000x1xf32>
    %logistic3A_111 = arith.addf %logistic3A_110, %logistic3A_108 : vector<1000x1xf32>
    %logistic3A_112 = arith.divf %logistic3A_110, %logistic3A_111 : vector<1000x1xf32>
    %get3A_113 = arith.constant 0 : index
    %get3A_114 = arith.constant 0 : index
    %get3A_115 = vector.load %arg8[%get3A_113, %get3A_114] : memref<128x128xf32, #tpu.memory_space<vmem>>, vector<128x128xf32>
    %reduce_sum3A_116 = arith.constant dense<0.000000e+00> : vector<128xf32>
    %reduce_sum3A_117 = vector.multi_reduction <add>, %get3A_115, %reduce_sum3A_116 [1] : vector<128x128xf32> to vector<128xf32>
    %broadcast_in_dim3A_118 = vector.shape_cast %reduce_sum3A_117 : vector<128xf32> to vector<128x1xf32>
    %get3A_119 = arith.constant 0 : index
    %get3A_120 = arith.constant 0 : index
    %get3A_121 = vector.load %arg9[%get3A_119, %get3A_120] : memref<1x1xf32, #tpu.memory_space<vmem>>, vector<1x1xf32>
    %get3A_122 = vector.extract %get3A_121[0, 0] : f32 from vector<1x1xf32>
    %dot_general3A = arith.constant dense<0.000000e+00> : vector<1000x1xf32>
    %dot_general3A_123 = tpu.matmul %select_n3A, %broadcast_in_dim3A_118, %dot_general3A {dimension_numbers = #tpu.dot_dimension_numbers<[1], [0], [0], [1], [0, 0, 1, 1], [], []>, transpose_lhs_hint = false} : vector<1000x128xf32>, vector<128x1xf32>, vector<1000x1xf32> -> vector<1000x1xf32>
    %dot_general3A_124 = arith.constant dense<0.000000e+00> : vector<1000x1xf32>
    %dot_general3A_125 = tpu.matmul %select_n3A_76, %broadcast_in_dim3A_118, %dot_general3A_124 {dimension_numbers = #tpu.dot_dimension_numbers<[1], [0], [0], [1], [0, 0, 1, 1], [], []>, transpose_lhs_hint = false} : vector<1000x128xf32>, vector<128x1xf32>, vector<1000x1xf32> -> vector<1000x1xf32>
    %dot_general3A_126 = arith.constant dense<0.000000e+00> : vector<1000x1xf32>
    %dot_general3A_127 = tpu.matmul %select_n3A_60, %broadcast_in_dim3A_118, %dot_general3A_126 {dimension_numbers = #tpu.dot_dimension_numbers<[1], [0], [0], [1], [0, 0, 1, 1], [], []>, transpose_lhs_hint = false} : vector<1000x128xf32>, vector<128x1xf32>, vector<1000x1xf32> -> vector<1000x1xf32>
    %dot_general3A_128 = arith.constant dense<0.000000e+00> : vector<1000x1xf32>
    %dot_general3A_129 = tpu.matmul %select_n3A_92, %broadcast_in_dim3A_118, %dot_general3A_128 {dimension_numbers = #tpu.dot_dimension_numbers<[1], [0], [0], [1], [0, 0, 1, 1], [], []>, transpose_lhs_hint = false} : vector<1000x128xf32>, vector<128x1xf32>, vector<1000x1xf32> -> vector<1000x1xf32>
    %mul3A_130 = arith.mulf %logistic3A_100, %dot_general3A_125 : vector<1000x1xf32>
    %add3A_131 = vector.broadcast %get3A_122 : f32 to vector<1000x1xf32>
    %add3A_132 = arith.addf %mul3A_130, %add3A_131 : vector<1000x1xf32>
    %swap3A = arith.constant 0 : index
    %swap3A_133 = arith.constant 0 : index
    %swap3A_134 = vector.load %arg10[%swap3A, %swap3A_133] : memref<1000x4xf32, #tpu.memory_space<vmem>>, vector<1000x1xf32>
    tpu.vector_store %arg10[%swap3A, %swap3A_133], %add3A_132 {strides = array<i32>} : memref<1000x4xf32, #tpu.memory_space<vmem>>, vector<1000x1xf32>,
    %mul3A_135 = arith.mulf %logistic3A_112, %dot_general3A_123 : vector<1000x1xf32>
    %add3A_136 = vector.broadcast %get3A_122 : f32 to vector<1000x1xf32>
    %add3A_137 = arith.addf %mul3A_135, %add3A_136 : vector<1000x1xf32>
    %swap3A_138 = arith.constant 0 : index
    %swap3A_139 = arith.constant 1 : index
    %swap3A_140 = vector.load %arg10[%swap3A_138, %swap3A_139] : memref<1000x4xf32, #tpu.memory_space<vmem>>, vector<1000x1xf32>
    tpu.vector_store %arg10[%swap3A_138, %swap3A_139], %add3A_137 {strides = array<i32>} : memref<1000x4xf32, #tpu.memory_space<vmem>>, vector<1000x1xf32>,
    %mul3A_141 = arith.mulf %logistic3A_100, %dot_general3A_129 : vector<1000x1xf32>
    %add3A_142 = vector.broadcast %get3A_122 : f32 to vector<1000x1xf32>
    %add3A_143 = arith.addf %mul3A_141, %add3A_142 : vector<1000x1xf32>
    %swap3A_144 = arith.constant 0 : index
    %swap3A_145 = arith.constant 2 : index
    %swap3A_146 = vector.load %arg10[%swap3A_144, %swap3A_145] : memref<1000x4xf32, #tpu.memory_space<vmem>>, vector<1000x1xf32>
    tpu.vector_store %arg10[%swap3A_144, %swap3A_145], %add3A_143 {strides = array<i32>} : memref<1000x4xf32, #tpu.memory_space<vmem>>, vector<1000x1xf32>,
    %mul3A_147 = arith.mulf %logistic3A_112, %dot_general3A_127 : vector<1000x1xf32>
    %add3A_148 = vector.broadcast %get3A_122 : f32 to vector<1000x1xf32>
    %add3A_149 = arith.addf %mul3A_147, %add3A_148 : vector<1000x1xf32>
    %swap3A_150 = arith.constant 0 : index
    %swap3A_151 = arith.constant 3 : index
    %swap3A_152 = vector.load %arg10[%swap3A_150, %swap3A_151] : memref<1000x4xf32, #tpu.memory_space<vmem>>, vector<1000x1xf32>
    tpu.vector_store %arg10[%swap3A_150, %swap3A_151], %add3A_149 {strides = array<i32>} : memref<1000x4xf32, #tpu.memory_space<vmem>>, vector<1000x1xf32>,
    return
  }
  func.func @transform_0(%arg0: i32) -> (i32, i32, i32) {
    %c0_i32 = arith.constant 0 : i32
    %c0_i32_0 = arith.constant 0 : i32
    %c0_i32_1 = arith.constant 0 : i32
    return %c0_i32, %arg0, %c0_i32_0 : i32, i32, i32
  }
  func.func @transform_1(%arg0: i32) -> (i32, i32, i32) {
    %c0_i32 = arith.constant 0 : i32
    %c0_i32_0 = arith.constant 0 : i32
    %c0_i32_1 = arith.constant 0 : i32
    return %c0_i32, %arg0, %c0_i32_0 : i32, i32, i32
  }
  func.func @transform_2(%arg0: i32) -> (i32, i32, i32) {
    %c0_i32 = arith.constant 0 : i32
    %c0_i32_0 = arith.constant 0 : i32
    %c0_i32_1 = arith.constant 0 : i32
    return %c0_i32, %arg0, %c0_i32_0 : i32, i32, i32
  }
  func.func @transform_3(%arg0: i32) -> (i32, i32, i32) {
    %c0_i32 = arith.constant 0 : i32
    %c0_i32_0 = arith.constant 0 : i32
    %c0_i32_1 = arith.constant 0 : i32
    return %c0_i32, %arg0, %c0_i32_0 : i32, i32, i32
  }
  func.func @transform_4(%arg0: i32) -> (i32, i32) {
    %c0_i32 = arith.constant 0 : i32
    %c0_i32_0 = arith.constant 0 : i32
    %c0_i32_1 = arith.constant 0 : i32
    return %c0_i32, %c0_i32_0 : i32, i32
  }
  func.func @transform_5(%arg0: i32) -> (i32, i32) {
    %c0_i32 = arith.constant 0 : i32
    %c0_i32_0 = arith.constant 0 : i32
    %c0_i32_1 = arith.constant 0 : i32
    return %c0_i32, %c0_i32_0 : i32, i32
  }
  func.func @transform_6(%arg0: i32) -> (i32, i32) {
    %c0_i32 = arith.constant 0 : i32
    %c0_i32_0 = arith.constant 0 : i32
    %c0_i32_1 = arith.constant 0 : i32
    return %c0_i32, %c0_i32_0 : i32, i32
  }
  func.func @transform_7(%arg0: i32) -> (i32, i32) {
    %c0_i32 = arith.constant 0 : i32
    %c0_i32_0 = arith.constant 0 : i32
    %c0_i32_1 = arith.constant 0 : i32
    return %c0_i32, %c0_i32_0 : i32, i32
  }
  func.func @transform_8(%arg0: i32) -> (i32, i32) {
    %c0_i32 = arith.constant 0 : i32
    %c0_i32_0 = arith.constant 0 : i32
    %c0_i32_1 = arith.constant 0 : i32
    return %c0_i32, %c0_i32_0 : i32, i32
  }
  func.func @transform_9(%arg0: i32) -> (i32, i32) {
    %c0_i32 = arith.constant 0 : i32
    %c0_i32_0 = arith.constant 0 : i32
    return %arg0, %c0_i32 : i32, i32
  }
}

</mosaic_0001>

<sc_bundles>
// kernel: kernel.6.cloned.1.call-start
scs
__scs_entry_jumppad:
0x0: {  	(pc) =	sbr.rel $0x88, $3  }
0x1: {  	(tag) =	ssettag $0x0;
	lr =	simm.s32 $0x1  }
0x2: {  	[smem:$0x3F95] =	sst lr;
	_ =	strace $0xD0000000  }
0x3: {  	_ = 	snop  }
0x4: {  	_ = 	snop  }
0x5: {  	_ = 	snop  }
0x6: {  	_ = 	snop  }
0x7: {  	_ = 	snop  }
__scs_overlays_trampoline_lowered:
0x8: {  	[smem:$0x3FA4] =	sst s0  }
0x9: {  	[smem:$0x3FA5] =	sst s1  }
0xa: {  	[smem:$0x3FA6] =	sst s2  }
0xb: {  	[smem:$0x3FA7] =	sst s3  }
0xc: {  	[smem:$0x3FA8] =	sst s4  }
0xd: {  	[smem:$0x3FA9] =	sst s5  }
0xe: {  	[smem:$0x3FAA] =	sst s6  }
0xf: {  	[smem:$0x3FAB] =	sst s7  }
0x10: {  	[smem:$0x3FAC] =	sst s8  }
0x11: {  	[smem:$0x3FAD] =	sst s9;
	s0 =	simm.s32 @!p0 $0x0  }
0x12: {  	s1 =	sld [smem:$0x3F93];
	s0 =	simm.s32 @p0 $0x1  }
0x13: {  	[smem:$0x3FAE] =	sst s0;
	s0 =	simm.s32 @!p1 $0x0  }
0x14: {  	s2 =	sld [smem:$0x3F92];
	s0 =	simm.s32 @p1 $0x1  }
0x15: {  	[smem:$0x3FAF] =	sst s0;
	s0 =	simm.s32 @!p2 $0x0  }
0x16: {  	s3 =	sld [smem:$0x3FDB];
	s0 =	simm.s32 @p2 $0x1  }
0x17: {  	s4 =	simm.s32 $0x1BF5;
	[smem:$0x3FB1] =	sst s0  }
0x18: {  	s0 =	sld [smem:$0x3F94];
	_ =	swait.ge [sflag:s4], $0x0  }
0x19: {  	s7 =	sld [smem:$0x3F95]  }
0x1a: {  	s8 =	sadd.s32 $0xFFFFE003, lr  }
0x1b: {  	s9 =	sadd.s32 $0xFFFFFEF7, lr;
	s5 =	simm.s32 $0xFFFFFFFF;
	p2 =	slt.u32 s8, $0xFFFFF086  }
0x1c: {  	p1 =	slt.u32 s9, $0xF7A;
	s5 =	simm.s32 @!p2 $0x0  }
0x1d: {  	s5 =	simm.s32 @p1 $0x1;
	p0 =	seq.s32 s7, s2  }
0x1e: {  	s7 =	smul.u32 @!p0 $0xF7A, s2;
	p2 =	seq.s32 @!p0 s5, $0x0  }
0x1f: {  	s9 =	smul.u32 $0xF7A, s1;
	s8 =	simm.s32 @!p0 $0x1BF5;
	p2 =	por !p2, p0  }
0x20: {  	[sflag:s8] =	ssyncset.s32 @!p0 $0xFFFFF086;
	s6 =	sadd.s32 @!p0 s3, s7;
	s7 =	simm.s32 @!p0 $0x108  }
0x21: {  	s3 =	sadd.s32 s3, s9;
	s6 =	sadd.s32 @!p0 $0x88, s6;
	s7 =	simm.s32 @p2 $0x1082  }
0x22: {  	[simem:s7], [sflag:s8] =	dma.local @!p0 [hbm:s6], $0xF7A  }
0x23: {  	s9 =	sor.u32 $0xD0000000, s2;
	s6 =	simm.s32 $0x108;
	_ =	swait.ge @!p0 [sflag:s8], $0x0  }
0x24: {  	s3 =	sadd.s32 $0x88, s3;
	s6 =	simm.s32 @!p1 $0x1082;
	[sflag:s4] =	ssyncset.s32 $0xFFFFF086  }
0x25: {  	[simem:s6], [sflag:s4] =	dma.local [hbm:s3], $0xF7A  }
0x26: {  	[smem:$0x3F95] =	sst s1;
	(tag) =	ssettag s2;
	_ =	strace s9  }
0x27: {  	s1 =	sld [smem:$0x3FA5]  }
0x28: {  	s2 =	sld [smem:$0x3FA6]  }
0x29: {  	s4 =	sld [smem:$0x3FA8]  }
0x2a: {  	p0 =	seq.s32 s5, $0x0;
	s5 =	sld [smem:$0x3FA9]  }
0x2b: {  	s6 =	sld [smem:$0x3FAA]  }
0x2c: {  	s7 =	sld [smem:$0x3FAB]  }
0x2d: {  	s3 =	simm.s32 $0x108;
	s8 =	sld [smem:$0x3FAC]  }
0x2e: {  	s3 =	simm.s32 @!p0 $0x1082;
	s9 =	sld [smem:$0x3FAD]  }
0x2f: {  	lr =	sadd.s32 s0, s3;
	s0 =	sld [smem:$0x3FA4]  }
0x30: {  	s3 =	sld [smem:$0x3FA7]  }
0x31: {  	[smem:$0x3FB0] =	sst s10  }
0x32: {  	s10 =	sld [smem:$0x3FAE];
	_ =	sdelay $0x3  }
0x33: {  	p0 =	seq.s32 s10, $0x1;
	s10 =	sld [smem:$0x3FB0];
	_ =	sdelay $0x3  }
0x34: {  	[smem:$0x3FB0] =	sst s10  }
0x35: {  	s10 =	sld [smem:$0x3FAF];
	_ =	sdelay $0x3  }
0x36: {  	p1 =	seq.s32 s10, $0x1;
	s10 =	sld [smem:$0x3FB0];
	_ =	sdelay $0x3  }
0x37: {  	[smem:$0x3FB0] =	sst s10  }
0x38: {  	s10 =	sld [smem:$0x3FB1]  }
0x39: {  	_ = 	snop;
	(pc) =	sbr.ind lr, $3  }
0x3a: {  	_ = 	snop  }
0x3b: {  	_ = 	snop  }
0x3c: {  	p2 =	seq.s32 s10, $0x1;
	s10 =	sld [smem:$0x3FB0]  }
0x3d: {  	_ =	shalt  }
0x3e: {  	_ =	shalt  }
0x3f: {  	_ =	shalt  }
0x40: {  	_ =	shalt  }
0x41: {  	_ =	shalt  }
0x42: {  	_ =	shalt  }
0x43: {  	_ =	shalt  }
0x44: {  	_ =	shalt  }
0x45: {  	_ =	shalt  }
0x46: {  	_ =	shalt  }
0x47: {  	_ =	shalt  }
0x48: {  	_ =	shalt  }
0x49: {  	_ =	shalt  }
0x4a: {  	_ =	shalt  }
0x4b: {  	_ =	shalt  }
0x4c: {  	_ =	shalt  }
0x4d: {  	_ =	shalt  }
0x4e: {  	_ =	shalt  }
0x4f: {  	_ =	shalt  }
0x50: {  	_ =	shalt  }
0x51: {  	_ =	shalt  }
0x52: {  	_ =	shalt  }
0x53: {  	_ =	shalt  }
0x54: {  	_ =	shalt  }
0x55: {  	_ =	shalt  }
0x56: {  	_ =	shalt  }
0x57: {  	_ =	shalt  }
0x58: {  	_ =	shalt  }
0x59: {  	_ =	shalt  }
0x5a: {  	_ =	shalt  }
0x5b: {  	_ =	shalt  }
0x5c: {  	_ =	shalt  }
0x5d: {  	_ =	shalt  }
0x5e: {  	_ =	shalt  }
0x5f: {  	_ =	shalt  }
0x60: {  	_ =	shalt  }
0x61: {  	_ =	shalt  }
0x62: {  	_ =	shalt  }
0x63: {  	_ =	shalt  }
0x64: {  	_ =	shalt  }
0x65: {  	_ =	shalt  }
0x66: {  	_ =	shalt  }
0x67: {  	_ =	shalt  }
0x68: {  	_ =	shalt  }
0x69: {  	_ =	shalt  }
0x6a: {  	_ =	shalt  }
0x6b: {  	_ =	shalt  }
0x6c: {  	_ =	shalt  }
0x6d: {  	_ =	shalt  }
0x6e: {  	_ =	shalt  }
0x6f: {  	_ =	shalt  }
0x70: {  	_ =	shalt  }
0x71: {  	_ =	shalt  }
0x72: {  	_ =	shalt  }
0x73: {  	_ =	shalt  }
0x74: {  	_ =	shalt  }
0x75: {  	_ =	shalt  }
0x76: {  	_ =	shalt  }
0x77: {  	_ =	shalt  }
0x78: {  	_ =	shalt  }
0x79: {  	_ =	shalt  }
0x7a: {  	_ =	shalt  }
0x7b: {  	_ =	shalt  }
0x7c: {  	_ =	shalt  }
0x7d: {  	_ =	shalt  }
0x7e: {  	_ =	shalt  }
0x7f: {  	_ =	shalt  }
0x80: {  	_ =	shalt  }
0x81: {  	_ =	shalt  }
0x82: {  	_ =	shalt  }
0x83: {  	_ =	shalt  }
0x84: {  	_ =	shalt  }
0x85: {  	_ =	shalt  }
0x86: {  	_ =	shalt  }
0x87: {  	_ =	shalt  }
.Lfunc_end0:
.L_simem_size_0:
called_computation_lowered:
.L_overlay_start_0:
0x88: {  	s2 =	sld [smem:$0x3FD9]  }
0x89: {  	s3 =	sld [smem:$0x3FFE];
	_ =	sdelay $0x1  }
0x8a: {  	s1 =	srdreg.scid  }
0x8b: {  	s0 =	sand.u32 $0x1, s1  }
0x8c: {  	s16 =	sshll.u32 s0, $0xA;
	s2 =	sadd.s32 s3, s2  }
0x8d: {  	s2 =	sadd.s32 s2, s16  }
0x8e: {  	[smem:$0x3FBC] =	sst s2  }
0x8f: {  	_ = 	snop  }
0x90: {  	(tm) =	ssettm $0x1  }
0x91: {  	s17 =	sld [smem:$0x3FFB];
	_ =	sdelay $0x3  }
0x92: {  	_ =	strace s17  }
0x93: {  	s2 =	sld [smem:$0x3FFC];
	_ =	sdelay $0x3  }
0x94: {  	_ =	strace s2  }
0x95: {  	s2 =	sld [smem:$0x3FFD];
	_ =	sdelay $0x3  }
0x96: {  	_ =	strace s2  }
0x97: {  	_ =	strace $0x8FFFFFFF  }
0x98: {  	s18 =	sld [smem:$0x3FDB];
	_ =	sdelay $0x1  }
0x99: {  	s19 =	simm.s32 $_scs_section_size  }
0x9a: {  	s4 =	simm.s32 $_size__tile_overlayer_lowered;
	s5 =	simm.s32 $_tile_overlayer_lowered  }
0x9b: {  	s22 =	simm.s32 $0x1BFF;
	s21 =	sshll.u32 s5, $0x1;
	s2 =	sadd.s32 s19, s18  }
0x9c: {  	s6 =	simm.s32 $0x0;
	s20 =	sshll.u32 s4, $0x1;
	s4 =	sadd.s32 s21, s2  }
0x9d: {  	[timem:s6], [sflag:s22] =	dma.local [hbm:s4], s20  }
0x9e: {  	_ =	swait.ge [sflag:s22], s20  }
0x9f: {  	s3 =	ssub.s32 $0x0, s20;
	[sflag:s22] =	ssyncset.done $0x0  }
0xa0: {  	[sflag:s22] =	ssyncadd.s32 s3;
	_ =	sdelay $0x1  }
0xa1: {  	s23 =	simm.s32 $0x1B8B  }
0xa2: {  	_ =	swait.ge [sflag:s23], $0x1  }
0xa3: {  	[sflag:s23] =	ssyncset.done $0x0  }
0xa4: {  	s25 =	simm.s32 $0x1B8E;
	s24 =	sld [smem:$0x3FFE];
	[sflag:s23] =	ssyncadd.s32 $0xFFFFFFFF  }
0xa5: {  	s26 =	simm.s32 $execute0_lowered;
	[smem:$0x3FD2] =	sst s25  }
0xa6: {  	s4 =	sshll.u32 s26, $0x1;
	_ =	strace $0x80000046;
	[dreg:$0x1] =	wrdreg $0xFFFFFFFF  }
0xa7: {  	s28 =	simm.s32 $_size_execute0_lowered;
	s2 =	sadd.s32 s2, s4;
	[dreg:$0x0] =	wrdreg $0x0  }
0xa8: {  	s4 =	sshll.u32 s28, $0x1;
	[dreg:$0x2] =	wrdreg s2  }
0xa9: {  	[dreg:$0x3] =	wrdreg s4  }
0xaa: {  	[dreg:$0x4] =	wrdreg $0xC0  }
0xab: {  	_ =	task [dreg:s6], $0x5FFFF  }
0xac: {  	[dreg:$0x1] =	wrdreg $0xFFFFFFFF  }
0xad: {  	[dreg:$0x0] =	wrdreg $0x60  }
0xae: {  	[dreg:$0x2] =	wrdreg s24  }
0xaf: {  	[dreg:$0x3] =	wrdreg $0x50800  }
0xb0: {  	[dreg:$0x4] =	wrdreg $0x9  }
0xb1: {  	_ =	task.clear_ibuf [dreg:s6], $0x5FFFF;
	_ =	strace $0x90000046  }
0xb2: {  	s29 =	simm.s32 $0x9;
	_ =	strace $0x80000048  }
0xb3: {  	_ =	swait.ge [sflag:s29], $0x1  }
0xb4: {  	[sflag:s29] =	ssyncadd.s32 $0xFFFFFFFF  }
0xb5: {  	_ =	strace $0x90000048  }
0xb6: {  	_ =	sfence  }
0xb7: {  	s30 =	sld [smem:$0x0];
	_ =	sdelay $0x2  }
0xb8: {  	s31 =	sshll.u32 s1, $0xD;
	s1 =	sshrl.u32 s1, $0x2  }
0xb9: {  	s3 =	sand.u32 $0x4000, s31;
	s1 =	sadd.s32 s1, s30  }
0xba: {  	s0 =	sor.u32 s3, s0;
	s1 =	sshll.u32 s1, $0x11  }
0xbb: {  	s0 =	sor.u32 s1, s0  }
0xbc: {  	s0 =	sadd.s32 $0x8F2B, s0  }
0xbd: {  	[sflag:s0] =	ssyncadd.remote.s32 $0x1  }
0xbe: {  	_ =	sfence.sel $0xFFFF  }
0xbf: {  	[dreg:$0x0] =	wrdreg $0xFFFFFFFF;
	(pc) =	sbr.abs _section_cstart, $3  }
0xc0: {  	[dreg:$0x1] =	wrdreg $0xFFFFFFFF  }
0xc1: {  	_ =	task.clear_ibuf [dreg:s6], $0x2FFFF;
	_ =	strace $0x9FFFFFFF  }
0xc2: {  	(tm) =	ssettm $0x7FFFFFFF  }
0xc3: {  	_ =	shalt  }
tec
execute0_lowered:
.L_overlay_start_1:
0x0: {  	(tag) =	ssettag $0x1  }
0x1: {  	s4 =	rddreg [dreg:$0x0];
	s1 =	srdreg.scid  }
0x2: {  	s0 =	stileid.u32;
	s2 =	rddreg [dreg:$0x1];
	s3 =	simm.s32 $0x0  }
0x3: {  	s16 =	simm.s32 $0x1;
	s17 =	simm.s32 $0x50;
	s18 =	simm.s32 $0x80  }
0x4: {  	s5 =	sand.u32 $0x1, s1;
	s6 =	smul.u32 $0x2800, s0;
	s1 =	rddreg [dreg:$0x2]  }
0x5: {  	s19 =	simm.s32 $0x0;
	[smem:$0x7FF] =	sst s3;
	s9 =	smul.u32 $0x50000, s0  }
0x6: {  	s15 =	sshll.u32 s0, $0xB;
	s7 =	smul.u32 $0x28000, s5;
	s8 =	sshll.u32 s5, $0xF  }
0x7: {  	_ =	strace $0x80000047;
	s5 =	ssub.s32 $0x2, s5;
	s14 =	sadd.s32 s8, s4  }
0x8: {  	s30 =	sshrl.u32 s9, $0x2;
	s31 =	sshrl.u32 s5, $0x1;
	s6 =	sadd.s32 s6, s7  }
0x9: {  	s13 =	ssub.s32 s5, s31;
	s14 =	sadd.s32 s15, s14;
	s15 =	simm.s32 $0x2880  }
0xa: {  	s12 =	sadd.s32 s6, s4;
	s4 =	sadd.s32 s30, s2;
	s13 =	smax.u32 s13, $0x1  }
0xb: {  	s14 =	sadd.s32 $0x2A00, s14;
	s5 =	sadd.s32 $0x2800, s4;
	s6 =	sadd.s32 $0x5000, s4  }
0xc: {  	s7 =	sadd.s32 $0x7800, s4;
	s8 =	sadd.s32 $0xA000, s4;
	s9 =	sadd.s32 $0xC800, s4  }
0xd: {  	v0 =	vimm.f32 $1.000000000e+00;
	v1 =	vimm.f32 $0.0e+00;
	s10 =	sadd.s32 $0xF000, s4;
	s11 =	sadd.s32 $0x11800, s4;
	s12 =	sadd.s32 $0x12A00, s12  }
.LBB2_1:
0xe: {  	s20 =	simm.s32 $0x0;
	s21 =	simm.s32 $0x200  }
.LBB2_2:
0xf: {  	p0 =	sne.s32 s21, $0x9E00;
	[tilespmem:s20+$0xF0] =	vst v0  }
0x10: {  	[tilespmem:s20+$0x80] =	vst v0  }
0x11: {  	[tilespmem:s20+$0x90] =	vst v0  }
.Ltmp0:
0x12: {  	[tilespmem:s20+$0xA0] =	vst v0;
	(pc) =	sbr.rel @p0 .LBB2_2-.Ltmp0, $4  }
0x13: {  	[tilespmem:s20+$0xB0] =	vst v0  }
0x14: {  	[tilespmem:s20+$0xC0] =	vst v0  }
0x15: {  	[tilespmem:s20+$0xD0] =	vst v0  }
0x16: {  	[tilespmem:s20+$0xE0] =	vst v0;
	s20 =	sshra.s32 s21, $0x2;
	s21 =	sadd.s32 $0x200, s21  }
0x17: {  	[tilespmem:s20+$0xF0] =	vst v0  }
0x18: {  	[tilespmem:s20+$0x80] =	vst v0  }
0x19: {  	[tilespmem:s20+$0x90] =	vst v0  }
0x1a: {  	[tilespmem:s20+$0xA0] =	vst v0  }
0x1b: {  	[tilespmem:s20+$0xB0] =	vst v0  }
0x1c: {  	[tilespmem:s20+$0xC0] =	vst v0  }
0x1d: {  	[tilespmem:s20+$0xD0] =	vst v0  }
0x1e: {  	[tilespmem:s20+$0xE0] =	vst v0;
	s20 =	simm.s32 $0x0;
	s21 =	simm.s32 $0x200  }
.LBB2_4:
0x1f: {  	p0 =	sne.s32 s21, $0x9E00;
	[tilespmem:s20+$0x28F0] =	vst v1  }
0x20: {  	[tilespmem:s20+$0x2880] =	vst v1  }
0x21: {  	[tilespmem:s20+$0x2890] =	vst v1  }
.Ltmp1:
0x22: {  	[tilespmem:s20+$0x28A0] =	vst v1;
	(pc) =	sbr.rel @p0 .LBB2_4-.Ltmp1, $4  }
0x23: {  	[tilespmem:s20+$0x28B0] =	vst v1  }
0x24: {  	[tilespmem:s20+$0x28C0] =	vst v1  }
0x25: {  	[tilespmem:s20+$0x28D0] =	vst v1  }
0x26: {  	[tilespmem:s20+$0x28E0] =	vst v1;
	s20 =	sshra.s32 s21, $0x2;
	s21 =	sadd.s32 $0x200, s21  }
0x27: {  	[tilespmem:s20+$0x28F0] =	vst v1  }
0x28: {  	[tilespmem:s20+$0x2880] =	vst v1  }
0x29: {  	[tilespmem:s20+$0x2890] =	vst v1  }
0x2a: {  	[tilespmem:s20+$0x28A0] =	vst v1  }
0x2b: {  	[tilespmem:s20+$0x28B0] =	vst v1  }
0x2c: {  	[tilespmem:s20+$0x28C0] =	vst v1  }
0x2d: {  	[tilespmem:s20+$0x28D0] =	vst v1  }
0x2e: {  	[tilespmem:s20+$0x28E0] =	vst v1  }
0x2f: {  	[spmem:s4] =	stream.linear.scatter [tilespmem:s15], [sflag:$0x1], $0x2800, $0x38;
	[tilespmem:$0x19080] =	vst v63  }
0x30: {  	_ =	swait.ge [sflag:s16], $0x2800  }
0x31: {  	[sflag:s16] =	ssyncset.done $0x0  }
0x32: {  	[sflag:s16] =	ssyncadd.s32 $0xFFFFD800  }
0x33: {  	[spmem:s5] =	stream.linear.scatter [tilespmem:s15], [sflag:$0x1], $0x2800, $0x38;
	[tilespmem:$0x19080] =	vst v63  }
0x34: {  	_ =	swait.ge [sflag:s16], $0x2800  }
0x35: {  	[sflag:s16] =	ssyncset.done $0x0  }
0x36: {  	[sflag:s16] =	ssyncadd.s32 $0xFFFFD800  }
0x37: {  	[spmem:s6] =	stream.linear.scatter [tilespmem:s15], [sflag:$0x1], $0x2800, $0x38;
	[tilespmem:$0x19080] =	vst v63  }
0x38: {  	_ =	swait.ge [sflag:s16], $0x2800  }
0x39: {  	[sflag:s16] =	ssyncset.done $0x0  }
0x3a: {  	[sflag:s16] =	ssyncadd.s32 $0xFFFFD800  }
0x3b: {  	[spmem:s7] =	stream.linear.scatter [tilespmem:s15], [sflag:$0x1], $0x2800, $0x38;
	[tilespmem:$0x19080] =	vst v63  }
0x3c: {  	_ =	swait.ge [sflag:s16], $0x2800  }
0x3d: {  	[sflag:s16] =	ssyncset.done $0x0  }
0x3e: {  	[sflag:s16] =	ssyncadd.s32 $0xFFFFD800  }
0x3f: {  	[spmem:s8] =	stream.linear.scatter [tilespmem:s15], [sflag:$0x1], $0x2800, $0x38;
	[tilespmem:$0x19080] =	vst v63  }
0x40: {  	_ =	swait.ge [sflag:s16], $0x2800  }
0x41: {  	[sflag:s16] =	ssyncset.done $0x0  }
0x42: {  	[sflag:s16] =	ssyncadd.s32 $0xFFFFD800  }
0x43: {  	[spmem:s9] =	stream.linear.scatter [tilespmem:s15], [sflag:$0x1], $0x2800, $0x38;
	[tilespmem:$0x19080] =	vst v63  }
0x44: {  	_ =	swait.ge [sflag:s16], $0x2800  }
0x45: {  	[sflag:s16] =	ssyncset.done $0x0  }
0x46: {  	[sflag:s16] =	ssyncadd.s32 $0xFFFFD800  }
0x47: {  	[spmem:s10] =	stream.linear.scatter [tilespmem:s15], [sflag:$0x1], $0x2800, $0x38;
	[tilespmem:$0x19080] =	vst v63  }
0x48: {  	_ =	swait.ge [sflag:s16], $0x2800  }
0x49: {  	[sflag:s16] =	ssyncset.done $0x0  }
0x4a: {  	[sflag:s16] =	ssyncadd.s32 $0xFFFFD800  }
0x4b: {  	[spmem:s11] =	stream.linear.scatter [tilespmem:s15], [sflag:$0x1], $0x2800, $0x38;
	[tilespmem:$0x19080] =	vst v63  }
0x4c: {  	_ =	swait.ge [sflag:s16], $0x2800  }
0x4d: {  	[sflag:s16] =	ssyncset.done $0x0  }
0x4e: {  	[sflag:s16] =	ssyncadd.s32 $0xFFFFD800  }
0x4f: {  	s31 =	sadd.s32 $0x0, s14;
	[bflag:$0x0] =	sbarrier.arrive $0xFFFF  }
0x50: {  	[tilespmem:s3], [sflag:$0x1] =	stream.linear.gather [hbm4b:s31+s3], $0x80, $0x38;
	[tilespmem:$0x19080] =	vst v63  }
0x51: {  	_ =	swait.ge [sflag:s16], $0x80  }
0x52: {  	[sflag:s16] =	ssyncset.done $0x0  }
0x53: {  	[sflag:s16] =	ssyncadd.s32 $0xFFFFFF80  }
0x54: {  	[spmem:s2] =	stream.indirect.scatter.add.f32 [tilespmem:s18], [sflag:$0x1], $0x80, s3, s17, $0xb8;
	[tilespmem:$0x19080] =	vst v63  }
0x55: {  	_ =	swait.ge [sflag:s16], $0x2800  }
0x56: {  	s20 =	simm.s32 $0x10;
	s21 =	simm.s32 $0x20;
	[sflag:s16] =	ssyncset.done $0x0  }
.LBB2_6:
0x57: {  	s22 =	sadd.s32 s20, s14  }
0x58: {  	[sflag:s16] =	ssyncadd.s32 $0xFFFFD800;
	s20 =	smov.u32 s21;
	s23 =	sadd.s32 $0x10, s21  }
0x59: {  	[tilespmem:s3], [sflag:$0x1] =	stream.linear.gather [hbm4b:s22+s3], $0x80, $0x38;
	[tilespmem:$0x19080] =	vst v63  }
0x5a: {  	p0 =	sne.s32 s21, $0x7C0;
	_ =	swait.ge [sflag:s16], $0x80  }
.Ltmp2:
0x5b: {  	[sflag:s16] =	ssyncset.done $0x0;
	(pc) =	sbr.rel @p0 .LBB2_6-.Ltmp2, $4  }
0x5c: {  	[sflag:s16] =	ssyncadd.s32 $0xFFFFFF80  }
0x5d: {  	[spmem:s2] =	stream.indirect.scatter.add.f32 [tilespmem:s18], [sflag:$0x1], $0x80, s3, s17, $0xb8;
	[tilespmem:$0x19080] =	vst v63  }
0x5e: {  	_ =	swait.ge [sflag:s16], $0x2800  }
0x5f: {  	s21 =	smov.u32 s23;
	[sflag:s16] =	ssyncset.done $0x0  }
0x60: {  	s20 =	sadd.s32 s20, s14;
	[sflag:s16] =	ssyncadd.s32 $0xFFFFD800  }
0x61: {  	[tilespmem:s3], [sflag:$0x1] =	stream.linear.gather [hbm4b:s20+s3], $0x80, $0x38;
	[tilespmem:$0x19080] =	vst v63  }
0x62: {  	_ =	swait.ge [sflag:s16], $0x80  }
0x63: {  	[sflag:s16] =	ssyncset.done $0x0  }
0x64: {  	[sflag:s16] =	ssyncadd.s32 $0xFFFFFF80  }
0x65: {  	[spmem:s2] =	stream.indirect.scatter.add.f32 [tilespmem:s18], [sflag:$0x1], $0x80, s3, s17, $0xb8;
	[tilespmem:$0x19080] =	vst v63  }
0x66: {  	_ =	swait.ge [sflag:s16], $0x2800  }
0x67: {  	s31 =	sshll.u32 s0, $0x6;
	s19 =	sadd.s32 $0x1, s19;
	[sflag:s16] =	ssyncset.done $0x0  }
0x68: {  	s21 =	sshrl.u32 s4, $0x3;
	p0 =	sne.s32 s19, s13;
	[sflag:s16] =	ssyncadd.s32 $0xFFFFD800  }
.Ltmp3:
0x69: {  	s20 =	sor.u32 $0x1C01, s31;
	[bflag:$0x0] =	sbarrier.arrive $0xFFFF;
	(pc) =	sbr.rel @p0 .LBB2_1-.Ltmp3, $4  }
0x6a: {  	[hbm:s12], [sflag:s20] =	dma.local [spmem:s21], $0x2800  }
0x6b: {  	_ =	swait.ge [sflag:s16], $0x2800  }
0x6c: {  	[sflag:s16] =	ssyncset.done $0x0  }
0x6d: {  	[sflag:s16] =	ssyncadd.s32 $0xFFFFD800  }
0x6e: {  	_ =	sfence.sel $0x180000  }
0x6f: {  	[bflag:$0x0] =	sbarrier.arrive $0xFFFF  }
0x70: {  	p0 =	sne.s32 s0, $0x0;
	_ =	strace $0x90000047  }
0x71: {  	s0 =	sadd.s32 @!p0 $0x100000, s1;
	[bflag:$0x2] =	sbarrier.arrive $0xFFFF  }
0x72: {  	[sflag:s0] =	ssyncadd.tile.s32 @!p0 $0x1;
	_ =	shalt  }
.Lfunc_end2:
_tile_overlayer_lowered:
.L_overlay_start_2:
0x73: {  	(tag) =	ssettag $0x2  }
0x74: {  	s0 =	rddreg [dreg:$0x0];
	s2 =	stileid.u32  }
0x75: {  	s1 =	rddreg [dreg:$0x1];
	p0 =	sne.s32 s2, $0x0  }
0x76: {  	s3 =	rddreg [dreg:$0x2];
	[bflag:$0x3] =	sbarrier.arrive $0xFFFF;
	s2 =	simm.s32 @!p0 $0x1C01  }
0x77: {  	[timem:s3], [sflag:s2] =	dma.local @!p0 [hbm:s0], s1  }
0x78: {  	s0 =	simm.s32 @!p0 $0x1  }
0x79: {  	_ =	swait.ge @!p0 [sflag:s0], s1  }
0x7a: {  	s1 =	ssub.s32 @!p0 $0x0, s1;
	[sflag:s0] =	ssyncset.done @!p0 $0x0  }
0x7b: {  	[sflag:s0] =	ssyncadd.s32 @!p0 s1  }
0x7c: {  	[bflag:$0x3] =	sbarrier.arrive $0xFFFF  }
0x7d: {  	_ =	shalt  }

// kernel: kernel.9.cloned.1.call-start
scs
__scs_entry_jumppad:
0x0: {  	(pc) =	sbr.rel $0x88, $3  }
0x1: {  	(tag) =	ssettag $0x0;
	lr =	simm.s32 $0x1  }
0x2: {  	[smem:$0x3F95] =	sst lr;
	_ =	strace $0xD0000000  }
0x3: {  	_ = 	snop  }
0x4: {  	_ = 	snop  }
0x5: {  	_ = 	snop  }
0x6: {  	_ = 	snop  }
0x7: {  	_ = 	snop  }
__scs_overlays_trampoline_lowered:
0x8: {  	[smem:$0x3FA4] =	sst s0  }
0x9: {  	[smem:$0x3FA5] =	sst s1  }
0xa: {  	[smem:$0x3FA6] =	sst s2  }
0xb: {  	[smem:$0x3FA7] =	sst s3  }
0xc: {  	[smem:$0x3FA8] =	sst s4  }
0xd: {  	[smem:$0x3FA9] =	sst s5  }
0xe: {  	[smem:$0x3FAA] =	sst s6  }
0xf: {  	[smem:$0x3FAB] =	sst s7  }
0x10: {  	[smem:$0x3FAC] =	sst s8  }
0x11: {  	[smem:$0x3FAD] =	sst s9;
	s0 =	simm.s32 @!p0 $0x0  }
0x12: {  	s1 =	sld [smem:$0x3F93];
	s0 =	simm.s32 @p0 $0x1  }
0x13: {  	[smem:$0x3FAE] =	sst s0;
	s0 =	simm.s32 @!p1 $0x0  }
0x14: {  	s2 =	sld [smem:$0x3F92];
	s0 =	simm.s32 @p1 $0x1  }
0x15: {  	[smem:$0x3FAF] =	sst s0;
	s0 =	simm.s32 @!p2 $0x0  }
0x16: {  	s3 =	sld [smem:$0x3FDB];
	s0 =	simm.s32 @p2 $0x1  }
0x17: {  	s4 =	simm.s32 $0x1BF5;
	[smem:$0x3FB1] =	sst s0  }
0x18: {  	s0 =	sld [smem:$0x3F94];
	_ =	swait.ge [sflag:s4], $0x0  }
0x19: {  	s7 =	sld [smem:$0x3F95]  }
0x1a: {  	s8 =	sadd.s32 $0xFFFFE003, lr  }
0x1b: {  	s9 =	sadd.s32 $0xFFFFFEF7, lr;
	s5 =	simm.s32 $0xFFFFFFFF;
	p2 =	slt.u32 s8, $0xFFFFF086  }
0x1c: {  	p1 =	slt.u32 s9, $0xF7A;
	s5 =	simm.s32 @!p2 $0x0  }
0x1d: {  	s5 =	simm.s32 @p1 $0x1;
	p0 =	seq.s32 s7, s2  }
0x1e: {  	s7 =	smul.u32 @!p0 $0xF7A, s2;
	p2 =	seq.s32 @!p0 s5, $0x0  }
0x1f: {  	s9 =	smul.u32 $0xF7A, s1;
	s8 =	simm.s32 @!p0 $0x1BF5;
	p2 =	por !p2, p0  }
0x20: {  	[sflag:s8] =	ssyncset.s32 @!p0 $0xFFFFF086;
	s6 =	sadd.s32 @!p0 s3, s7;
	s7 =	simm.s32 @!p0 $0x108  }
0x21: {  	s3 =	sadd.s32 s3, s9;
	s6 =	sadd.s32 @!p0 $0x88, s6;
	s7 =	simm.s32 @p2 $0x1082  }
0x22: {  	[simem:s7], [sflag:s8] =	dma.local @!p0 [hbm:s6], $0xF7A  }
0x23: {  	s9 =	sor.u32 $0xD0000000, s2;
	s6 =	simm.s32 $0x108;
	_ =	swait.ge @!p0 [sflag:s8], $0x0  }
0x24: {  	s3 =	sadd.s32 $0x88, s3;
	s6 =	simm.s32 @!p1 $0x1082;
	[sflag:s4] =	ssyncset.s32 $0xFFFFF086  }
0x25: {  	[simem:s6], [sflag:s4] =	dma.local [hbm:s3], $0xF7A  }
0x26: {  	[smem:$0x3F95] =	sst s1;
	(tag) =	ssettag s2;
	_ =	strace s9  }
0x27: {  	s1 =	sld [smem:$0x3FA5]  }
0x28: {  	s2 =	sld [smem:$0x3FA6]  }
0x29: {  	s4 =	sld [smem:$0x3FA8]  }
0x2a: {  	p0 =	seq.s32 s5, $0x0;
	s5 =	sld [smem:$0x3FA9]  }
0x2b: {  	s6 =	sld [smem:$0x3FAA]  }
0x2c: {  	s7 =	sld [smem:$0x3FAB]  }
0x2d: {  	s3 =	simm.s32 $0x108;
	s8 =	sld [smem:$0x3FAC]  }
0x2e: {  	s3 =	simm.s32 @!p0 $0x1082;
	s9 =	sld [smem:$0x3FAD]  }
0x2f: {  	lr =	sadd.s32 s0, s3;
	s0 =	sld [smem:$0x3FA4]  }
0x30: {  	s3 =	sld [smem:$0x3FA7]  }
0x31: {  	[smem:$0x3FB0] =	sst s10  }
0x32: {  	s10 =	sld [smem:$0x3FAE];
	_ =	sdelay $0x3  }
0x33: {  	p0 =	seq.s32 s10, $0x1;
	s10 =	sld [smem:$0x3FB0];
	_ =	sdelay $0x3  }
0x34: {  	[smem:$0x3FB0] =	sst s10  }
0x35: {  	s10 =	sld [smem:$0x3FAF];
	_ =	sdelay $0x3  }
0x36: {  	p1 =	seq.s32 s10, $0x1;
	s10 =	sld [smem:$0x3FB0];
	_ =	sdelay $0x3  }
0x37: {  	[smem:$0x3FB0] =	sst s10  }
0x38: {  	s10 =	sld [smem:$0x3FB1]  }
0x39: {  	_ = 	snop;
	(pc) =	sbr.ind lr, $3  }
0x3a: {  	_ = 	snop  }
0x3b: {  	_ = 	snop  }
0x3c: {  	p2 =	seq.s32 s10, $0x1;
	s10 =	sld [smem:$0x3FB0]  }
0x3d: {  	_ =	shalt  }
0x3e: {  	_ =	shalt  }
0x3f: {  	_ =	shalt  }
0x40: {  	_ =	shalt  }
0x41: {  	_ =	shalt  }
0x42: {  	_ =	shalt  }
0x43: {  	_ =	shalt  }
0x44: {  	_ =	shalt  }
0x45: {  	_ =	shalt  }
0x46: {  	_ =	shalt  }
0x47: {  	_ =	shalt  }
0x48: {  	_ =	shalt  }
0x49: {  	_ =	shalt  }
0x4a: {  	_ =	shalt  }
0x4b: {  	_ =	shalt  }
0x4c: {  	_ =	shalt  }
0x4d: {  	_ =	shalt  }
0x4e: {  	_ =	shalt  }
0x4f: {  	_ =	shalt  }
0x50: {  	_ =	shalt  }
0x51: {  	_ =	shalt  }
0x52: {  	_ =	shalt  }
0x53: {  	_ =	shalt  }
0x54: {  	_ =	shalt  }
0x55: {  	_ =	shalt  }
0x56: {  	_ =	shalt  }
0x57: {  	_ =	shalt  }
0x58: {  	_ =	shalt  }
0x59: {  	_ =	shalt  }
0x5a: {  	_ =	shalt  }
0x5b: {  	_ =	shalt  }
0x5c: {  	_ =	shalt  }
0x5d: {  	_ =	shalt  }
0x5e: {  	_ =	shalt  }
0x5f: {  	_ =	shalt  }
0x60: {  	_ =	shalt  }
0x61: {  	_ =	shalt  }
0x62: {  	_ =	shalt  }
0x63: {  	_ =	shalt  }
0x64: {  	_ =	shalt  }
0x65: {  	_ =	shalt  }
0x66: {  	_ =	shalt  }
0x67: {  	_ =	shalt  }
0x68: {  	_ =	shalt  }
0x69: {  	_ =	shalt  }
0x6a: {  	_ =	shalt  }
0x6b: {  	_ =	shalt  }
0x6c: {  	_ =	shalt  }
0x6d: {  	_ =	shalt  }
0x6e: {  	_ =	shalt  }
0x6f: {  	_ =	shalt  }
0x70: {  	_ =	shalt  }
0x71: {  	_ =	shalt  }
0x72: {  	_ =	shalt  }
0x73: {  	_ =	shalt  }
0x74: {  	_ =	shalt  }
0x75: {  	_ =	shalt  }
0x76: {  	_ =	shalt  }
0x77: {  	_ =	shalt  }
0x78: {  	_ =	shalt  }
0x79: {  	_ =	shalt  }
0x7a: {  	_ =	shalt  }
0x7b: {  	_ =	shalt  }
0x7c: {  	_ =	shalt  }
0x7d: {  	_ =	shalt  }
0x7e: {  	_ =	shalt  }
0x7f: {  	_ =	shalt  }
0x80: {  	_ =	shalt  }
0x81: {  	_ =	shalt  }
0x82: {  	_ =	shalt  }
0x83: {  	_ =	shalt  }
0x84: {  	_ =	shalt  }
0x85: {  	_ =	shalt  }
0x86: {  	_ =	shalt  }
0x87: {  	_ =	shalt  }
.Lfunc_end0:
.L_simem_size_0:
called_computation.1_lowered:
.L_overlay_start_0:
0x88: {  	s2 =	sld [smem:$0x3FD9]  }
0x89: {  	s3 =	sld [smem:$0x3FFE];
	_ =	sdelay $0x1  }
0x8a: {  	s1 =	srdreg.scid  }
0x8b: {  	s0 =	sand.u32 $0x1, s1  }
0x8c: {  	s16 =	sshll.u32 s0, $0xA;
	s2 =	sadd.s32 s3, s2  }
0x8d: {  	s2 =	sadd.s32 s2, s16  }
0x8e: {  	[smem:$0x3FBC] =	sst s2  }
0x8f: {  	_ = 	snop  }
0x90: {  	(tm) =	ssettm $0x1  }
0x91: {  	s17 =	sld [smem:$0x3FFB];
	_ =	sdelay $0x3  }
0x92: {  	_ =	strace s17  }
0x93: {  	s2 =	sld [smem:$0x3FFC];
	_ =	sdelay $0x3  }
0x94: {  	_ =	strace s2  }
0x95: {  	s2 =	sld [smem:$0x3FFD];
	_ =	sdelay $0x3  }
0x96: {  	_ =	strace s2  }
0x97: {  	_ =	strace $0x8FFFFFFF  }
0x98: {  	s18 =	sld [smem:$0x3FDB];
	_ =	sdelay $0x1  }
0x99: {  	s19 =	simm.s32 $_scs_section_size  }
0x9a: {  	s4 =	simm.s32 $_size__tile_overlayer_lowered;
	s5 =	simm.s32 $_tile_overlayer_lowered  }
0x9b: {  	s22 =	simm.s32 $0x1BFF;
	s21 =	sshll.u32 s5, $0x1;
	s2 =	sadd.s32 s19, s18  }
0x9c: {  	s6 =	simm.s32 $0x0;
	s20 =	sshll.u32 s4, $0x1;
	s4 =	sadd.s32 s21, s2  }
0x9d: {  	[timem:s6], [sflag:s22] =	dma.local [hbm:s4], s20  }
0x9e: {  	_ =	swait.ge [sflag:s22], s20  }
0x9f: {  	s3 =	ssub.s32 $0x0, s20;
	[sflag:s22] =	ssyncset.done $0x0  }
0xa0: {  	[sflag:s22] =	ssyncadd.s32 s3;
	_ =	sdelay $0x1  }
0xa1: {  	s23 =	simm.s32 $0x1B8B  }
0xa2: {  	_ =	swait.ge [sflag:s23], $0x1  }
0xa3: {  	[sflag:s23] =	ssyncset.done $0x0  }
0xa4: {  	s25 =	simm.s32 $0x1B8E;
	s24 =	sld [smem:$0x3FFE];
	[sflag:s23] =	ssyncadd.s32 $0xFFFFFFFF  }
0xa5: {  	s26 =	simm.s32 $execute0_lowered;
	[smem:$0x3FD2] =	sst s25  }
0xa6: {  	s4 =	sshll.u32 s26, $0x1;
	_ =	strace $0x80000049;
	[dreg:$0x1] =	wrdreg $0xFFFFFFFF  }
0xa7: {  	s28 =	simm.s32 $_size_execute0_lowered;
	s2 =	sadd.s32 s2, s4;
	[dreg:$0x0] =	wrdreg $0x0  }
0xa8: {  	s4 =	sshll.u32 s28, $0x1;
	[dreg:$0x2] =	wrdreg s2  }
0xa9: {  	[dreg:$0x3] =	wrdreg s4  }
0xaa: {  	[dreg:$0x4] =	wrdreg $0xC0  }
0xab: {  	_ =	task [dreg:s6], $0x5FFFF  }
0xac: {  	[dreg:$0x1] =	wrdreg $0xFFFFFFFF  }
0xad: {  	[dreg:$0x0] =	wrdreg $0x60  }
0xae: {  	[dreg:$0x2] =	wrdreg s24  }
0xaf: {  	[dreg:$0x3] =	wrdreg $0x60000  }
0xb0: {  	[dreg:$0x4] =	wrdreg $0x9  }
0xb1: {  	_ =	task.clear_ibuf [dreg:s6], $0x5FFFF;
	_ =	strace $0x90000049  }
0xb2: {  	s29 =	simm.s32 $0x9;
	_ =	strace $0x8000004B  }
0xb3: {  	_ =	swait.ge [sflag:s29], $0x1  }
0xb4: {  	[sflag:s29] =	ssyncadd.s32 $0xFFFFFFFF  }
0xb5: {  	_ =	strace $0x9000004B  }
0xb6: {  	_ =	sfence  }
0xb7: {  	s30 =	sld [smem:$0x0];
	_ =	sdelay $0x2  }
0xb8: {  	s31 =	sshll.u32 s1, $0xD;
	s1 =	sshrl.u32 s1, $0x2  }
0xb9: {  	s3 =	sand.u32 $0x4000, s31;
	s1 =	sadd.s32 s1, s30  }
0xba: {  	s0 =	sor.u32 s3, s0;
	s1 =	sshll.u32 s1, $0x11  }
0xbb: {  	s0 =	sor.u32 s1, s0  }
0xbc: {  	s0 =	sadd.s32 $0x8F2B, s0  }
0xbd: {  	[sflag:s0] =	ssyncadd.remote.s32 $0x1  }
0xbe: {  	_ =	sfence.sel $0xFFFF  }
0xbf: {  	[dreg:$0x0] =	wrdreg $0xFFFFFFFF;
	(pc) =	sbr.abs _section_cstart, $3  }
0xc0: {  	[dreg:$0x1] =	wrdreg $0xFFFFFFFF  }
0xc1: {  	_ =	task.clear_ibuf [dreg:s6], $0x2FFFF;
	_ =	strace $0x9FFFFFFF  }
0xc2: {  	(tm) =	ssettm $0x7FFFFFFF  }
0xc3: {  	_ =	shalt  }
tec
execute0_lowered:
.L_overlay_start_1:
0x0: {  	(tag) =	ssettag $0x1  }
0x1: {  	s0 =	rddreg [dreg:$0x0]  }
0x2: {  	s2 =	rddreg [dreg:$0x1]  }
0x3: {  	s3 =	simm.s32 $0x0;
	s13 =	stileid.u32;
	s5 =	srdreg.scid  }
0x4: {  	s23 =	simm.s32 $0x3800;
	s24 =	simm.s32 $0x1;
	s25 =	simm.s32 $0x800  }
0x5: {  	s29 =	simm.s32 $0x1000;
	s28 =	simm.s32 $0xB80;
	s17 =	simm.s32 $0x480  }
0x6: {  	[smem:$0x7FF] =	sst s3;
	s1 =	smul.u32 $0x1900, s13;
	s4 =	sadd.s32 $0x162E00, s0  }
0x7: {  	s6 =	sadd.s32 $0x94A00, s0;
	s7 =	sadd.s32 $0xADA00, s0;
	s11 =	smul.u32 $0x50000, s13  }
0x8: {  	s22 =	smul.u32 $0xC800, s13;
	_ =	strace $0x8000004A;
	[dreg:$0xf] =	wrdreg s6  }
0x9: {  	s9 =	sand.u32 $0x1, s5;
	[dreg:$0x10] =	wrdreg s7;
	s1 =	sadd.s32 s1, s0  }
0xa: {  	s11 =	sshrl.u32 s11, $0x2;
	[dreg:$0x11] =	wrdreg s22;
	s30 =	sadd.s32 $0x62A00, s1  }
0xb: {  	s10 =	smul.u32 $0x280, s13;
	s16 =	sadd.s32 s11, s2;
	[dreg:$0x3] =	wrdreg s30  }
0xc: {  	s5 =	sadd.s32 $0x2A00, s0;
	s31 =	sadd.s32 $0x7BA00, s1;
	[dreg:$0x4] =	wrdreg s16  }
0xd: {  	s18 =	smul.u32 $0x2800, s9;
	s11 =	sadd.s32 $0xA000, s16;
	[dreg:$0x12] =	wrdreg s31  }
0xe: {  	s9 =	ssub.s32 $0x2, s9;
	s19 =	sadd.s32 $0xC800, s16;
	[dreg:$0x8] =	wrdreg s11  }
0xf: {  	s12 =	sshrl.u32 s9, $0x1;
	s20 =	sadd.s32 $0xF000, s16;
	[dreg:$0x9] =	wrdreg s19  }
0x10: {  	s9 =	ssub.s32 s9, s12;
	s21 =	sadd.s32 $0x11800, s16;
	[dreg:$0xa] =	wrdreg s20  }
0x11: {  	s8 =	sadd.s32 $0x1B2E00, s0;
	s9 =	smax.u32 s9, $0x1;
	[dreg:$0xb] =	wrdreg s21  }
0x12: {  	s10 =	sadd.s32 s10, s18;
	s15 =	sadd.s32 $0x2800, s16;
	[dreg:$0xe] =	wrdreg s9  }
0x13: {  	s10 =	sshll.u32 s10, $0x4;
	s14 =	sadd.s32 $0x5000, s16;
	[dreg:$0x5] =	wrdreg s15  }
0x14: {  	s0 =	sadd.s32 s10, s0;
	s10 =	sadd.s32 $0x7800, s16;
	[dreg:$0x6] =	wrdreg s14  }
0x15: {  	s22 =	simm.s32 $0xC80;
	s26 =	sadd.s32 $0x694E00, s0;
	[dreg:$0x7] =	wrdreg s10  }
0x16: {  	s1 =	simm.s32 $0x0;
	s0 =	sadd.s32 $0x6E4E00, s0;
	[dreg:$0xc] =	wrdreg s26  }
0x17: {  	v1 =	vimm.f32 $0.0e+00;
	v0 =	vmov s18;
	s19 =	smul.u32 $0x271000, s13;
	[dreg:$0xd] =	wrdreg s0;
	s26 =	simm.s32 $0x50  }
.LBB2_1:
0x18: {  	[dreg:$0x13] =	wrdreg s1;
	s0 =	simm.s32 $0x0;
	s1 =	simm.s32 $0x200  }
.LBB2_2:
0x19: {  	p0 =	sne.s32 s1, $0x9E00;
	[tilespmem:s0+$0x3870] =	vst v1  }
0x1a: {  	[tilespmem:s0+$0x3800] =	vst v1  }
0x1b: {  	[tilespmem:s0+$0x3810] =	vst v1  }
.Ltmp0:
0x1c: {  	[tilespmem:s0+$0x3820] =	vst v1;
	(pc) =	sbr.rel @p0 .LBB2_2-.Ltmp0, $4  }
0x1d: {  	[tilespmem:s0+$0x3830] =	vst v1  }
0x1e: {  	[tilespmem:s0+$0x3840] =	vst v1  }
0x1f: {  	[tilespmem:s0+$0x3850] =	vst v1  }
0x20: {  	[tilespmem:s0+$0x3860] =	vst v1;
	s0 =	sshra.s32 s1, $0x2;
	s1 =	sadd.s32 $0x200, s1  }
0x21: {  	[tilespmem:s0+$0x3870] =	vst v1  }
0x22: {  	[tilespmem:s0+$0x3800] =	vst v1  }
0x23: {  	[tilespmem:s0+$0x3810] =	vst v1  }
0x24: {  	[tilespmem:s0+$0x3820] =	vst v1  }
0x25: {  	[tilespmem:s0+$0x3830] =	vst v1  }
0x26: {  	[tilespmem:s0+$0x3840] =	vst v1  }
0x27: {  	[tilespmem:s0+$0x3850] =	vst v1  }
0x28: {  	[tilespmem:s0+$0x3860] =	vst v1  }
0x29: {  	[spmem:s16] =	stream.linear.scatter [tilespmem:s23], [sflag:$0x1], $0x2800, $0x38;
	[tilespmem:$0x1A000] =	vst v63  }
0x2a: {  	_ =	swait.ge [sflag:s24], $0x2800  }
0x2b: {  	[sflag:s24] =	ssyncset.done $0x0  }
0x2c: {  	[sflag:s24] =	ssyncadd.s32 $0xFFFFD800  }
0x2d: {  	[spmem:s15] =	stream.linear.scatter [tilespmem:s23], [sflag:$0x1], $0x2800, $0x38;
	[tilespmem:$0x1A000] =	vst v63  }
0x2e: {  	_ =	swait.ge [sflag:s24], $0x2800  }
0x2f: {  	[sflag:s24] =	ssyncset.done $0x0  }
0x30: {  	[sflag:s24] =	ssyncadd.s32 $0xFFFFD800  }
0x31: {  	[spmem:s14] =	stream.linear.scatter [tilespmem:s23], [sflag:$0x1], $0x2800, $0x38;
	[tilespmem:$0x1A000] =	vst v63  }
0x32: {  	_ =	swait.ge [sflag:s24], $0x2800  }
0x33: {  	[sflag:s24] =	ssyncset.done $0x0  }
0x34: {  	[sflag:s24] =	ssyncadd.s32 $0xFFFFD800  }
0x35: {  	[spmem:s10] =	stream.linear.scatter [tilespmem:s23], [sflag:$0x1], $0x2800, $0x38;
	[tilespmem:$0x1A000] =	vst v63  }
0x36: {  	_ =	swait.ge [sflag:s24], $0x2800  }
0x37: {  	[sflag:s24] =	ssyncset.done $0x0  }
0x38: {  	s16 =	rddreg [dreg:$0x8];
	[sflag:s24] =	ssyncadd.s32 $0xFFFFD800  }
0x39: {  	[spmem:s16] =	stream.linear.scatter [tilespmem:s23], [sflag:$0x1], $0x2800, $0x38;
	[tilespmem:$0x1A000] =	vst v63  }
0x3a: {  	_ =	swait.ge [sflag:s24], $0x2800  }
0x3b: {  	[sflag:s24] =	ssyncset.done $0x0  }
0x3c: {  	s18 =	rddreg [dreg:$0x9];
	[sflag:s24] =	ssyncadd.s32 $0xFFFFD800  }
0x3d: {  	[spmem:s18] =	stream.linear.scatter [tilespmem:s23], [sflag:$0x1], $0x2800, $0x38;
	[tilespmem:$0x1A000] =	vst v63  }
0x3e: {  	_ =	swait.ge [sflag:s24], $0x2800  }
0x3f: {  	[sflag:s24] =	ssyncset.done $0x0  }
0x40: {  	s20 =	rddreg [dreg:$0xa];
	[sflag:s24] =	ssyncadd.s32 $0xFFFFD800  }
0x41: {  	[spmem:s20] =	stream.linear.scatter [tilespmem:s23], [sflag:$0x1], $0x2800, $0x38;
	[tilespmem:$0x1A000] =	vst v63  }
0x42: {  	s30 =	simm.s32 $0x0;
	s31 =	simm.s32 $0x100;
	_ =	swait.ge [sflag:s24], $0x2800  }
0x43: {  	s11 =	simm.s32 $0x200;
	s12 =	simm.s32 $0xA00;
	[sflag:s24] =	ssyncset.done $0x0  }
0x44: {  	s13 =	simm.s32 $0x280;
	s21 =	rddreg [dreg:$0xb];
	[sflag:s24] =	ssyncadd.s32 $0xFFFFD800  }
0x45: {  	[spmem:s21] =	stream.linear.scatter [tilespmem:s23], [sflag:$0x1], $0x2800, $0x38;
	[tilespmem:$0x1A000] =	vst v63  }
0x46: {  	s9 =	simm.s32 $0x380;
	s6 =	simm.s32 $0x400;
	_ =	swait.ge [sflag:s24], $0x2800  }
0x47: {  	s7 =	simm.s32 $0xC00;
	s15 =	simm.s32 $0x300;
	[sflag:s24] =	ssyncset.done $0x0  }
0x48: {  	s14 =	simm.s32 $0xA80;
	s10 =	simm.s32 $0x980;
	[sflag:s24] =	ssyncadd.s32 $0xFFFFD800  }
0x49: {  	s16 =	simm.s32 $0xB00;
	s18 =	simm.s32 $0x880;
	[bflag:$0x0] =	sbarrier.arrive $0xFFFF  }
0x4a: {  	s20 =	simm.s32 $0x180;
	s21 =	simm.s32 $0x900;
	s1 =	rddreg [dreg:$0x12]  }
.LBB2_4:
0x4b: {  	s0 =	sadd.s32 s30, s1  }
0x4c: {  	[tilespmem:s3], [sflag:$0x1] =	stream.linear.gather [hbm4b:s0+s3], $0x500, $0x38;
	[tilespmem:$0x1A000] =	vst v63  }
0x4d: {  	_ =	swait.ge [sflag:s24], $0x500  }
0x4e: {  	s0 =	rddreg [dreg:$0x3];
	[sflag:s24] =	ssyncset.done $0x0  }
0x4f: {  	[sflag:s24] =	ssyncadd.s32 $0xFFFFFB00;
	s0 =	sadd.s32 s30, s0  }
0x50: {  	[tilespmem:s25], [sflag:$0x1] =	stream.linear.gather [hbm4b:s0+s3], $0x500, $0x38;
	[tilespmem:$0x1A000] =	vst v63  }
0x51: {  	_ =	swait.ge [sflag:s24], $0x500  }
0x52: {  	[sflag:s24] =	ssyncset.done $0x0  }
0x53: {  	[sflag:s24] =	ssyncadd.s32 $0xFFFFFB00  }
0x54: {  	v2 =	vld [tilespmem:$0x0]  }
0x55: {  	v3 =	vld [tilespmem:$0x10]  }
0x56: {  	v4 =	vld [tilespmem:$0x20]  }
0x57: {  	v5 =	vld [tilespmem:$0x30]  }
0x58: {  	v6 =	vld [tilespmem:$0x40]  }
0x59: {  	v7 =	vld [tilespmem:$0x80];
	v2 =	vadd.s32 v0, v2  }
0x5a: {  	[tilespmem:$0x0] =	vst v2;
	v2 =	vadd.s32 v0, v3;
	v3 =	vld [tilespmem:$0x90]  }
0x5b: {  	v29 =	vld [tilespmem:$0xA0];
	[tilespmem:$0x10] =	vst v2;
	v2 =	vadd.s32 v0, v4  }
0x5c: {  	v30 =	vld [tilespmem:$0xB0];
	[tilespmem:$0x20] =	vst v2;
	v2 =	vadd.s32 v0, v5  }
0x5d: {  	v31 =	vld [tilespmem:$0xC0];
	[tilespmem:$0x30] =	vst v2;
	v2 =	vadd.s32 v0, v6  }
0x5e: {  	v32 =	vld [tilespmem:$0x100];
	[tilespmem:$0x40] =	vst v2;
	v2 =	vadd.s32 v0, v7  }
0x5f: {  	[tilespmem:$0x80] =	vst v2;
	v2 =	vadd.s32 v0, v3;
	v3 =	vld [tilespmem:$0x110]  }
0x60: {  	v33 =	vld [tilespmem:$0x120];
	[tilespmem:$0x90] =	vst v2;
	v2 =	vadd.s32 v0, v29  }
0x61: {  	v34 =	vld [tilespmem:$0x130];
	[tilespmem:$0xA0] =	vst v2;
	v2 =	vadd.s32 v0, v30  }
0x62: {  	v35 =	vld [tilespmem:$0x140];
	[tilespmem:$0xB0] =	vst v2;
	v2 =	vadd.s32 v0, v31  }
0x63: {  	v36 =	vld [tilespmem:$0x180];
	[tilespmem:$0xC0] =	vst v2;
	v2 =	vadd.s32 v0, v32  }
0x64: {  	[tilespmem:$0x100] =	vst v2;
	v2 =	vadd.s32 v0, v3;
	v3 =	vld [tilespmem:$0x190]  }
0x65: {  	v37 =	vld [tilespmem:$0x1A0];
	[tilespmem:$0x110] =	vst v2;
	v2 =	vadd.s32 v0, v33  }
0x66: {  	v38 =	vld [tilespmem:$0x1B0];
	[tilespmem:$0x120] =	vst v2;
	v2 =	vadd.s32 v0, v34  }
0x67: {  	v39 =	vld [tilespmem:$0x1C0];
	[tilespmem:$0x130] =	vst v2;
	v2 =	vadd.s32 v0, v35  }
0x68: {  	v40 =	vld [tilespmem:$0x200];
	[tilespmem:$0x140] =	vst v2;
	v2 =	vadd.s32 v0, v36  }
0x69: {  	[tilespmem:$0x180] =	vst v2;
	v2 =	vadd.s32 v0, v3;
	v3 =	vld [tilespmem:$0x210]  }
0x6a: {  	v41 =	vld [tilespmem:$0x220];
	[tilespmem:$0x190] =	vst v2;
	v2 =	vadd.s32 v0, v37  }
0x6b: {  	v42 =	vld [tilespmem:$0x230];
	[tilespmem:$0x1A0] =	vst v2;
	v2 =	vadd.s32 v0, v38  }
0x6c: {  	v43 =	vld [tilespmem:$0x240];
	[tilespmem:$0x1B0] =	vst v2;
	v2 =	vadd.s32 v0, v39  }
0x6d: {  	v44 =	vld [tilespmem:$0x280];
	[tilespmem:$0x1C0] =	vst v2;
	v2 =	vadd.s32 v0, v40  }
0x6e: {  	[tilespmem:$0x200] =	vst v2;
	v2 =	vadd.s32 v0, v3;
	v3 =	vld [tilespmem:$0x290]  }
0x6f: {  	v45 =	vld [tilespmem:$0x2A0];
	[tilespmem:$0x210] =	vst v2;
	v2 =	vadd.s32 v0, v41  }
0x70: {  	v46 =	vld [tilespmem:$0x2B0];
	[tilespmem:$0x220] =	vst v2;
	v2 =	vadd.s32 v0, v42  }
0x71: {  	v47 =	vld [tilespmem:$0x2C0];
	[tilespmem:$0x230] =	vst v2;
	v2 =	vadd.s32 v0, v43  }
0x72: {  	v48 =	vld [tilespmem:$0x300];
	[tilespmem:$0x240] =	vst v2;
	v2 =	vadd.s32 v0, v44  }
0x73: {  	[tilespmem:$0x280] =	vst v2;
	v2 =	vadd.s32 v0, v3;
	v3 =	vld [tilespmem:$0x310]  }
0x74: {  	v49 =	vld [tilespmem:$0x320];
	[tilespmem:$0x290] =	vst v2;
	v2 =	vadd.s32 v0, v45  }
0x75: {  	v50 =	vld [tilespmem:$0x330];
	[tilespmem:$0x2A0] =	vst v2;
	v2 =	vadd.s32 v0, v46  }
0x76: {  	v51 =	vld [tilespmem:$0x340];
	[tilespmem:$0x2B0] =	vst v2;
	v2 =	vadd.s32 v0, v47  }
0x77: {  	v52 =	vld [tilespmem:$0x380];
	[tilespmem:$0x2C0] =	vst v2;
	v2 =	vadd.s32 v0, v48  }
0x78: {  	[tilespmem:$0x300] =	vst v2;
	v2 =	vadd.s32 v0, v3;
	v3 =	vld [tilespmem:$0x390]  }
0x79: {  	v53 =	vld [tilespmem:$0x3A0];
	[tilespmem:$0x310] =	vst v2;
	v2 =	vadd.s32 v0, v49  }
0x7a: {  	v54 =	vld [tilespmem:$0x3B0];
	[tilespmem:$0x320] =	vst v2;
	v2 =	vadd.s32 v0, v50  }
0x7b: {  	v55 =	vld [tilespmem:$0x3C0];
	[tilespmem:$0x330] =	vst v2;
	v2 =	vadd.s32 v0, v51  }
0x7c: {  	v56 =	vld [tilespmem:$0x400];
	[tilespmem:$0x340] =	vst v2;
	v2 =	vadd.s32 v0, v52  }
0x7d: {  	[tilespmem:$0x380] =	vst v2;
	v2 =	vadd.s32 v0, v3;
	v3 =	vld [tilespmem:$0x410]  }
0x7e: {  	v57 =	vld [tilespmem:$0x420];
	[tilespmem:$0x390] =	vst v2;
	v2 =	vadd.s32 v0, v53  }
0x7f: {  	v58 =	vld [tilespmem:$0x430];
	[tilespmem:$0x3A0] =	vst v2;
	v2 =	vadd.s32 v0, v54  }
0x80: {  	v59 =	vld [tilespmem:$0x440];
	[tilespmem:$0x3B0] =	vst v2;
	v2 =	vadd.s32 v0, v55  }
0x81: {  	v60 =	vld [tilespmem:$0x480];
	[tilespmem:$0x3C0] =	vst v2;
	v2 =	vadd.s32 v0, v56  }
0x82: {  	[tilespmem:$0x400] =	vst v2;
	v2 =	vadd.s32 v0, v3;
	v3 =	vld [tilespmem:$0x490]  }
0x83: {  	v61 =	vld [tilespmem:$0x4A0];
	[tilespmem:$0x410] =	vst v2;
	v2 =	vadd.s32 v0, v57  }
0x84: {  	v62 =	vld [tilespmem:$0x4B0];
	[tilespmem:$0x420] =	vst v2;
	v2 =	vadd.s32 v0, v58  }
0x85: {  	v63 =	vld [tilespmem:$0x4C0];
	[tilespmem:$0x430] =	vst v2;
	v2 =	vadd.s32 v0, v59  }
0x86: {  	[tilespmem:$0x440] =	vst v2;
	v2 =	vadd.s32 v0, v60  }
0x87: {  	[tilespmem:$0x480] =	vst v2;
	v2 =	vadd.s32 v0, v3  }
0x88: {  	[tilespmem:$0x490] =	vst v2;
	v2 =	vadd.s32 v0, v61  }
0x89: {  	[tilespmem:$0x4A0] =	vst v2;
	v2 =	vadd.s32 v0, v62  }
0x8a: {  	[tilespmem:$0x4B0] =	vst v2;
	v2 =	vadd.s32 v0, v63  }
0x8b: {  	[tilespmem:$0x4C0] =	vst v2  }
0x8c: {  	[tilespmem:s23], [sflag:$0x1] =	stream.indirect.gather [hbm4b:s4+s26], $0x80, s3, s26, $0xb8;
	[tilespmem:$0x1A000] =	vst v63  }
0x8d: {  	_ =	swait.ge [sflag:s24], $0x2800  }
0x8e: {  	[sflag:s24] =	ssyncset.done $0x0  }
0x8f: {  	[sflag:s24] =	ssyncadd.s32 $0xFFFFD800  }
0x90: {  	[spmem:s2] =	stream.indirect.scatter.add.f32 [tilespmem:s23], [sflag:$0x1], $0x80, s25, s26, $0xb8;
	[tilespmem:$0x1A000] =	vst v63  }
0x91: {  	_ =	swait.ge [sflag:s24], $0x2800  }
0x92: {  	[sflag:s24] =	ssyncset.done $0x0  }
0x93: {  	s0 =	simm.s32 $0x80;
	[sflag:s24] =	ssyncadd.s32 $0xFFFFD800  }
0x94: {  	[tilespmem:s23], [sflag:$0x1] =	stream.indirect.gather [hbm4b:s4+s26], $0x80, s0, s26, $0xb8;
	[tilespmem:$0x1A000] =	vst v63  }
0x95: {  	_ =	swait.ge [sflag:s24], $0x2800  }
0x96: {  	[sflag:s24] =	ssyncset.done $0x0  }
0x97: {  	[sflag:s24] =	ssyncadd.s32 $0xFFFFD800  }
0x98: {  	[spmem:s2] =	stream.indirect.scatter.add.f32 [tilespmem:s23], [sflag:$0x1], $0x80, s18, s26, $0xb8;
	[tilespmem:$0x1A000] =	vst v63  }
0x99: {  	_ =	swait.ge [sflag:s24], $0x2800  }
0x9a: {  	[sflag:s24] =	ssyncset.done $0x0  }
0x9b: {  	[sflag:s24] =	ssyncadd.s32 $0xFFFFD800  }
0x9c: {  	[tilespmem:s23], [sflag:$0x1] =	stream.indirect.gather [hbm4b:s4+s26], $0x80, s31, s26, $0xb8;
	[tilespmem:$0x1A000] =	vst v63  }
0x9d: {  	_ =	swait.ge [sflag:s24], $0x2800  }
0x9e: {  	[sflag:s24] =	ssyncset.done $0x0  }
0x9f: {  	[sflag:s24] =	ssyncadd.s32 $0xFFFFD800  }
0xa0: {  	[spmem:s2] =	stream.indirect.scatter.add.f32 [tilespmem:s23], [sflag:$0x1], $0x80, s21, s26, $0xb8;
	[tilespmem:$0x1A000] =	vst v63  }
0xa1: {  	_ =	swait.ge [sflag:s24], $0x2800  }
0xa2: {  	[sflag:s24] =	ssyncset.done $0x0  }
0xa3: {  	[sflag:s24] =	ssyncadd.s32 $0xFFFFD800  }
0xa4: {  	[tilespmem:s23], [sflag:$0x1] =	stream.indirect.gather [hbm4b:s4+s26], $0x80, s20, s26, $0xb8;
	[tilespmem:$0x1A000] =	vst v63  }
0xa5: {  	_ =	swait.ge [sflag:s24], $0x2800  }
0xa6: {  	[sflag:s24] =	ssyncset.done $0x0  }
0xa7: {  	[sflag:s24] =	ssyncadd.s32 $0xFFFFD800  }
0xa8: {  	[spmem:s2] =	stream.indirect.scatter.add.f32 [tilespmem:s23], [sflag:$0x1], $0x80, s10, s26, $0xb8;
	[tilespmem:$0x1A000] =	vst v63  }
0xa9: {  	_ =	swait.ge [sflag:s24], $0x2800  }
0xaa: {  	[sflag:s24] =	ssyncset.done $0x0  }
0xab: {  	[sflag:s24] =	ssyncadd.s32 $0xFFFFD800  }
0xac: {  	[tilespmem:s23], [sflag:$0x1] =	stream.indirect.gather [hbm4b:s4+s26], $0x80, s11, s26, $0xb8;
	[tilespmem:$0x1A000] =	vst v63  }
0xad: {  	_ =	swait.ge [sflag:s24], $0x2800  }
0xae: {  	[sflag:s24] =	ssyncset.done $0x0  }
0xaf: {  	[sflag:s24] =	ssyncadd.s32 $0xFFFFD800  }
0xb0: {  	[spmem:s2] =	stream.indirect.scatter.add.f32 [tilespmem:s23], [sflag:$0x1], $0x80, s12, s26, $0xb8;
	[tilespmem:$0x1A000] =	vst v63  }
0xb1: {  	_ =	swait.ge [sflag:s24], $0x2800  }
0xb2: {  	[sflag:s24] =	ssyncset.done $0x0  }
0xb3: {  	[sflag:s24] =	ssyncadd.s32 $0xFFFFD800  }
0xb4: {  	[tilespmem:s23], [sflag:$0x1] =	stream.indirect.gather [hbm4b:s4+s26], $0x80, s13, s26, $0xb8;
	[tilespmem:$0x1A000] =	vst v63  }
0xb5: {  	_ =	swait.ge [sflag:s24], $0x2800  }
0xb6: {  	[sflag:s24] =	ssyncset.done $0x0  }
0xb7: {  	[sflag:s24] =	ssyncadd.s32 $0xFFFFD800  }
0xb8: {  	[spmem:s2] =	stream.indirect.scatter.add.f32 [tilespmem:s23], [sflag:$0x1], $0x80, s14, s26, $0xb8;
	[tilespmem:$0x1A000] =	vst v63  }
0xb9: {  	_ =	swait.ge [sflag:s24], $0x2800  }
0xba: {  	[sflag:s24] =	ssyncset.done $0x0  }
0xbb: {  	[sflag:s24] =	ssyncadd.s32 $0xFFFFD800  }
0xbc: {  	[tilespmem:s23], [sflag:$0x1] =	stream.indirect.gather [hbm4b:s4+s26], $0x80, s15, s26, $0xb8;
	[tilespmem:$0x1A000] =	vst v63  }
0xbd: {  	_ =	swait.ge [sflag:s24], $0x2800  }
0xbe: {  	[sflag:s24] =	ssyncset.done $0x0  }
0xbf: {  	[sflag:s24] =	ssyncadd.s32 $0xFFFFD800  }
0xc0: {  	[spmem:s2] =	stream.indirect.scatter.add.f32 [tilespmem:s23], [sflag:$0x1], $0x80, s16, s26, $0xb8;
	[tilespmem:$0x1A000] =	vst v63  }
0xc1: {  	_ =	swait.ge [sflag:s24], $0x2800  }
0xc2: {  	[sflag:s24] =	ssyncset.done $0x0  }
0xc3: {  	[sflag:s24] =	ssyncadd.s32 $0xFFFFD800  }
0xc4: {  	[tilespmem:s23], [sflag:$0x1] =	stream.indirect.gather [hbm4b:s4+s26], $0x80, s9, s26, $0xb8;
	[tilespmem:$0x1A000] =	vst v63  }
0xc5: {  	_ =	swait.ge [sflag:s24], $0x2800  }
0xc6: {  	[sflag:s24] =	ssyncset.done $0x0  }
0xc7: {  	[sflag:s24] =	ssyncadd.s32 $0xFFFFD800  }
0xc8: {  	[spmem:s2] =	stream.indirect.scatter.add.f32 [tilespmem:s23], [sflag:$0x1], $0x80, s28, s26, $0xb8;
	[tilespmem:$0x1A000] =	vst v63  }
0xc9: {  	_ =	swait.ge [sflag:s24], $0x2800  }
0xca: {  	[sflag:s24] =	ssyncset.done $0x0  }
0xcb: {  	[sflag:s24] =	ssyncadd.s32 $0xFFFFD800  }
0xcc: {  	[tilespmem:s23], [sflag:$0x1] =	stream.indirect.gather [hbm4b:s4+s26], $0x80, s6, s26, $0xb8;
	[tilespmem:$0x1A000] =	vst v63  }
0xcd: {  	_ =	swait.ge [sflag:s24], $0x2800  }
0xce: {  	[sflag:s24] =	ssyncset.done $0x0  }
0xcf: {  	[sflag:s24] =	ssyncadd.s32 $0xFFFFD800  }
0xd0: {  	[spmem:s2] =	stream.indirect.scatter.add.f32 [tilespmem:s23], [sflag:$0x1], $0x80, s7, s26, $0xb8;
	[tilespmem:$0x1A000] =	vst v63  }
0xd1: {  	_ =	swait.ge [sflag:s24], $0x2800  }
0xd2: {  	[sflag:s24] =	ssyncset.done $0x0  }
0xd3: {  	[sflag:s24] =	ssyncadd.s32 $0xFFFFD800  }
0xd4: {  	[tilespmem:s23], [sflag:$0x1] =	stream.indirect.gather [hbm4b:s4+s26], $0x80, s17, s26, $0xb8;
	[tilespmem:$0x1A000] =	vst v63  }
0xd5: {  	_ =	swait.ge [sflag:s24], $0x2800  }
0xd6: {  	p0 =	sne.s32 s30, $0x1800;
	[sflag:s24] =	ssyncset.done $0x0  }
.Ltmp1:
0xd7: {  	[sflag:s24] =	ssyncadd.s32 $0xFFFFD800;
	(pc) =	sbr.rel @p0 .LBB2_4-.Ltmp1, $4  }
0xd8: {  	[spmem:s2] =	stream.indirect.scatter.add.f32 [tilespmem:s23], [sflag:$0x1], $0x80, s22, s26, $0xb8;
	[tilespmem:$0x1A000] =	vst v63  }
0xd9: {  	_ =	swait.ge [sflag:s24], $0x2800  }
0xda: {  	[sflag:s24] =	ssyncset.done $0x0  }
0xdb: {  	s30 =	sadd.s32 $0x100, s30;
	[sflag:s24] =	ssyncadd.s32 $0xFFFFD800  }
0xdc: {  	s0 =	stileid.u32;
	[bflag:$0x0] =	sbarrier.arrive $0xFFFF  }
0xdd: {  	s0 =	sshll.u32 s0, $0x6;
	s9 =	rddreg [dreg:$0x4]  }
0xde: {  	s31 =	rddreg [dreg:$0xc];
	s11 =	sor.u32 $0x1C01, s0;
	s13 =	sshrl.u32 s9, $0x3  }
0xdf: {  	[hbm:s31], [sflag:s11] =	dma.local [spmem:s13], $0x2800  }
0xe0: {  	_ =	swait.ge [sflag:s24], $0x2800  }
0xe1: {  	s6 =	rddreg [dreg:$0xf]  }
0xe2: {  	s1 =	simm.s32 $0x200;
	[sflag:s24] =	ssyncset.done $0x0;
	s7 =	rddreg [dreg:$0x10]  }
0xe3: {  	s0 =	simm.s32 $0x0;
	s12 =	rddreg [dreg:$0x11];
	[sflag:s24] =	ssyncadd.s32 $0xFFFFD800  }
.LBB2_6:
0xe4: {  	p0 =	sne.s32 s1, $0x9E00;
	[tilespmem:s0+$0x3870] =	vst v1  }
0xe5: {  	[tilespmem:s0+$0x3800] =	vst v1  }
0xe6: {  	[tilespmem:s0+$0x3810] =	vst v1  }
.Ltmp2:
0xe7: {  	[tilespmem:s0+$0x3820] =	vst v1;
	(pc) =	sbr.rel @p0 .LBB2_6-.Ltmp2, $4  }
0xe8: {  	[tilespmem:s0+$0x3830] =	vst v1  }
0xe9: {  	[tilespmem:s0+$0x3840] =	vst v1  }
0xea: {  	[tilespmem:s0+$0x3850] =	vst v1  }
0xeb: {  	[tilespmem:s0+$0x3860] =	vst v1;
	s0 =	sshra.s32 s1, $0x2;
	s1 =	sadd.s32 $0x200, s1  }
0xec: {  	[tilespmem:s0+$0x3870] =	vst v1  }
0xed: {  	[tilespmem:s0+$0x3800] =	vst v1  }
0xee: {  	[tilespmem:s0+$0x3810] =	vst v1  }
0xef: {  	[tilespmem:s0+$0x3820] =	vst v1  }
0xf0: {  	[tilespmem:s0+$0x3830] =	vst v1  }
0xf1: {  	[tilespmem:s0+$0x3840] =	vst v1  }
0xf2: {  	[tilespmem:s0+$0x3850] =	vst v1  }
0xf3: {  	[tilespmem:s0+$0x3860] =	vst v1  }
0xf4: {  	[spmem:s9] =	stream.linear.scatter [tilespmem:s23], [sflag:$0x1], $0x2800, $0x38;
	[tilespmem:$0x1A000] =	vst v63  }
0xf5: {  	_ =	swait.ge [sflag:s24], $0x2800  }
0xf6: {  	[sflag:s24] =	ssyncset.done $0x0  }
0xf7: {  	s10 =	rddreg [dreg:$0x5];
	[sflag:s24] =	ssyncadd.s32 $0xFFFFD800  }
0xf8: {  	[spmem:s10] =	stream.linear.scatter [tilespmem:s23], [sflag:$0x1], $0x2800, $0x38;
	[tilespmem:$0x1A000] =	vst v63  }
0xf9: {  	_ =	swait.ge [sflag:s24], $0x2800  }
0xfa: {  	[sflag:s24] =	ssyncset.done $0x0  }
0xfb: {  	s14 =	rddreg [dreg:$0x6];
	[sflag:s24] =	ssyncadd.s32 $0xFFFFD800  }
0xfc: {  	[spmem:s14] =	stream.linear.scatter [tilespmem:s23], [sflag:$0x1], $0x2800, $0x38;
	[tilespmem:$0x1A000] =	vst v63  }
0xfd: {  	_ =	swait.ge [sflag:s24], $0x2800  }
0xfe: {  	[sflag:s24] =	ssyncset.done $0x0  }
0xff: {  	s15 =	rddreg [dreg:$0x7];
	[sflag:s24] =	ssyncadd.s32 $0xFFFFD800  }
0x100: {  	[spmem:s15] =	stream.linear.scatter [tilespmem:s23], [sflag:$0x1], $0x2800, $0x38;
	[tilespmem:$0x1A000] =	vst v63  }
0x101: {  	_ =	swait.ge [sflag:s24], $0x2800  }
0x102: {  	[sflag:s24] =	ssyncset.done $0x0  }
0x103: {  	s16 =	rddreg [dreg:$0x8];
	[sflag:s24] =	ssyncadd.s32 $0xFFFFD800  }
0x104: {  	[spmem:s16] =	stream.linear.scatter [tilespmem:s23], [sflag:$0x1], $0x2800, $0x38;
	[tilespmem:$0x1A000] =	vst v63  }
0x105: {  	_ =	swait.ge [sflag:s24], $0x2800  }
0x106: {  	[sflag:s24] =	ssyncset.done $0x0  }
0x107: {  	s18 =	rddreg [dreg:$0x9];
	[sflag:s24] =	ssyncadd.s32 $0xFFFFD800  }
0x108: {  	[spmem:s18] =	stream.linear.scatter [tilespmem:s23], [sflag:$0x1], $0x2800, $0x38;
	[tilespmem:$0x1A000] =	vst v63  }
0x109: {  	_ =	swait.ge [sflag:s24], $0x2800  }
0x10a: {  	[sflag:s24] =	ssyncset.done $0x0  }
0x10b: {  	s20 =	rddreg [dreg:$0xa];
	[sflag:s24] =	ssyncadd.s32 $0xFFFFD800  }
0x10c: {  	[spmem:s20] =	stream.linear.scatter [tilespmem:s23], [sflag:$0x1], $0x2800, $0x38;
	[tilespmem:$0x1A000] =	vst v63  }
0x10d: {  	_ =	swait.ge [sflag:s24], $0x2800  }
0x10e: {  	[sflag:s24] =	ssyncset.done $0x0  }
0x10f: {  	s21 =	rddreg [dreg:$0xb];
	[sflag:s24] =	ssyncadd.s32 $0xFFFFD800  }
0x110: {  	[spmem:s21] =	stream.linear.scatter [tilespmem:s23], [sflag:$0x1], $0x2800, $0x38;
	[tilespmem:$0x1A000] =	vst v63  }
0x111: {  	_ =	swait.ge [sflag:s24], $0x2800  }
0x112: {  	[sflag:s24] =	ssyncset.done $0x0  }
0x113: {  	[sflag:s24] =	ssyncadd.s32 $0xFFFFD800  }
0x114: {  	s30 =	simm.s32 $0x0;
	s31 =	simm.s32 $0x0;
	[bflag:$0x0] =	sbarrier.arrive $0xFFFF  }
.LBB2_8:
0x115: {  	s0 =	sshll.u32 s31, $0xB  }
0x116: {  	s0 =	sadd.s32 s12, s0  }
0x117: {  	s0 =	sshrl.u32 s0, $0x3  }
0x118: {  	s1 =	sadd.s32 s6, s0  }
0x119: {  	[tilespmem:s30], [sflag:$0x1] =	stream.linear.gather [hbm4b:s1+s30], $0x500, $0x38;
	[tilespmem:$0x1A000] =	vst v63  }
0x11a: {  	_ =	swait.ge [sflag:s24], $0x500  }
0x11b: {  	[sflag:s24] =	ssyncset.done $0x0  }
0x11c: {  	s0 =	sadd.s32 s7, s0;
	[sflag:s24] =	ssyncadd.s32 $0xFFFFFB00  }
0x11d: {  	[tilespmem:s25], [sflag:$0x1] =	stream.linear.gather [hbm4b:s0+s30], $0x500, $0x38;
	[tilespmem:$0x1A000] =	vst v63  }
0x11e: {  	_ =	swait.ge [sflag:s24], $0x500  }
0x11f: {  	[sflag:s24] =	ssyncset.done $0x0  }
0x120: {  	[sflag:s24] =	ssyncadd.s32 $0xFFFFFB00  }
0x121: {  	v2 =	vld [tilespmem:$0x0]  }
0x122: {  	v3 =	vld [tilespmem:$0x10]  }
0x123: {  	v4 =	vld [tilespmem:$0x20]  }
0x124: {  	v5 =	vld [tilespmem:$0x30]  }
0x125: {  	v6 =	vld [tilespmem:$0x40]  }
0x126: {  	v7 =	vld [tilespmem:$0x80];
	v2 =	vadd.s32 v0, v2  }
0x127: {  	[tilespmem:$0x0] =	vst v2;
	v2 =	vadd.s32 v0, v3;
	v3 =	vld [tilespmem:$0x90]  }
0x128: {  	v29 =	vld [tilespmem:$0xA0];
	[tilespmem:$0x10] =	vst v2;
	v2 =	vadd.s32 v0, v4  }
0x129: {  	v30 =	vld [tilespmem:$0xB0];
	[tilespmem:$0x20] =	vst v2;
	v2 =	vadd.s32 v0, v5  }
0x12a: {  	v31 =	vld [tilespmem:$0xC0];
	[tilespmem:$0x30] =	vst v2;
	v2 =	vadd.s32 v0, v6  }
0x12b: {  	v32 =	vld [tilespmem:$0x100];
	[tilespmem:$0x40] =	vst v2;
	v2 =	vadd.s32 v0, v7  }
0x12c: {  	[tilespmem:$0x80] =	vst v2;
	v2 =	vadd.s32 v0, v3;
	v3 =	vld [tilespmem:$0x110]  }
0x12d: {  	v33 =	vld [tilespmem:$0x120];
	[tilespmem:$0x90] =	vst v2;
	v2 =	vadd.s32 v0, v29  }
0x12e: {  	v34 =	vld [tilespmem:$0x130];
	[tilespmem:$0xA0] =	vst v2;
	v2 =	vadd.s32 v0, v30  }
0x12f: {  	v35 =	vld [tilespmem:$0x140];
	[tilespmem:$0xB0] =	vst v2;
	v2 =	vadd.s32 v0, v31  }
0x130: {  	v36 =	vld [tilespmem:$0x180];
	[tilespmem:$0xC0] =	vst v2;
	v2 =	vadd.s32 v0, v32  }
0x131: {  	[tilespmem:$0x100] =	vst v2;
	v2 =	vadd.s32 v0, v3;
	v3 =	vld [tilespmem:$0x190]  }
0x132: {  	v37 =	vld [tilespmem:$0x1A0];
	[tilespmem:$0x110] =	vst v2;
	v2 =	vadd.s32 v0, v33  }
0x133: {  	v38 =	vld [tilespmem:$0x1B0];
	[tilespmem:$0x120] =	vst v2;
	v2 =	vadd.s32 v0, v34  }
0x134: {  	v39 =	vld [tilespmem:$0x1C0];
	[tilespmem:$0x130] =	vst v2;
	v2 =	vadd.s32 v0, v35  }
0x135: {  	v40 =	vld [tilespmem:$0x200];
	[tilespmem:$0x140] =	vst v2;
	v2 =	vadd.s32 v0, v36  }
0x136: {  	[tilespmem:$0x180] =	vst v2;
	v2 =	vadd.s32 v0, v3;
	v3 =	vld [tilespmem:$0x210]  }
0x137: {  	v41 =	vld [tilespmem:$0x220];
	[tilespmem:$0x190] =	vst v2;
	v2 =	vadd.s32 v0, v37  }
0x138: {  	v42 =	vld [tilespmem:$0x230];
	[tilespmem:$0x1A0] =	vst v2;
	v2 =	vadd.s32 v0, v38  }
0x139: {  	v43 =	vld [tilespmem:$0x240];
	[tilespmem:$0x1B0] =	vst v2;
	v2 =	vadd.s32 v0, v39  }
0x13a: {  	v44 =	vld [tilespmem:$0x280];
	[tilespmem:$0x1C0] =	vst v2;
	v2 =	vadd.s32 v0, v40  }
0x13b: {  	[tilespmem:$0x200] =	vst v2;
	v2 =	vadd.s32 v0, v3;
	v3 =	vld [tilespmem:$0x290]  }
0x13c: {  	v45 =	vld [tilespmem:$0x2A0];
	[tilespmem:$0x210] =	vst v2;
	v2 =	vadd.s32 v0, v41  }
0x13d: {  	v46 =	vld [tilespmem:$0x2B0];
	[tilespmem:$0x220] =	vst v2;
	v2 =	vadd.s32 v0, v42  }
0x13e: {  	v47 =	vld [tilespmem:$0x2C0];
	[tilespmem:$0x230] =	vst v2;
	v2 =	vadd.s32 v0, v43  }
0x13f: {  	v48 =	vld [tilespmem:$0x300];
	[tilespmem:$0x240] =	vst v2;
	v2 =	vadd.s32 v0, v44  }
0x140: {  	[tilespmem:$0x280] =	vst v2;
	v2 =	vadd.s32 v0, v3;
	v3 =	vld [tilespmem:$0x310]  }
0x141: {  	v49 =	vld [tilespmem:$0x320];
	[tilespmem:$0x290] =	vst v2;
	v2 =	vadd.s32 v0, v45  }
0x142: {  	v50 =	vld [tilespmem:$0x330];
	[tilespmem:$0x2A0] =	vst v2;
	v2 =	vadd.s32 v0, v46  }
0x143: {  	v51 =	vld [tilespmem:$0x340];
	[tilespmem:$0x2B0] =	vst v2;
	v2 =	vadd.s32 v0, v47  }
0x144: {  	v52 =	vld [tilespmem:$0x380];
	[tilespmem:$0x2C0] =	vst v2;
	v2 =	vadd.s32 v0, v48  }
0x145: {  	[tilespmem:$0x300] =	vst v2;
	v2 =	vadd.s32 v0, v3;
	v3 =	vld [tilespmem:$0x390]  }
0x146: {  	v53 =	vld [tilespmem:$0x3A0];
	[tilespmem:$0x310] =	vst v2;
	v2 =	vadd.s32 v0, v49  }
0x147: {  	v54 =	vld [tilespmem:$0x3B0];
	[tilespmem:$0x320] =	vst v2;
	v2 =	vadd.s32 v0, v50  }
0x148: {  	v55 =	vld [tilespmem:$0x3C0];
	[tilespmem:$0x330] =	vst v2;
	v2 =	vadd.s32 v0, v51  }
0x149: {  	v56 =	vld [tilespmem:$0x400];
	[tilespmem:$0x340] =	vst v2;
	v2 =	vadd.s32 v0, v52  }
0x14a: {  	[tilespmem:$0x380] =	vst v2;
	v2 =	vadd.s32 v0, v3;
	v3 =	vld [tilespmem:$0x410]  }
0x14b: {  	v57 =	vld [tilespmem:$0x420];
	[tilespmem:$0x390] =	vst v2;
	v2 =	vadd.s32 v0, v53  }
0x14c: {  	v58 =	vld [tilespmem:$0x430];
	[tilespmem:$0x3A0] =	vst v2;
	v2 =	vadd.s32 v0, v54  }
0x14d: {  	v59 =	vld [tilespmem:$0x440];
	[tilespmem:$0x3B0] =	vst v2;
	v2 =	vadd.s32 v0, v55  }
0x14e: {  	v60 =	vld [tilespmem:$0x480];
	[tilespmem:$0x3C0] =	vst v2;
	v2 =	vadd.s32 v0, v56  }
0x14f: {  	[tilespmem:$0x400] =	vst v2;
	v2 =	vadd.s32 v0, v3;
	v3 =	vld [tilespmem:$0x490]  }
0x150: {  	v61 =	vld [tilespmem:$0x4A0];
	[tilespmem:$0x410] =	vst v2;
	v2 =	vadd.s32 v0, v57  }
0x151: {  	v62 =	vld [tilespmem:$0x4B0];
	[tilespmem:$0x420] =	vst v2;
	v2 =	vadd.s32 v0, v58  }
0x152: {  	v63 =	vld [tilespmem:$0x4C0];
	[tilespmem:$0x430] =	vst v2;
	v2 =	vadd.s32 v0, v59  }
0x153: {  	[tilespmem:$0x440] =	vst v2;
	v2 =	vadd.s32 v0, v60  }
0x154: {  	[tilespmem:$0x480] =	vst v2;
	v2 =	vadd.s32 v0, v3  }
0x155: {  	[tilespmem:$0x490] =	vst v2;
	v2 =	vadd.s32 v0, v61  }
0x156: {  	[tilespmem:$0x4A0] =	vst v2;
	v2 =	vadd.s32 v0, v62  }
0x157: {  	[tilespmem:$0x4B0] =	vst v2;
	v2 =	vadd.s32 v0, v63  }
0x158: {  	s1 =	simm.s32 $0x0;
	s0 =	smul.u32 $0xA, s31;
	[tilespmem:$0x4C0] =	vst v2  }
.LBB2_9:
0x159: {  	_ = 	snop  }
0x15a: {  	s20 =	sadd.s32 s0, s1  }
0x15b: {  	s18 =	sshll.u32 s1, $0x7;
	s20 =	smul.u32 $0x2800, s20  }
0x15c: {  	[tilespmem:s23], [sflag:$0x1] =	stream.indirect.gather [hbm4b:s5+s26], $0x80, s18, s26, $0xb8;
	[tilespmem:$0x1A000] =	vst v63  }
0x15d: {  	_ =	swait.ge [sflag:s24], $0x2800;
	s20 =	sadd.s32 s19, s20  }
0x15e: {  	[sflag:s24] =	ssyncset.done $0x0;
	s20 =	sshrl.u32 s20, $0x3  }
0x15f: {  	s21 =	simm.s32 $0x0;
	[sflag:s24] =	ssyncadd.s32 $0xFFFFD800;
	s20 =	sadd.s32 s8, s20  }
0x160: {  	[tilespmem:s29], [sflag:$0x1] =	stream.linear.gather [hbm4b:s20+s21], $0x2800, $0x38;
	[tilespmem:$0x1A000] =	vst v63  }
0x161: {  	_ =	swait.ge [sflag:s24], $0x2800  }
0x162: {  	[sflag:s24] =	ssyncset.done $0x0  }
0x163: {  	s20 =	simm.s32 $0x0;
	[sflag:s24] =	ssyncadd.s32 $0xFFFFD800  }
0x164: {  	v2 =	vld [tilespmem:s20+$0x1000]  }
0x165: {  	v6 =	vld [tilespmem:s20+$0x3800]  }
0x166: {  	v8 =	vld [tilespmem:s20+$0x3810]  }
0x167: {  	v7 =	vld [tilespmem:s20+$0x3820]  }
0x168: {  	v5 =	vld [tilespmem:s20+$0x3830]  }
0x169: {  	v3 =	vld [tilespmem:s20+$0x3840]  }
0x16a: {  	v4 =	vld [tilespmem:s20+$0x3850];
	v9 =	vmul.f32 v6, v2  }
0x16b: {  	s21 =	simm.s32 $0x200;
	v8 =	vmul.f32 v8, v2;
	v6 =	vld [tilespmem:s20+$0x3860]  }
.LBB2_10:
0x16c: {  	s10 =	sshra.s32 s21, $0x2;
	p0 =	sne.s32 s21, $0x9E00;
	[tilespmem:s20+$0x3800] =	vst v9;
	v7 =	vmul.f32 v7, v2;
	v9 =	vld [tilespmem:s20+$0x3870]  }
0x16d: {  	v10 =	vld [tilespmem:s10+$0x1000];
	[tilespmem:s20+$0x3810] =	vst v8;
	v5 =	vmul.f32 v5, v2  }
0x16e: {  	v8 =	vld [tilespmem:s10+$0x3800];
	[tilespmem:s20+$0x3820] =	vst v7;
	v3 =	vmul.f32 v3, v2  }
0x16f: {  	v11 =	vld [tilespmem:s10+$0x3810];
	[tilespmem:s20+$0x3830] =	vst v5;
	v4 =	vmul.f32 v4, v2  }
.Ltmp3:
0x170: {  	v7 =	vld [tilespmem:s10+$0x3820];
	[tilespmem:s20+$0x3840] =	vst v3;
	v6 =	vmul.f32 v6, v2;
	(pc) =	sbr.rel @p0 .LBB2_10-.Ltmp3, $4  }
0x171: {  	v5 =	vld [tilespmem:s10+$0x3830];
	[tilespmem:s20+$0x3850] =	vst v4;
	v12 =	vmul.f32 v9, v2  }
0x172: {  	v3 =	vld [tilespmem:s10+$0x3840];
	[tilespmem:s20+$0x3860] =	vst v6;
	v2 =	vmov v10  }
0x173: {  	v9 =	vmul.f32 v8, v2;
	v4 =	vld [tilespmem:s10+$0x3850];
	[tilespmem:s20+$0x3870] =	vst v12;
	s20 =	smov.u32 s10  }
0x174: {  	s21 =	sadd.s32 $0x200, s21;
	v8 =	vmul.f32 v11, v2;
	v6 =	vld [tilespmem:s20+$0x3860]  }
0x175: {  	[tilespmem:s20+$0x3800] =	vst v9;
	v7 =	vmul.f32 v7, v2;
	v63 =	vld [tilespmem:s20+$0x3870]  }
0x176: {  	[tilespmem:s20+$0x3810] =	vst v8;
	v5 =	vmul.f32 v5, v2  }
0x177: {  	[tilespmem:s20+$0x3820] =	vst v7;
	v3 =	vmul.f32 v3, v2  }
0x178: {  	[tilespmem:s20+$0x3830] =	vst v5;
	v4 =	vmul.f32 v4, v2  }
0x179: {  	[tilespmem:s20+$0x3840] =	vst v3;
	v3 =	vmul.f32 v6, v2  }
0x17a: {  	s1 =	sadd.s32 $0x1, s1;
	[tilespmem:s20+$0x3850] =	vst v4;
	v2 =	vmul.f32 v63, v2  }
0x17b: {  	p0 =	sne.s32 s1, $0xA;
	[tilespmem:s20+$0x3860] =	vst v3  }
.Ltmp4:
0x17c: {  	s10 =	sadd.s32 $0x800, s18;
	[tilespmem:s20+$0x3870] =	vst v2;
	(pc) =	sbr.rel @p0 .LBB2_9-.Ltmp4, $4  }
0x17d: {  	[spmem:s2] =	stream.indirect.scatter.add.f32 [tilespmem:s23], [sflag:$0x1], $0x80, s10, s26, $0xb8;
	[tilespmem:$0x1A000] =	vst v63  }
0x17e: {  	_ =	swait.ge [sflag:s24], $0x2800  }
0x17f: {  	[sflag:s24] =	ssyncset.done $0x0  }
0x180: {  	[sflag:s24] =	ssyncadd.s32 $0xFFFFD800  }
0x181: {  	s31 =	sadd.s32 $0x1, s31  }
0x182: {  	p0 =	sne.s32 s31, $0x19  }
.Ltmp5:
0x183: {  	_ = 	snop;
	(pc) =	sbr.rel @p0 .LBB2_8-.Ltmp5, $1  }
0x184: {  	_ =	sdelay $0x3  }
0x185: {  	[bflag:$0x0] =	sbarrier.arrive $0xFFFF  }
0x186: {  	s0 =	rddreg [dreg:$0xd]  }
0x187: {  	[hbm:s0], [sflag:s11] =	dma.local [spmem:s13], $0x2800  }
0x188: {  	_ =	swait.ge [sflag:s24], $0x2800  }
0x189: {  	s1 =	rddreg [dreg:$0x13]  }
0x18a: {  	s31 =	rddreg [dreg:$0xe];
	s1 =	sadd.s32 $0x1, s1  }
0x18b: {  	p0 =	sne.s32 s1, s31  }
.Ltmp6:
0x18c: {  	_ = 	snop;
	(pc) =	sbr.rel @p0 .LBB2_1-.Ltmp6, $4  }
0x18d: {  	s16 =	rddreg [dreg:$0x4]  }
0x18e: {  	s15 =	rddreg [dreg:$0x5]  }
0x18f: {  	[sflag:s24] =	ssyncset.done $0x0;
	s14 =	rddreg [dreg:$0x6]  }
0x190: {  	s10 =	rddreg [dreg:$0x7];
	[sflag:s24] =	ssyncadd.s32 $0xFFFFD800  }
0x191: {  	_ =	sfence.sel $0x180000  }
0x192: {  	[bflag:$0x0] =	sbarrier.arrive $0xFFFF  }
0x193: {  	_ =	strace $0x9000004A  }
0x194: {  	s0 =	stileid.u32;
	[bflag:$0x2] =	sbarrier.arrive $0xFFFF  }
0x195: {  	p0 =	sne.s32 s0, $0x0;
	s0 =	rddreg [dreg:$0x2]  }
0x196: {  	s0 =	sadd.s32 @!p0 $0x100000, s0  }
0x197: {  	[sflag:s0] =	ssyncadd.tile.s32 @!p0 $0x1;
	_ =	shalt  }
.Lfunc_end2:
_tile_overlayer_lowered:
.L_overlay_start_2:
0x198: {  	(tag) =	ssettag $0x2  }
0x199: {  	s0 =	rddreg [dreg:$0x0];
	s2 =	stileid.u32  }
0x19a: {  	s1 =	rddreg [dreg:$0x1];
	p0 =	sne.s32 s2, $0x0  }
0x19b: {  	s3 =	rddreg [dreg:$0x2];
	[bflag:$0x3] =	sbarrier.arrive $0xFFFF;
	s2 =	simm.s32 @!p0 $0x1C01  }
0x19c: {  	[timem:s3], [sflag:s2] =	dma.local @!p0 [hbm:s0], s1  }
0x19d: {  	s0 =	simm.s32 @!p0 $0x1  }
0x19e: {  	_ =	swait.ge @!p0 [sflag:s0], s1  }
0x19f: {  	s1 =	ssub.s32 @!p0 $0x0, s1;
	[sflag:s0] =	ssyncset.done @!p0 $0x0  }
0x1a0: {  	[sflag:s0] =	ssyncadd.s32 @!p0 s1  }
0x1a1: {  	[bflag:$0x3] =	sbarrier.arrive $0xFFFF  }
0x1a2: {  	_ =	shalt  }

</sc_bundles>
